<compile_context>
chip_gen: v7x
topology: tpu7x:2x2x1
jax: 0.10.2.dev20260603
libtpu: 0.0.44.dev20260713+nightly
codegen_flags: <defaults>
</compile_context>

<pallas_src>
import functools

import jax
import jax.numpy as jnp
from jax import lax
from jax.experimental import pallas as pl
from jax.experimental.pallas import tpu as pltpu
from jax.experimental.pallas import tpu_sc as plsc

D = 32
NC = 2
NS = 16
NW = NC * NS
SUB = 512
TQ = 4


@jax.jit
def _gather_native(xp, weight):
    n_sub = xp.shape[0] // SUB
    per_w = n_sub // NW
    n_pairs = per_w // 2
    mesh = plsc.VectorSubcoreMesh(core_axis_name="c", subcore_axis_name="s")

    @functools.partial(
        pl.kernel,
        mesh=mesh,
        out_type=jax.ShapeDtypeStruct((200, 4, 128, 8, 128), jnp.float32),
        scratch_types=[
            pltpu.VMEM((2, SUB), jnp.int32),
            pltpu.VMEM((2, SUB, D), jnp.float32),
            pltpu.VMEM((2, 4, 4, 8, 128), jnp.float32),
            [pltpu.SemaphoreType.DMA] * 2,
            [pltpu.SemaphoreType.DMA] * 2,
            [pltpu.SemaphoreType.DMA] * 2,
        ],
        compiler_params=pltpu.CompilerParams(
            use_tc_tiling_on_sc=False, needs_layout_passes=False
        ),
    )
    def k(xp_hbm, table_hbm, out_hbm, idx_v, rows_v, dst_v, sem_i, sem_g, sem_o):
        wid = lax.axis_index("s") * NC + lax.axis_index("c")
        m0 = wid * per_w
        iota16 = lax.iota(jnp.int32, 16)

        def idx_start(n, b):
            pltpu.async_copy(
                xp_hbm.at[pl.ds((m0 + n) * SUB, SUB)], idx_v.at[b], sem_i[b]
            )

        def idx_wait(b):
            pltpu.make_async_copy(
                xp_hbm.at[pl.ds(0, SUB)], idx_v.at[b], sem_i[b]
            ).wait()

        def gather_start(b):
            pltpu.async_copy(table_hbm.at[idx_v.at[b]], rows_v.at[b], sem_g[b])

        def gather_wait(b):
            pltpu.make_async_copy(
                table_hbm.at[idx_v.at[b]], rows_v.at[b], sem_g[b]
            ).wait()

        def transpose(b):
            rows = rows_v.at[b]

            def dbody(d0, carry):
                cidx = (d0 + iota16) & (D - 1)
                dtrv = cidx >> 3
                ddrv = cidx & 7
                vs = []
                for g in range(32):
                    ridx = iota16 + g * 16
                    vs.append(plsc.load_gather(rows, [ridx, cidx]))
                for g in range(32):
                    plsc.store_scatter(
                        dst_v.at[b],
                        [dtrv, jnp.full((16,), g // 8, jnp.int32), ddrv,
                         iota16 + (g % 8) * 16],
                        vs[g],
                    )
                return carry

            lax.fori_loop(0, D, dbody, 0)

        def out_start(n, b):
            m = m0 + n
            t = m // 32
            btc0 = (m % 32) * 4
            pltpu.async_copy(
                dst_v.at[b],
                out_hbm.at[t, :, pl.ds(btc0, 4)],
                sem_o[b],
            )

        def out_wait(b):
            pltpu.make_async_copy(
                dst_v.at[b], out_hbm.at[0, :, pl.ds(0, 4)], sem_o[b]
            ).wait()

        idx_start(0, 0)
        idx_start(1, 1)
        idx_wait(0)
        gather_start(0)

        def pair(p, carry):
            for nb in range(2):
                n = 2 * p + nb
                other = 1 - nb

                gather_wait(nb)

                @pl.when(n + 2 < per_w)
                def _():
                    idx_start(n + 2, nb)

                @pl.when(n + 1 < per_w)
                def _():
                    idx_wait(other)
                    gather_start(other)

                @pl.when(n >= 2)
                def _():
                    out_wait(nb)

                transpose(nb)
                out_start(n, nb)
            return carry

        lax.fori_loop(0, n_pairs, pair, 0)

        out_wait(0)
        out_wait(1)

    return k(xp, weight)


def kernel(x, weight):
    rows, cols = x.shape
    xp = x.astype(jnp.int32).transpose(1, 0).reshape(rows * cols)
    out5 = _gather_native(xp, weight)
    return out5.transpose(2, 4, 0, 1, 3).reshape(rows, cols, D)

# --- scband reference (transcript-rebuilt; emitter-appended) ---
"""Pipeline reference for scband-embedding-83296595739267 (READ-ONLY COPY).

The authoritative reference and input builder live on the scoring server;
editing this copy changes nothing except your own understanding.
"""

import jax, jax.numpy as jnp
import numpy as np

NUM_EMBEDDINGS = 1000000
EMBEDDING_DIM = 32
PADDING_IDX = 0

def setup_inputs(seed: int = 0) -> dict:
    key = jax.random.key(seed)
    k_idx, k_w = jax.random.split(key)
    x = jax.random.randint(k_idx, (16384, 200), 0, NUM_EMBEDDINGS, dtype=jnp.int64 if jax.config.jax_enable_x64 else jnp.int32)
    weight = jax.random.normal(k_w, (NUM_EMBEDDINGS, EMBEDDING_DIM), dtype=jnp.float32) * (EMBEDDING_DIM ** -0.5)
    weight = weight.at[PADDING_IDX].set(0.0)
    return {"x": x, "weight": weight}

def reference(x, weight):
    # Faithful to nn.Embedding(num_embeddings, embedding_dim, padding_idx=0):
    # padding row is zeroed at init; forward is a pure gather.
    return jnp.take(weight, x, axis=0)

if __name__ == "__main__":
    import jax
    _d = setup_inputs()
    print(jax.jit(kernel)(*tuple(_d.values())))

</pallas_src>

<mosaic_0001>
#map = affine_map<(d0, d1) -> (0)>
#map1 = affine_map<(d0, d1) -> (0, 0)>
#map2 = affine_map<(d0, d1) -> (0, 0, 0, 0, 0)>
module attributes {stable_mosaic.version = 14 : i64} {
  func.func @k(%arg0: i32, %arg1: i32, %arg2: memref<3276800xi32, #tpu.memory_space<hbm>>, %arg3: memref<1000000x32xf32, #tpu.memory_space<hbm>>, %arg4: memref<200x4x128x8x128xf32, #tpu.memory_space<hbm>>, %arg5: memref<2x512xi32, #tpu.memory_space<vmem>>, %arg6: memref<2x512x32xf32, #tpu.memory_space<vmem>>, %arg7: memref<2x4x4x8x128xf32, #tpu.memory_space<vmem>>, %arg8: memref<!tpu.dma_semaphore, #tpu.memory_space<semaphore_mem>>, %arg9: memref<!tpu.dma_semaphore, #tpu.memory_space<semaphore_mem>>, %arg10: memref<!tpu.dma_semaphore, #tpu.memory_space<semaphore_mem>>, %arg11: memref<!tpu.dma_semaphore, #tpu.memory_space<semaphore_mem>>, %arg12: memref<!tpu.dma_semaphore, #tpu.memory_space<semaphore_mem>>, %arg13: memref<!tpu.dma_semaphore, #tpu.memory_space<semaphore_mem>>) attributes {dimension_semantics = [#tpu.dimension_semantics<core_parallel>, #tpu.dimension_semantics<subcore_parallel>], iteration_bounds = array<i64: 2, 16>, scalar_prefetch = 0 : i64, scratch_operands = 9 : i64, tpu.core_type = #tpu.core_type<sc_vector_subcore>, window_params = [{transform_indices = #map}, {transform_indices = #map1}, {transform_indices = #map2}]} {
    %mul3A = arith.constant 2 : i32
    %mul3A_0 = arith.muli %arg1, %mul3A : i32
    %add3A = arith.addi %mul3A_0, %arg0 : i32
    %mul3A_1 = arith.constant 200 : i32
    %mul3A_2 = arith.muli %add3A, %mul3A_1 : i32
    %iota3A = tpu.iota {dimensions = array<i32: 0>} : vector<16xi32>
    %add3A_3 = arith.constant 0 : i32
    %add3A_4 = arith.addi %mul3A_2, %add3A_3 : i32
    %mul3A_5 = arith.constant 512 : i32
    %mul3A_6 = arith.muli %add3A_4, %mul3A_5 : i32
    %dma_start3A = arith.constant 0 : i32
    %dma_start3A_7 = arith.constant 0 : i32
    %dma_start3A_8 = tpu.memref_slice %arg5[%dma_start3A, %dma_start3A_7] : memref<2x512xi32, #tpu.memory_space<vmem>> -> memref<1x512xi32, #tpu.memory_space<vmem>>
    %dma_start3A_9 = tpu.memref_squeeze %dma_start3A_8 : memref<1x512xi32, #tpu.memory_space<vmem>> -> memref<512xi32, #tpu.memory_space<vmem>>
    %dma_start3A_10 = tpu.memref_slice %arg2[%mul3A_6] : memref<3276800xi32, #tpu.memory_space<hbm>> -> memref<512xi32, #tpu.memory_space<hbm>>
    %dma_start3A_11 = arith.constant 0 : i32
    %dma_start3A_12 = tpu.memref_slice %arg5[%dma_start3A, %dma_start3A_11] : memref<2x512xi32, #tpu.memory_space<vmem>> -> memref<1x512xi32, #tpu.memory_space<vmem>>
    %dma_start3A_13 = tpu.memref_squeeze %dma_start3A_12 : memref<1x512xi32, #tpu.memory_space<vmem>> -> memref<512xi32, #tpu.memory_space<vmem>>
    %dma_start3A_14 = tpu.memref_slice %arg2[%mul3A_6] : memref<3276800xi32, #tpu.memory_space<hbm>> -> memref<512xi32, #tpu.memory_space<hbm>>
    tpu.enqueue_dma source(%dma_start3A_14 : memref<512xi32, #tpu.memory_space<hbm>>) target(%dma_start3A_13 : memref<512xi32, #tpu.memory_space<vmem>>) target_semaphore(%arg8 : memref<!tpu.dma_semaphore, #tpu.memory_space<semaphore_mem>>)
    %add3A_15 = arith.constant 1 : i32
    %add3A_16 = arith.addi %mul3A_2, %add3A_15 : i32
    %mul3A_17 = arith.constant 512 : i32
    %mul3A_18 = arith.muli %add3A_16, %mul3A_17 : i32
    %dma_start3A_19 = arith.constant 1 : i32
    %dma_start3A_20 = arith.constant 0 : i32
    %dma_start3A_21 = tpu.memref_slice %arg5[%dma_start3A_19, %dma_start3A_20] : memref<2x512xi32, #tpu.memory_space<vmem>> -> memref<1x512xi32, #tpu.memory_space<vmem>>
    %dma_start3A_22 = tpu.memref_squeeze %dma_start3A_21 : memref<1x512xi32, #tpu.memory_space<vmem>> -> memref<512xi32, #tpu.memory_space<vmem>>
    %dma_start3A_23 = tpu.memref_slice %arg2[%mul3A_18] : memref<3276800xi32, #tpu.memory_space<hbm>> -> memref<512xi32, #tpu.memory_space<hbm>>
    %dma_start3A_24 = arith.constant 0 : i32
    %dma_start3A_25 = tpu.memref_slice %arg5[%dma_start3A_19, %dma_start3A_24] : memref<2x512xi32, #tpu.memory_space<vmem>> -> memref<1x512xi32, #tpu.memory_space<vmem>>
    %dma_start3A_26 = tpu.memref_squeeze %dma_start3A_25 : memref<1x512xi32, #tpu.memory_space<vmem>> -> memref<512xi32, #tpu.memory_space<vmem>>
    %dma_start3A_27 = tpu.memref_slice %arg2[%mul3A_18] : memref<3276800xi32, #tpu.memory_space<hbm>> -> memref<512xi32, #tpu.memory_space<hbm>>
    tpu.enqueue_dma source(%dma_start3A_27 : memref<512xi32, #tpu.memory_space<hbm>>) target(%dma_start3A_26 : memref<512xi32, #tpu.memory_space<vmem>>) target_semaphore(%arg9 : memref<!tpu.dma_semaphore, #tpu.memory_space<semaphore_mem>>)
    %dma_wait3A = arith.constant 0 : i32
    %dma_wait3A_28 = arith.constant 0 : i32
    %dma_wait3A_29 = tpu.memref_slice %arg5[%dma_wait3A, %dma_wait3A_28] : memref<2x512xi32, #tpu.memory_space<vmem>> -> memref<1x512xi32, #tpu.memory_space<vmem>>
    %dma_wait3A_30 = tpu.memref_squeeze %dma_wait3A_29 : memref<1x512xi32, #tpu.memory_space<vmem>> -> memref<512xi32, #tpu.memory_space<vmem>>
    %dma_wait3A_31 = arith.constant 0 : i32
    %dma_wait3A_32 = tpu.memref_slice %arg2[%dma_wait3A_31] : memref<3276800xi32, #tpu.memory_space<hbm>> -> memref<512xi32, #tpu.memory_space<hbm>>
    %dma_wait3A_33 = arith.constant 0 : i32
    %dma_wait3A_34 = tpu.memref_slice %arg5[%dma_wait3A, %dma_wait3A_33] : memref<2x512xi32, #tpu.memory_space<vmem>> -> memref<1x512xi32, #tpu.memory_space<vmem>>
    %dma_wait3A_35 = tpu.memref_squeeze %dma_wait3A_34 : memref<1x512xi32, #tpu.memory_space<vmem>> -> memref<512xi32, #tpu.memory_space<vmem>>
    %dma_wait3A_36 = arith.constant 0 : i32
    %dma_wait3A_37 = tpu.memref_slice %arg2[%dma_wait3A_36] : memref<3276800xi32, #tpu.memory_space<hbm>> -> memref<512xi32, #tpu.memory_space<hbm>>
    tpu.wait_dma2 semaphore(%arg8 : memref<!tpu.dma_semaphore, #tpu.memory_space<semaphore_mem>>) src(%dma_wait3A_37 : memref<512xi32, #tpu.memory_space<hbm>>) dst(%dma_wait3A_35 : memref<512xi32, #tpu.memory_space<vmem>>)
    %dma_start3A_38 = arith.constant 0 : i32
    %dma_start3A_39 = arith.constant 0 : i32
    %dma_start3A_40 = arith.constant 0 : i32
    %dma_start3A_41 = arith.constant 0 : i32
    %dma_start3A_42 = tpu.memref_slice %arg6[%dma_start3A_39, %dma_start3A_40, %dma_start3A_41] : memref<2x512x32xf32, #tpu.memory_space<vmem>> -> memref<1x512x32xf32, #tpu.memory_space<vmem>>
    %dma_start3A_43 = tpu.memref_squeeze %dma_start3A_42 : memref<1x512x32xf32, #tpu.memory_space<vmem>> -> memref<512x32xf32, #tpu.memory_space<vmem>>
    %dma_start3A_44 = arith.constant 0 : i32
    %dma_start3A_45 = tpu.memref_slice %arg5[%dma_start3A_38, %dma_start3A_44] : memref<2x512xi32, #tpu.memory_space<vmem>> -> memref<1x512xi32, #tpu.memory_space<vmem>>
    %dma_start3A_46 = tpu.memref_squeeze %dma_start3A_45 : memref<1x512xi32, #tpu.memory_space<vmem>> -> memref<512xi32, #tpu.memory_space<vmem>>
    %dma_start3A_47 = arith.constant 0 : i32
    %dma_start3A_48 = arith.constant 0 : i32
    %dma_start3A_49 = tpu.memref_slice %arg3[%dma_start3A_47, %dma_start3A_48] : memref<1000000x32xf32, #tpu.memory_space<hbm>> -> memref<1000000x32xf32, #tpu.memory_space<hbm>>
    tpu.enqueue_indirect_dma source(%dma_start3A_49 : memref<1000000x32xf32, #tpu.memory_space<hbm>>) target(%dma_start3A_43 : memref<512x32xf32, #tpu.memory_space<vmem>>) offsets(%dma_start3A_46 : memref<512xi32, #tpu.memory_space<vmem>>) semaphore(%arg10 : memref<!tpu.dma_semaphore, #tpu.memory_space<semaphore_mem>>)
    %scan3A = arith.constant 0 : i32
    %scan3A_50 = arith.constant 0 : i32
    %scan3A_51 = arith.constant 100 : i32
    %scan3A_52 = arith.addi %scan3A_50, %scan3A_51 : i32
    %scan3A_53 = arith.constant 1 : i32
    scf.for %scan3A_107 = %scan3A_50 to %scan3A_52 step %scan3A_53  : i32 {
      %mul3A_108 = arith.constant 2 : i32
      %mul3A_109 = arith.muli %mul3A_108, %scan3A_107 : i32
      %add3A_110 = arith.constant 0 : i32
      %add3A_111 = arith.addi %mul3A_109, %add3A_110 : i32
      %dma_wait3A_112 = arith.constant 0 : i32
      %dma_wait3A_113 = arith.constant 0 : i32
      %dma_wait3A_114 = arith.constant 0 : i32
      %dma_wait3A_115 = arith.constant 0 : i32
      %dma_wait3A_116 = tpu.memref_slice %arg6[%dma_wait3A_113, %dma_wait3A_114, %dma_wait3A_115] : memref<2x512x32xf32, #tpu.memory_space<vmem>> -> memref<1x512x32xf32, #tpu.memory_space<vmem>>
      %dma_wait3A_117 = tpu.memref_squeeze %dma_wait3A_116 : memref<1x512x32xf32, #tpu.memory_space<vmem>> -> memref<512x32xf32, #tpu.memory_space<vmem>>
      %dma_wait3A_118 = arith.constant 0 : i32
      %dma_wait3A_119 = tpu.memref_slice %arg5[%dma_wait3A_112, %dma_wait3A_118] : memref<2x512xi32, #tpu.memory_space<vmem>> -> memref<1x512xi32, #tpu.memory_space<vmem>>
      %dma_wait3A_120 = tpu.memref_squeeze %dma_wait3A_119 : memref<1x512xi32, #tpu.memory_space<vmem>> -> memref<512xi32, #tpu.memory_space<vmem>>
      %dma_wait3A_121 = arith.constant 0 : i32
      %dma_wait3A_122 = arith.constant 0 : i32
      %dma_wait3A_123 = tpu.memref_slice %arg3[%dma_wait3A_121, %dma_wait3A_122] : memref<1000000x32xf32, #tpu.memory_space<hbm>> -> memref<1000000x32xf32, #tpu.memory_space<hbm>>
      tpu.wait_indirect_dma semaphore(%arg10 : memref<!tpu.dma_semaphore, #tpu.memory_space<semaphore_mem>>) src(%dma_wait3A_123 : memref<1000000x32xf32, #tpu.memory_space<hbm>>) dst(%dma_wait3A_117 : memref<512x32xf32, #tpu.memory_space<vmem>>)
      %add3A_124 = arith.constant 2 : i32
      %add3A_125 = arith.addi %add3A_111, %add3A_124 : i32
      %lt3A = arith.constant 200 : i32
      %lt3A_126 = arith.cmpi slt, %add3A_125, %lt3A : i32
      %convert_element_type3A = arith.extui %lt3A_126 : i1 to i32
      %cond3A = arith.constant 0 : i32
      %cond3A_127 = arith.cmpi ne, %convert_element_type3A, %cond3A : i32
      scf.if %cond3A_127 {
        %add3A_311 = arith.constant 2 : i32
        %add3A_312 = arith.addi %add3A_111, %add3A_311 : i32
        %add3A_313 = arith.addi %mul3A_2, %add3A_312 : i32
        %mul3A_314 = arith.constant 512 : i32
        %mul3A_315 = arith.muli %add3A_313, %mul3A_314 : i32
        %dma_start3A_316 = arith.constant 0 : i32
        %dma_start3A_317 = arith.constant 0 : i32
        %dma_start3A_318 = tpu.memref_slice %arg5[%dma_start3A_316, %dma_start3A_317] : memref<2x512xi32, #tpu.memory_space<vmem>> -> memref<1x512xi32, #tpu.memory_space<vmem>>
        %dma_start3A_319 = tpu.memref_squeeze %dma_start3A_318 : memref<1x512xi32, #tpu.memory_space<vmem>> -> memref<512xi32, #tpu.memory_space<vmem>>
        %dma_start3A_320 = tpu.memref_slice %arg2[%mul3A_315] : memref<3276800xi32, #tpu.memory_space<hbm>> -> memref<512xi32, #tpu.memory_space<hbm>>
        %dma_start3A_321 = arith.constant 0 : i32
        %dma_start3A_322 = tpu.memref_slice %arg5[%dma_start3A_316, %dma_start3A_321] : memref<2x512xi32, #tpu.memory_space<vmem>> -> memref<1x512xi32, #tpu.memory_space<vmem>>
        %dma_start3A_323 = tpu.memref_squeeze %dma_start3A_322 : memref<1x512xi32, #tpu.memory_space<vmem>> -> memref<512xi32, #tpu.memory_space<vmem>>
        %dma_start3A_324 = tpu.memref_slice %arg2[%mul3A_315] : memref<3276800xi32, #tpu.memory_space<hbm>> -> memref<512xi32, #tpu.memory_space<hbm>>
        tpu.enqueue_dma source(%dma_start3A_324 : memref<512xi32, #tpu.memory_space<hbm>>) target(%dma_start3A_323 : memref<512xi32, #tpu.memory_space<vmem>>) target_semaphore(%arg8 : memref<!tpu.dma_semaphore, #tpu.memory_space<semaphore_mem>>)
      } else {
      }
      %add3A_128 = arith.constant 1 : i32
      %add3A_129 = arith.addi %add3A_111, %add3A_128 : i32
      %lt3A_130 = arith.constant 200 : i32
      %lt3A_131 = arith.cmpi slt, %add3A_129, %lt3A_130 : i32
      %convert_element_type3A_132 = arith.extui %lt3A_131 : i1 to i32
      %cond3A_133 = arith.constant 0 : i32
      %cond3A_134 = arith.cmpi ne, %convert_element_type3A_132, %cond3A_133 : i32
      scf.if %cond3A_134 {
        %dma_wait3A_311 = arith.constant 1 : i32
        %dma_wait3A_312 = arith.constant 0 : i32
        %dma_wait3A_313 = tpu.memref_slice %arg5[%dma_wait3A_311, %dma_wait3A_312] : memref<2x512xi32, #tpu.memory_space<vmem>> -> memref<1x512xi32, #tpu.memory_space<vmem>>
        %dma_wait3A_314 = tpu.memref_squeeze %dma_wait3A_313 : memref<1x512xi32, #tpu.memory_space<vmem>> -> memref<512xi32, #tpu.memory_space<vmem>>
        %dma_wait3A_315 = arith.constant 0 : i32
        %dma_wait3A_316 = tpu.memref_slice %arg2[%dma_wait3A_315] : memref<3276800xi32, #tpu.memory_space<hbm>> -> memref<512xi32, #tpu.memory_space<hbm>>
        %dma_wait3A_317 = arith.constant 0 : i32
        %dma_wait3A_318 = tpu.memref_slice %arg5[%dma_wait3A_311, %dma_wait3A_317] : memref<2x512xi32, #tpu.memory_space<vmem>> -> memref<1x512xi32, #tpu.memory_space<vmem>>
        %dma_wait3A_319 = tpu.memref_squeeze %dma_wait3A_318 : memref<1x512xi32, #tpu.memory_space<vmem>> -> memref<512xi32, #tpu.memory_space<vmem>>
        %dma_wait3A_320 = arith.constant 0 : i32
        %dma_wait3A_321 = tpu.memref_slice %arg2[%dma_wait3A_320] : memref<3276800xi32, #tpu.memory_space<hbm>> -> memref<512xi32, #tpu.memory_space<hbm>>
        tpu.wait_dma2 semaphore(%arg9 : memref<!tpu.dma_semaphore, #tpu.memory_space<semaphore_mem>>) src(%dma_wait3A_321 : memref<512xi32, #tpu.memory_space<hbm>>) dst(%dma_wait3A_319 : memref<512xi32, #tpu.memory_space<vmem>>)
        %dma_start3A_322 = arith.constant 1 : i32
        %dma_start3A_323 = arith.constant 1 : i32
        %dma_start3A_324 = arith.constant 0 : i32
        %dma_start3A_325 = arith.constant 0 : i32
        %dma_start3A_326 = tpu.memref_slice %arg6[%dma_start3A_323, %dma_start3A_324, %dma_start3A_325] : memref<2x512x32xf32, #tpu.memory_space<vmem>> -> memref<1x512x32xf32, #tpu.memory_space<vmem>>
        %dma_start3A_327 = tpu.memref_squeeze %dma_start3A_326 : memref<1x512x32xf32, #tpu.memory_space<vmem>> -> memref<512x32xf32, #tpu.memory_space<vmem>>
        %dma_start3A_328 = arith.constant 0 : i32
        %dma_start3A_329 = tpu.memref_slice %arg5[%dma_start3A_322, %dma_start3A_328] : memref<2x512xi32, #tpu.memory_space<vmem>> -> memref<1x512xi32, #tpu.memory_space<vmem>>
        %dma_start3A_330 = tpu.memref_squeeze %dma_start3A_329 : memref<1x512xi32, #tpu.memory_space<vmem>> -> memref<512xi32, #tpu.memory_space<vmem>>
        %dma_start3A_331 = arith.constant 0 : i32
        %dma_start3A_332 = arith.constant 0 : i32
        %dma_start3A_333 = tpu.memref_slice %arg3[%dma_start3A_331, %dma_start3A_332] : memref<1000000x32xf32, #tpu.memory_space<hbm>> -> memref<1000000x32xf32, #tpu.memory_space<hbm>>
        tpu.enqueue_indirect_dma source(%dma_start3A_333 : memref<1000000x32xf32, #tpu.memory_space<hbm>>) target(%dma_start3A_327 : memref<512x32xf32, #tpu.memory_space<vmem>>) offsets(%dma_start3A_330 : memref<512xi32, #tpu.memory_space<vmem>>) semaphore(%arg11 : memref<!tpu.dma_semaphore, #tpu.memory_space<semaphore_mem>>)
      } else {
      }
      %ge3A = arith.constant 2 : i32
      %ge3A_135 = arith.cmpi sge, %add3A_111, %ge3A : i32
      %convert_element_type3A_136 = arith.extui %ge3A_135 : i1 to i32
      %cond3A_137 = arith.constant 0 : i32
      %cond3A_138 = arith.cmpi ne, %convert_element_type3A_136, %cond3A_137 : i32
      scf.if %cond3A_138 {
        %dma_wait3A_311 = arith.constant 0 : i32
        %dma_wait3A_312 = arith.constant 0 : i32
        %dma_wait3A_313 = arith.constant 0 : i32
        %dma_wait3A_314 = arith.constant 0 : i32
        %dma_wait3A_315 = arith.constant 0 : i32
        %dma_wait3A_316 = arith.constant 0 : i32
        %dma_wait3A_317 = tpu.memref_slice %arg7[%dma_wait3A_311, %dma_wait3A_313, %dma_wait3A_314, %dma_wait3A_315, %dma_wait3A_316] : memref<2x4x4x8x128xf32, #tpu.memory_space<vmem>> -> memref<1x4x4x8x128xf32, #tpu.memory_space<vmem>>
        %dma_wait3A_318 = tpu.memref_squeeze %dma_wait3A_317 : memref<1x4x4x8x128xf32, #tpu.memory_space<vmem>> -> memref<4x4x8x128xf32, #tpu.memory_space<vmem>>
        %dma_wait3A_319 = arith.constant 0 : i32
        %dma_wait3A_320 = arith.constant 0 : i32
        %dma_wait3A_321 = arith.constant 0 : i32
        %dma_wait3A_322 = arith.constant 0 : i32
        %dma_wait3A_323 = tpu.memref_slice %arg4[%dma_wait3A_312, %dma_wait3A_319, %dma_wait3A_320, %dma_wait3A_321, %dma_wait3A_322] : memref<200x4x128x8x128xf32, #tpu.memory_space<hbm>> -> memref<1x4x4x8x128xf32, #tpu.memory_space<hbm>>
        %dma_wait3A_324 = tpu.memref_squeeze %dma_wait3A_323 : memref<1x4x4x8x128xf32, #tpu.memory_space<hbm>> -> memref<4x4x8x128xf32, #tpu.memory_space<hbm>>
        %dma_wait3A_325 = arith.constant 0 : i32
        %dma_wait3A_326 = arith.constant 0 : i32
        %dma_wait3A_327 = arith.constant 0 : i32
        %dma_wait3A_328 = arith.constant 0 : i32
        %dma_wait3A_329 = tpu.memref_slice %arg4[%dma_wait3A_312, %dma_wait3A_325, %dma_wait3A_326, %dma_wait3A_327, %dma_wait3A_328] : memref<200x4x128x8x128xf32, #tpu.memory_space<hbm>> -> memref<1x4x4x8x128xf32, #tpu.memory_space<hbm>>
        %dma_wait3A_330 = tpu.memref_squeeze %dma_wait3A_329 : memref<1x4x4x8x128xf32, #tpu.memory_space<hbm>> -> memref<4x4x8x128xf32, #tpu.memory_space<hbm>>
        %dma_wait3A_331 = arith.constant 0 : i32
        %dma_wait3A_332 = arith.constant 0 : i32
        %dma_wait3A_333 = arith.constant 0 : i32
        %dma_wait3A_334 = arith.constant 0 : i32
        %dma_wait3A_335 = tpu.memref_slice %arg7[%dma_wait3A_311, %dma_wait3A_331, %dma_wait3A_332, %dma_wait3A_333, %dma_wait3A_334] : memref<2x4x4x8x128xf32, #tpu.memory_space<vmem>> -> memref<1x4x4x8x128xf32, #tpu.memory_space<vmem>>
        %dma_wait3A_336 = tpu.memref_squeeze %dma_wait3A_335 : memref<1x4x4x8x128xf32, #tpu.memory_space<vmem>> -> memref<4x4x8x128xf32, #tpu.memory_space<vmem>>
        tpu.wait_dma2 semaphore(%arg12 : memref<!tpu.dma_semaphore, #tpu.memory_space<semaphore_mem>>) src(%dma_wait3A_336 : memref<4x4x8x128xf32, #tpu.memory_space<vmem>>) dst(%dma_wait3A_330 : memref<4x4x8x128xf32, #tpu.memory_space<hbm>>)
      } else {
      }
      %scan3A_139 = arith.constant 0 : i32
      %scan3A_140 = arith.constant 0 : i32
      %scan3A_141 = arith.constant 0 : i32
      %scan3A_142 = arith.constant 32 : i32
      %scan3A_143 = arith.addi %scan3A_141, %scan3A_142 : i32
      %scan3A_144 = arith.constant 1 : i32
      scf.for %scan3A_311 = %scan3A_141 to %scan3A_143 step %scan3A_144  : i32 {
        %add3A_312 = vector.broadcast %scan3A_311 : i32 to vector<16xi32>
        %add3A_313 = arith.addi %add3A_312, %iota3A : vector<16xi32>
        %and3A_314 = arith.constant 31 : i32
        %and3A_315 = vector.broadcast %and3A_314 : i32 to vector<16xi32>
        %and3A_316 = arith.andi %add3A_313, %and3A_315 : vector<16xi32>
        %shift_right_arithmetic3A = arith.constant 3 : i32
        %shift_right_arithmetic3A_317 = vector.broadcast %shift_right_arithmetic3A : i32 to vector<16xi32>
        %shift_right_arithmetic3A_318 = arith.shrsi %and3A_316, %shift_right_arithmetic3A_317 : vector<16xi32>
        %and3A_319 = arith.constant 7 : i32
        %and3A_320 = vector.broadcast %and3A_319 : i32 to vector<16xi32>
        %and3A_321 = arith.andi %and3A_316, %and3A_320 : vector<16xi32>
        %add3A_322 = arith.constant 0 : i32
        %add3A_323 = vector.broadcast %add3A_322 : i32 to vector<16xi32>
        %add3A_324 = arith.addi %iota3A, %add3A_323 : vector<16xi32>
        %gather3A = arith.constant 0 : i32
        %gather3A_325 = arith.constant 0 : i32
        %gather3A_326 = tpu.memref_slice %arg6[%scan3A_140, %gather3A, %gather3A_325] : memref<2x512x32xf32, #tpu.memory_space<vmem>> -> memref<1x512x32xf32, #tpu.memory_space<vmem>>
        %gather3A_327 = tpu.memref_squeeze %gather3A_326 : memref<1x512x32xf32, #tpu.memory_space<vmem>> -> memref<512x32xf32, #tpu.memory_space<vmem>>
        %gather3A_328 = tpu.vector_load_idx %gather3A_327[%add3A_324, %and3A_316] : memref<512x32xf32, #tpu.memory_space<vmem>>[vector<16xi32>, vector<16xi32>], vector<16xf32>,
        %add3A_329 = arith.constant 16 : i32
        %add3A_330 = vector.broadcast %add3A_329 : i32 to vector<16xi32>
        %add3A_331 = arith.addi %iota3A, %add3A_330 : vector<16xi32>
        %gather3A_332 = arith.constant 0 : i32
        %gather3A_333 = arith.constant 0 : i32
        %gather3A_334 = tpu.memref_slice %arg6[%scan3A_140, %gather3A_332, %gather3A_333] : memref<2x512x32xf32, #tpu.memory_space<vmem>> -> memref<1x512x32xf32, #tpu.memory_space<vmem>>
        %gather3A_335 = tpu.memref_squeeze %gather3A_334 : memref<1x512x32xf32, #tpu.memory_space<vmem>> -> memref<512x32xf32, #tpu.memory_space<vmem>>
        %gather3A_336 = tpu.vector_load_idx %gather3A_335[%add3A_331, %and3A_316] : memref<512x32xf32, #tpu.memory_space<vmem>>[vector<16xi32>, vector<16xi32>], vector<16xf32>,
        %add3A_337 = arith.constant 32 : i32
        %add3A_338 = vector.broadcast %add3A_337 : i32 to vector<16xi32>
        %add3A_339 = arith.addi %iota3A, %add3A_338 : vector<16xi32>
        %gather3A_340 = arith.constant 0 : i32
        %gather3A_341 = arith.constant 0 : i32
        %gather3A_342 = tpu.memref_slice %arg6[%scan3A_140, %gather3A_340, %gather3A_341] : memref<2x512x32xf32, #tpu.memory_space<vmem>> -> memref<1x512x32xf32, #tpu.memory_space<vmem>>
        %gather3A_343 = tpu.memref_squeeze %gather3A_342 : memref<1x512x32xf32, #tpu.memory_space<vmem>> -> memref<512x32xf32, #tpu.memory_space<vmem>>
        %gather3A_344 = tpu.vector_load_idx %gather3A_343[%add3A_339, %and3A_316] : memref<512x32xf32, #tpu.memory_space<vmem>>[vector<16xi32>, vector<16xi32>], vector<16xf32>,
        %add3A_345 = arith.constant 48 : i32
        %add3A_346 = vector.broadcast %add3A_345 : i32 to vector<16xi32>
        %add3A_347 = arith.addi %iota3A, %add3A_346 : vector<16xi32>
        %gather3A_348 = arith.constant 0 : i32
        %gather3A_349 = arith.constant 0 : i32
        %gather3A_350 = tpu.memref_slice %arg6[%scan3A_140, %gather3A_348, %gather3A_349] : memref<2x512x32xf32, #tpu.memory_space<vmem>> -> memref<1x512x32xf32, #tpu.memory_space<vmem>>
        %gather3A_351 = tpu.memref_squeeze %gather3A_350 : memref<1x512x32xf32, #tpu.memory_space<vmem>> -> memref<512x32xf32, #tpu.memory_space<vmem>>
        %gather3A_352 = tpu.vector_load_idx %gather3A_351[%add3A_347, %and3A_316] : memref<512x32xf32, #tpu.memory_space<vmem>>[vector<16xi32>, vector<16xi32>], vector<16xf32>,
        %add3A_353 = arith.constant 64 : i32
        %add3A_354 = vector.broadcast %add3A_353 : i32 to vector<16xi32>
        %add3A_355 = arith.addi %iota3A, %add3A_354 : vector<16xi32>
        %gather3A_356 = arith.constant 0 : i32
        %gather3A_357 = arith.constant 0 : i32
        %gather3A_358 = tpu.memref_slice %arg6[%scan3A_140, %gather3A_356, %gather3A_357] : memref<2x512x32xf32, #tpu.memory_space<vmem>> -> memref<1x512x32xf32, #tpu.memory_space<vmem>>
        %gather3A_359 = tpu.memref_squeeze %gather3A_358 : memref<1x512x32xf32, #tpu.memory_space<vmem>> -> memref<512x32xf32, #tpu.memory_space<vmem>>
        %gather3A_360 = tpu.vector_load_idx %gather3A_359[%add3A_355, %and3A_316] : memref<512x32xf32, #tpu.memory_space<vmem>>[vector<16xi32>, vector<16xi32>], vector<16xf32>,
        %add3A_361 = arith.constant 80 : i32
        %add3A_362 = vector.broadcast %add3A_361 : i32 to vector<16xi32>
        %add3A_363 = arith.addi %iota3A, %add3A_362 : vector<16xi32>
        %gather3A_364 = arith.constant 0 : i32
        %gather3A_365 = arith.constant 0 : i32
        %gather3A_366 = tpu.memref_slice %arg6[%scan3A_140, %gather3A_364, %gather3A_365] : memref<2x512x32xf32, #tpu.memory_space<vmem>> -> memref<1x512x32xf32, #tpu.memory_space<vmem>>
        %gather3A_367 = tpu.memref_squeeze %gather3A_366 : memref<1x512x32xf32, #tpu.memory_space<vmem>> -> memref<512x32xf32, #tpu.memory_space<vmem>>
        %gather3A_368 = tpu.vector_load_idx %gather3A_367[%add3A_363, %and3A_316] : memref<512x32xf32, #tpu.memory_space<vmem>>[vector<16xi32>, vector<16xi32>], vector<16xf32>,
        %add3A_369 = arith.constant 96 : i32
        %add3A_370 = vector.broadcast %add3A_369 : i32 to vector<16xi32>
        %add3A_371 = arith.addi %iota3A, %add3A_370 : vector<16xi32>
        %gather3A_372 = arith.constant 0 : i32
        %gather3A_373 = arith.constant 0 : i32
        %gather3A_374 = tpu.memref_slice %arg6[%scan3A_140, %gather3A_372, %gather3A_373] : memref<2x512x32xf32, #tpu.memory_space<vmem>> -> memref<1x512x32xf32, #tpu.memory_space<vmem>>
        %gather3A_375 = tpu.memref_squeeze %gather3A_374 : memref<1x512x32xf32, #tpu.memory_space<vmem>> -> memref<512x32xf32, #tpu.memory_space<vmem>>
        %gather3A_376 = tpu.vector_load_idx %gather3A_375[%add3A_371, %and3A_316] : memref<512x32xf32, #tpu.memory_space<vmem>>[vector<16xi32>, vector<16xi32>], vector<16xf32>,
        %add3A_377 = arith.constant 112 : i32
        %add3A_378 = vector.broadcast %add3A_377 : i32 to vector<16xi32>
        %add3A_379 = arith.addi %iota3A, %add3A_378 : vector<16xi32>
        %gather3A_380 = arith.constant 0 : i32
        %gather3A_381 = arith.constant 0 : i32
        %gather3A_382 = tpu.memref_slice %arg6[%scan3A_140, %gather3A_380, %gather3A_381] : memref<2x512x32xf32, #tpu.memory_space<vmem>> -> memref<1x512x32xf32, #tpu.memory_space<vmem>>
        %gather3A_383 = tpu.memref_squeeze %gather3A_382 : memref<1x512x32xf32, #tpu.memory_space<vmem>> -> memref<512x32xf32, #tpu.memory_space<vmem>>
        %gather3A_384 = tpu.vector_load_idx %gather3A_383[%add3A_379, %and3A_316] : memref<512x32xf32, #tpu.memory_space<vmem>>[vector<16xi32>, vector<16xi32>], vector<16xf32>,
        %add3A_385 = arith.constant 128 : i32
        %add3A_386 = vector.broadcast %add3A_385 : i32 to vector<16xi32>
        %add3A_387 = arith.addi %iota3A, %add3A_386 : vector<16xi32>
        %gather3A_388 = arith.constant 0 : i32
        %gather3A_389 = arith.constant 0 : i32
        %gather3A_390 = tpu.memref_slice %arg6[%scan3A_140, %gather3A_388, %gather3A_389] : memref<2x512x32xf32, #tpu.memory_space<vmem>> -> memref<1x512x32xf32, #tpu.memory_space<vmem>>
        %gather3A_391 = tpu.memref_squeeze %gather3A_390 : memref<1x512x32xf32, #tpu.memory_space<vmem>> -> memref<512x32xf32, #tpu.memory_space<vmem>>
        %gather3A_392 = tpu.vector_load_idx %gather3A_391[%add3A_387, %and3A_316] : memref<512x32xf32, #tpu.memory_space<vmem>>[vector<16xi32>, vector<16xi32>], vector<16xf32>,
        %add3A_393 = arith.constant 144 : i32
        %add3A_394 = vector.broadcast %add3A_393 : i32 to vector<16xi32>
        %add3A_395 = arith.addi %iota3A, %add3A_394 : vector<16xi32>
        %gather3A_396 = arith.constant 0 : i32
        %gather3A_397 = arith.constant 0 : i32
        %gather3A_398 = tpu.memref_slice %arg6[%scan3A_140, %gather3A_396, %gather3A_397] : memref<2x512x32xf32, #tpu.memory_space<vmem>> -> memref<1x512x32xf32, #tpu.memory_space<vmem>>
        %gather3A_399 = tpu.memref_squeeze %gather3A_398 : memref<1x512x32xf32, #tpu.memory_space<vmem>> -> memref<512x32xf32, #tpu.memory_space<vmem>>
        %gather3A_400 = tpu.vector_load_idx %gather3A_399[%add3A_395, %and3A_316] : memref<512x32xf32, #tpu.memory_space<vmem>>[vector<16xi32>, vector<16xi32>], vector<16xf32>,
        %add3A_401 = arith.constant 160 : i32
        %add3A_402 = vector.broadcast %add3A_401 : i32 to vector<16xi32>
        %add3A_403 = arith.addi %iota3A, %add3A_402 : vector<16xi32>
        %gather3A_404 = arith.constant 0 : i32
        %gather3A_405 = arith.constant 0 : i32
        %gather3A_406 = tpu.memref_slice %arg6[%scan3A_140, %gather3A_404, %gather3A_405] : memref<2x512x32xf32, #tpu.memory_space<vmem>> -> memref<1x512x32xf32, #tpu.memory_space<vmem>>
        %gather3A_407 = tpu.memref_squeeze %gather3A_406 : memref<1x512x32xf32, #tpu.memory_space<vmem>> -> memref<512x32xf32, #tpu.memory_space<vmem>>
        %gather3A_408 = tpu.vector_load_idx %gather3A_407[%add3A_403, %and3A_316] : memref<512x32xf32, #tpu.memory_space<vmem>>[vector<16xi32>, vector<16xi32>], vector<16xf32>,
        %add3A_409 = arith.constant 176 : i32
        %add3A_410 = vector.broadcast %add3A_409 : i32 to vector<16xi32>
        %add3A_411 = arith.addi %iota3A, %add3A_410 : vector<16xi32>
        %gather3A_412 = arith.constant 0 : i32
        %gather3A_413 = arith.constant 0 : i32
        %gather3A_414 = tpu.memref_slice %arg6[%scan3A_140, %gather3A_412, %gather3A_413] : memref<2x512x32xf32, #tpu.memory_space<vmem>> -> memref<1x512x32xf32, #tpu.memory_space<vmem>>
        %gather3A_415 = tpu.memref_squeeze %gather3A_414 : memref<1x512x32xf32, #tpu.memory_space<vmem>> -> memref<512x32xf32, #tpu.memory_space<vmem>>
        %gather3A_416 = tpu.vector_load_idx %gather3A_415[%add3A_411, %and3A_316] : memref<512x32xf32, #tpu.memory_space<vmem>>[vector<16xi32>, vector<16xi32>], vector<16xf32>,
        %add3A_417 = arith.constant 192 : i32
        %add3A_418 = vector.broadcast %add3A_417 : i32 to vector<16xi32>
        %add3A_419 = arith.addi %iota3A, %add3A_418 : vector<16xi32>
        %gather3A_420 = arith.constant 0 : i32
        %gather3A_421 = arith.constant 0 : i32
        %gather3A_422 = tpu.memref_slice %arg6[%scan3A_140, %gather3A_420, %gather3A_421] : memref<2x512x32xf32, #tpu.memory_space<vmem>> -> memref<1x512x32xf32, #tpu.memory_space<vmem>>
        %gather3A_423 = tpu.memref_squeeze %gather3A_422 : memref<1x512x32xf32, #tpu.memory_space<vmem>> -> memref<512x32xf32, #tpu.memory_space<vmem>>
        %gather3A_424 = tpu.vector_load_idx %gather3A_423[%add3A_419, %and3A_316] : memref<512x32xf32, #tpu.memory_space<vmem>>[vector<16xi32>, vector<16xi32>], vector<16xf32>,
        %add3A_425 = arith.constant 208 : i32
        %add3A_426 = vector.broadcast %add3A_425 : i32 to vector<16xi32>
        %add3A_427 = arith.addi %iota3A, %add3A_426 : vector<16xi32>
        %gather3A_428 = arith.constant 0 : i32
        %gather3A_429 = arith.constant 0 : i32
        %gather3A_430 = tpu.memref_slice %arg6[%scan3A_140, %gather3A_428, %gather3A_429] : memref<2x512x32xf32, #tpu.memory_space<vmem>> -> memref<1x512x32xf32, #tpu.memory_space<vmem>>
        %gather3A_431 = tpu.memref_squeeze %gather3A_430 : memref<1x512x32xf32, #tpu.memory_space<vmem>> -> memref<512x32xf32, #tpu.memory_space<vmem>>
        %gather3A_432 = tpu.vector_load_idx %gather3A_431[%add3A_427, %and3A_316] : memref<512x32xf32, #tpu.memory_space<vmem>>[vector<16xi32>, vector<16xi32>], vector<16xf32>,
        %add3A_433 = arith.constant 224 : i32
        %add3A_434 = vector.broadcast %add3A_433 : i32 to vector<16xi32>
        %add3A_435 = arith.addi %iota3A, %add3A_434 : vector<16xi32>
        %gather3A_436 = arith.constant 0 : i32
        %gather3A_437 = arith.constant 0 : i32
        %gather3A_438 = tpu.memref_slice %arg6[%scan3A_140, %gather3A_436, %gather3A_437] : memref<2x512x32xf32, #tpu.memory_space<vmem>> -> memref<1x512x32xf32, #tpu.memory_space<vmem>>
        %gather3A_439 = tpu.memref_squeeze %gather3A_438 : memref<1x512x32xf32, #tpu.memory_space<vmem>> -> memref<512x32xf32, #tpu.memory_space<vmem>>
        %gather3A_440 = tpu.vector_load_idx %gather3A_439[%add3A_435, %and3A_316] : memref<512x32xf32, #tpu.memory_space<vmem>>[vector<16xi32>, vector<16xi32>], vector<16xf32>,
        %add3A_441 = arith.constant 240 : i32
        %add3A_442 = vector.broadcast %add3A_441 : i32 to vector<16xi32>
        %add3A_443 = arith.addi %iota3A, %add3A_442 : vector<16xi32>
        %gather3A_444 = arith.constant 0 : i32
        %gather3A_445 = arith.constant 0 : i32
        %gather3A_446 = tpu.memref_slice %arg6[%scan3A_140, %gather3A_444, %gather3A_445] : memref<2x512x32xf32, #tpu.memory_space<vmem>> -> memref<1x512x32xf32, #tpu.memory_space<vmem>>
        %gather3A_447 = tpu.memref_squeeze %gather3A_446 : memref<1x512x32xf32, #tpu.memory_space<vmem>> -> memref<512x32xf32, #tpu.memory_space<vmem>>
        %gather3A_448 = tpu.vector_load_idx %gather3A_447[%add3A_443, %and3A_316] : memref<512x32xf32, #tpu.memory_space<vmem>>[vector<16xi32>, vector<16xi32>], vector<16xf32>,
        %add3A_449 = arith.constant 256 : i32
        %add3A_450 = vector.broadcast %add3A_449 : i32 to vector<16xi32>
        %add3A_451 = arith.addi %iota3A, %add3A_450 : vector<16xi32>
        %gather3A_452 = arith.constant 0 : i32
        %gather3A_453 = arith.constant 0 : i32
        %gather3A_454 = tpu.memref_slice %arg6[%scan3A_140, %gather3A_452, %gather3A_453] : memref<2x512x32xf32, #tpu.memory_space<vmem>> -> memref<1x512x32xf32, #tpu.memory_space<vmem>>
        %gather3A_455 = tpu.memref_squeeze %gather3A_454 : memref<1x512x32xf32, #tpu.memory_space<vmem>> -> memref<512x32xf32, #tpu.memory_space<vmem>>
        %gather3A_456 = tpu.vector_load_idx %gather3A_455[%add3A_451, %and3A_316] : memref<512x32xf32, #tpu.memory_space<vmem>>[vector<16xi32>, vector<16xi32>], vector<16xf32>,
        %add3A_457 = arith.constant 272 : i32
        %add3A_458 = vector.broadcast %add3A_457 : i32 to vector<16xi32>
        %add3A_459 = arith.addi %iota3A, %add3A_458 : vector<16xi32>
        %gather3A_460 = arith.constant 0 : i32
        %gather3A_461 = arith.constant 0 : i32
        %gather3A_462 = tpu.memref_slice %arg6[%scan3A_140, %gather3A_460, %gather3A_461] : memref<2x512x32xf32, #tpu.memory_space<vmem>> -> memref<1x512x32xf32, #tpu.memory_space<vmem>>
        %gather3A_463 = tpu.memref_squeeze %gather3A_462 : memref<1x512x32xf32, #tpu.memory_space<vmem>> -> memref<512x32xf32, #tpu.memory_space<vmem>>
        %gather3A_464 = tpu.vector_load_idx %gather3A_463[%add3A_459, %and3A_316] : memref<512x32xf32, #tpu.memory_space<vmem>>[vector<16xi32>, vector<16xi32>], vector<16xf32>,
        %add3A_465 = arith.constant 288 : i32
        %add3A_466 = vector.broadcast %add3A_465 : i32 to vector<16xi32>
        %add3A_467 = arith.addi %iota3A, %add3A_466 : vector<16xi32>
        %gather3A_468 = arith.constant 0 : i32
        %gather3A_469 = arith.constant 0 : i32
        %gather3A_470 = tpu.memref_slice %arg6[%scan3A_140, %gather3A_468, %gather3A_469] : memref<2x512x32xf32, #tpu.memory_space<vmem>> -> memref<1x512x32xf32, #tpu.memory_space<vmem>>
        %gather3A_471 = tpu.memref_squeeze %gather3A_470 : memref<1x512x32xf32, #tpu.memory_space<vmem>> -> memref<512x32xf32, #tpu.memory_space<vmem>>
        %gather3A_472 = tpu.vector_load_idx %gather3A_471[%add3A_467, %and3A_316] : memref<512x32xf32, #tpu.memory_space<vmem>>[vector<16xi32>, vector<16xi32>], vector<16xf32>,
        %add3A_473 = arith.constant 304 : i32
        %add3A_474 = vector.broadcast %add3A_473 : i32 to vector<16xi32>
        %add3A_475 = arith.addi %iota3A, %add3A_474 : vector<16xi32>
        %gather3A_476 = arith.constant 0 : i32
        %gather3A_477 = arith.constant 0 : i32
        %gather3A_478 = tpu.memref_slice %arg6[%scan3A_140, %gather3A_476, %gather3A_477] : memref<2x512x32xf32, #tpu.memory_space<vmem>> -> memref<1x512x32xf32, #tpu.memory_space<vmem>>
        %gather3A_479 = tpu.memref_squeeze %gather3A_478 : memref<1x512x32xf32, #tpu.memory_space<vmem>> -> memref<512x32xf32, #tpu.memory_space<vmem>>
        %gather3A_480 = tpu.vector_load_idx %gather3A_479[%add3A_475, %and3A_316] : memref<512x32xf32, #tpu.memory_space<vmem>>[vector<16xi32>, vector<16xi32>], vector<16xf32>,
        %add3A_481 = arith.constant 320 : i32
        %add3A_482 = vector.broadcast %add3A_481 : i32 to vector<16xi32>
        %add3A_483 = arith.addi %iota3A, %add3A_482 : vector<16xi32>
        %gather3A_484 = arith.constant 0 : i32
        %gather3A_485 = arith.constant 0 : i32
        %gather3A_486 = tpu.memref_slice %arg6[%scan3A_140, %gather3A_484, %gather3A_485] : memref<2x512x32xf32, #tpu.memory_space<vmem>> -> memref<1x512x32xf32, #tpu.memory_space<vmem>>
        %gather3A_487 = tpu.memref_squeeze %gather3A_486 : memref<1x512x32xf32, #tpu.memory_space<vmem>> -> memref<512x32xf32, #tpu.memory_space<vmem>>
        %gather3A_488 = tpu.vector_load_idx %gather3A_487[%add3A_483, %and3A_316] : memref<512x32xf32, #tpu.memory_space<vmem>>[vector<16xi32>, vector<16xi32>], vector<16xf32>,
        %add3A_489 = arith.constant 336 : i32
        %add3A_490 = vector.broadcast %add3A_489 : i32 to vector<16xi32>
        %add3A_491 = arith.addi %iota3A, %add3A_490 : vector<16xi32>
        %gather3A_492 = arith.constant 0 : i32
        %gather3A_493 = arith.constant 0 : i32
        %gather3A_494 = tpu.memref_slice %arg6[%scan3A_140, %gather3A_492, %gather3A_493] : memref<2x512x32xf32, #tpu.memory_space<vmem>> -> memref<1x512x32xf32, #tpu.memory_space<vmem>>
        %gather3A_495 = tpu.memref_squeeze %gather3A_494 : memref<1x512x32xf32, #tpu.memory_space<vmem>> -> memref<512x32xf32, #tpu.memory_space<vmem>>
        %gather3A_496 = tpu.vector_load_idx %gather3A_495[%add3A_491, %and3A_316] : memref<512x32xf32, #tpu.memory_space<vmem>>[vector<16xi32>, vector<16xi32>], vector<16xf32>,
        %add3A_497 = arith.constant 352 : i32
        %add3A_498 = vector.broadcast %add3A_497 : i32 to vector<16xi32>
        %add3A_499 = arith.addi %iota3A, %add3A_498 : vector<16xi32>
        %gather3A_500 = arith.constant 0 : i32
        %gather3A_501 = arith.constant 0 : i32
        %gather3A_502 = tpu.memref_slice %arg6[%scan3A_140, %gather3A_500, %gather3A_501] : memref<2x512x32xf32, #tpu.memory_space<vmem>> -> memref<1x512x32xf32, #tpu.memory_space<vmem>>
        %gather3A_503 = tpu.memref_squeeze %gather3A_502 : memref<1x512x32xf32, #tpu.memory_space<vmem>> -> memref<512x32xf32, #tpu.memory_space<vmem>>
        %gather3A_504 = tpu.vector_load_idx %gather3A_503[%add3A_499, %and3A_316] : memref<512x32xf32, #tpu.memory_space<vmem>>[vector<16xi32>, vector<16xi32>], vector<16xf32>,
        %add3A_505 = arith.constant 368 : i32
        %add3A_506 = vector.broadcast %add3A_505 : i32 to vector<16xi32>
        %add3A_507 = arith.addi %iota3A, %add3A_506 : vector<16xi32>
        %gather3A_508 = arith.constant 0 : i32
        %gather3A_509 = arith.constant 0 : i32
        %gather3A_510 = tpu.memref_slice %arg6[%scan3A_140, %gather3A_508, %gather3A_509] : memref<2x512x32xf32, #tpu.memory_space<vmem>> -> memref<1x512x32xf32, #tpu.memory_space<vmem>>
        %gather3A_511 = tpu.memref_squeeze %gather3A_510 : memref<1x512x32xf32, #tpu.memory_space<vmem>> -> memref<512x32xf32, #tpu.memory_space<vmem>>
        %gather3A_512 = tpu.vector_load_idx %gather3A_511[%add3A_507, %and3A_316] : memref<512x32xf32, #tpu.memory_space<vmem>>[vector<16xi32>, vector<16xi32>], vector<16xf32>,
        %add3A_513 = arith.constant 384 : i32
        %add3A_514 = vector.broadcast %add3A_513 : i32 to vector<16xi32>
        %add3A_515 = arith.addi %iota3A, %add3A_514 : vector<16xi32>
        %gather3A_516 = arith.constant 0 : i32
        %gather3A_517 = arith.constant 0 : i32
        %gather3A_518 = tpu.memref_slice %arg6[%scan3A_140, %gather3A_516, %gather3A_517] : memref<2x512x32xf32, #tpu.memory_space<vmem>> -> memref<1x512x32xf32, #tpu.memory_space<vmem>>
        %gather3A_519 = tpu.memref_squeeze %gather3A_518 : memref<1x512x32xf32, #tpu.memory_space<vmem>> -> memref<512x32xf32, #tpu.memory_space<vmem>>
        %gather3A_520 = tpu.vector_load_idx %gather3A_519[%add3A_515, %and3A_316] : memref<512x32xf32, #tpu.memory_space<vmem>>[vector<16xi32>, vector<16xi32>], vector<16xf32>,
        %add3A_521 = arith.constant 400 : i32
        %add3A_522 = vector.broadcast %add3A_521 : i32 to vector<16xi32>
        %add3A_523 = arith.addi %iota3A, %add3A_522 : vector<16xi32>
        %gather3A_524 = arith.constant 0 : i32
        %gather3A_525 = arith.constant 0 : i32
        %gather3A_526 = tpu.memref_slice %arg6[%scan3A_140, %gather3A_524, %gather3A_525] : memref<2x512x32xf32, #tpu.memory_space<vmem>> -> memref<1x512x32xf32, #tpu.memory_space<vmem>>
        %gather3A_527 = tpu.memref_squeeze %gather3A_526 : memref<1x512x32xf32, #tpu.memory_space<vmem>> -> memref<512x32xf32, #tpu.memory_space<vmem>>
        %gather3A_528 = tpu.vector_load_idx %gather3A_527[%add3A_523, %and3A_316] : memref<512x32xf32, #tpu.memory_space<vmem>>[vector<16xi32>, vector<16xi32>], vector<16xf32>,
        %add3A_529 = arith.constant 416 : i32
        %add3A_530 = vector.broadcast %add3A_529 : i32 to vector<16xi32>
        %add3A_531 = arith.addi %iota3A, %add3A_530 : vector<16xi32>
        %gather3A_532 = arith.constant 0 : i32
        %gather3A_533 = arith.constant 0 : i32
        %gather3A_534 = tpu.memref_slice %arg6[%scan3A_140, %gather3A_532, %gather3A_533] : memref<2x512x32xf32, #tpu.memory_space<vmem>> -> memref<1x512x32xf32, #tpu.memory_space<vmem>>
        %gather3A_535 = tpu.memref_squeeze %gather3A_534 : memref<1x512x32xf32, #tpu.memory_space<vmem>> -> memref<512x32xf32, #tpu.memory_space<vmem>>
        %gather3A_536 = tpu.vector_load_idx %gather3A_535[%add3A_531, %and3A_316] : memref<512x32xf32, #tpu.memory_space<vmem>>[vector<16xi32>, vector<16xi32>], vector<16xf32>,
        %add3A_537 = arith.constant 432 : i32
        %add3A_538 = vector.broadcast %add3A_537 : i32 to vector<16xi32>
        %add3A_539 = arith.addi %iota3A, %add3A_538 : vector<16xi32>
        %gather3A_540 = arith.constant 0 : i32
        %gather3A_541 = arith.constant 0 : i32
        %gather3A_542 = tpu.memref_slice %arg6[%scan3A_140, %gather3A_540, %gather3A_541] : memref<2x512x32xf32, #tpu.memory_space<vmem>> -> memref<1x512x32xf32, #tpu.memory_space<vmem>>
        %gather3A_543 = tpu.memref_squeeze %gather3A_542 : memref<1x512x32xf32, #tpu.memory_space<vmem>> -> memref<512x32xf32, #tpu.memory_space<vmem>>
        %gather3A_544 = tpu.vector_load_idx %gather3A_543[%add3A_539, %and3A_316] : memref<512x32xf32, #tpu.memory_space<vmem>>[vector<16xi32>, vector<16xi32>], vector<16xf32>,
        %add3A_545 = arith.constant 448 : i32
        %add3A_546 = vector.broadcast %add3A_545 : i32 to vector<16xi32>
        %add3A_547 = arith.addi %iota3A, %add3A_546 : vector<16xi32>
        %gather3A_548 = arith.constant 0 : i32
        %gather3A_549 = arith.constant 0 : i32
        %gather3A_550 = tpu.memref_slice %arg6[%scan3A_140, %gather3A_548, %gather3A_549] : memref<2x512x32xf32, #tpu.memory_space<vmem>> -> memref<1x512x32xf32, #tpu.memory_space<vmem>>
        %gather3A_551 = tpu.memref_squeeze %gather3A_550 : memref<1x512x32xf32, #tpu.memory_space<vmem>> -> memref<512x32xf32, #tpu.memory_space<vmem>>
        %gather3A_552 = tpu.vector_load_idx %gather3A_551[%add3A_547, %and3A_316] : memref<512x32xf32, #tpu.memory_space<vmem>>[vector<16xi32>, vector<16xi32>], vector<16xf32>,
        %add3A_553 = arith.constant 464 : i32
        %add3A_554 = vector.broadcast %add3A_553 : i32 to vector<16xi32>
        %add3A_555 = arith.addi %iota3A, %add3A_554 : vector<16xi32>
        %gather3A_556 = arith.constant 0 : i32
        %gather3A_557 = arith.constant 0 : i32
        %gather3A_558 = tpu.memref_slice %arg6[%scan3A_140, %gather3A_556, %gather3A_557] : memref<2x512x32xf32, #tpu.memory_space<vmem>> -> memref<1x512x32xf32, #tpu.memory_space<vmem>>
        %gather3A_559 = tpu.memref_squeeze %gather3A_558 : memref<1x512x32xf32, #tpu.memory_space<vmem>> -> memref<512x32xf32, #tpu.memory_space<vmem>>
        %gather3A_560 = tpu.vector_load_idx %gather3A_559[%add3A_555, %and3A_316] : memref<512x32xf32, #tpu.memory_space<vmem>>[vector<16xi32>, vector<16xi32>], vector<16xf32>,
        %add3A_561 = arith.constant 480 : i32
        %add3A_562 = vector.broadcast %add3A_561 : i32 to vector<16xi32>
        %add3A_563 = arith.addi %iota3A, %add3A_562 : vector<16xi32>
        %gather3A_564 = arith.constant 0 : i32
        %gather3A_565 = arith.constant 0 : i32
        %gather3A_566 = tpu.memref_slice %arg6[%scan3A_140, %gather3A_564, %gather3A_565] : memref<2x512x32xf32, #tpu.memory_space<vmem>> -> memref<1x512x32xf32, #tpu.memory_space<vmem>>
        %gather3A_567 = tpu.memref_squeeze %gather3A_566 : memref<1x512x32xf32, #tpu.memory_space<vmem>> -> memref<512x32xf32, #tpu.memory_space<vmem>>
        %gather3A_568 = tpu.vector_load_idx %gather3A_567[%add3A_563, %and3A_316] : memref<512x32xf32, #tpu.memory_space<vmem>>[vector<16xi32>, vector<16xi32>], vector<16xf32>,
        %add3A_569 = arith.constant 496 : i32
        %add3A_570 = vector.broadcast %add3A_569 : i32 to vector<16xi32>
        %add3A_571 = arith.addi %iota3A, %add3A_570 : vector<16xi32>
        %gather3A_572 = arith.constant 0 : i32
        %gather3A_573 = arith.constant 0 : i32
        %gather3A_574 = tpu.memref_slice %arg6[%scan3A_140, %gather3A_572, %gather3A_573] : memref<2x512x32xf32, #tpu.memory_space<vmem>> -> memref<1x512x32xf32, #tpu.memory_space<vmem>>
        %gather3A_575 = tpu.memref_squeeze %gather3A_574 : memref<1x512x32xf32, #tpu.memory_space<vmem>> -> memref<512x32xf32, #tpu.memory_space<vmem>>
        %gather3A_576 = tpu.vector_load_idx %gather3A_575[%add3A_571, %and3A_316] : memref<512x32xf32, #tpu.memory_space<vmem>>[vector<16xi32>, vector<16xi32>], vector<16xf32>,
        %broadcast_in_dim3A = arith.constant 0 : i32
        %broadcast_in_dim3A_577 = vector.broadcast %broadcast_in_dim3A : i32 to vector<16xi32>
        %add3A_578 = arith.constant 0 : i32
        %add3A_579 = vector.broadcast %add3A_578 : i32 to vector<16xi32>
        %add3A_580 = arith.addi %iota3A, %add3A_579 : vector<16xi32>
        %scatter3A = arith.constant 0 : i32
        %scatter3A_581 = arith.constant 0 : i32
        %scatter3A_582 = arith.constant 0 : i32
        %scatter3A_583 = arith.constant 0 : i32
        %scatter3A_584 = arith.constant 0 : i32
        %scatter3A_585 = tpu.memref_slice %arg7[%scatter3A, %scatter3A_581, %scatter3A_582, %scatter3A_583, %scatter3A_584] : memref<2x4x4x8x128xf32, #tpu.memory_space<vmem>> -> memref<1x4x4x8x128xf32, #tpu.memory_space<vmem>>
        %scatter3A_586 = tpu.memref_squeeze %scatter3A_585 : memref<1x4x4x8x128xf32, #tpu.memory_space<vmem>> -> memref<4x4x8x128xf32, #tpu.memory_space<vmem>>
        tpu.vector_store_idx %scatter3A_586[%shift_right_arithmetic3A_318, %broadcast_in_dim3A_577, %and3A_321, %add3A_580], %gather3A_328 : memref<4x4x8x128xf32, #tpu.memory_space<vmem>>[vector<16xi32>, vector<16xi32>, vector<16xi32>, vector<16xi32>], vector<16xf32>,
        %broadcast_in_dim3A_587 = arith.constant 0 : i32
        %broadcast_in_dim3A_588 = vector.broadcast %broadcast_in_dim3A_587 : i32 to vector<16xi32>
        %add3A_589 = arith.constant 16 : i32
        %add3A_590 = vector.broadcast %add3A_589 : i32 to vector<16xi32>
        %add3A_591 = arith.addi %iota3A, %add3A_590 : vector<16xi32>
        %scatter3A_592 = arith.constant 0 : i32
        %scatter3A_593 = arith.constant 0 : i32
        %scatter3A_594 = arith.constant 0 : i32
        %scatter3A_595 = arith.constant 0 : i32
        %scatter3A_596 = arith.constant 0 : i32
        %scatter3A_597 = tpu.memref_slice %arg7[%scatter3A_592, %scatter3A_593, %scatter3A_594, %scatter3A_595, %scatter3A_596] : memref<2x4x4x8x128xf32, #tpu.memory_space<vmem>> -> memref<1x4x4x8x128xf32, #tpu.memory_space<vmem>>
        %scatter3A_598 = tpu.memref_squeeze %scatter3A_597 : memref<1x4x4x8x128xf32, #tpu.memory_space<vmem>> -> memref<4x4x8x128xf32, #tpu.memory_space<vmem>>
        tpu.vector_store_idx %scatter3A_598[%shift_right_arithmetic3A_318, %broadcast_in_dim3A_588, %and3A_321, %add3A_591], %gather3A_336 : memref<4x4x8x128xf32, #tpu.memory_space<vmem>>[vector<16xi32>, vector<16xi32>, vector<16xi32>, vector<16xi32>], vector<16xf32>,
        %broadcast_in_dim3A_599 = arith.constant 0 : i32
        %broadcast_in_dim3A_600 = vector.broadcast %broadcast_in_dim3A_599 : i32 to vector<16xi32>
        %add3A_601 = arith.constant 32 : i32
        %add3A_602 = vector.broadcast %add3A_601 : i32 to vector<16xi32>
        %add3A_603 = arith.addi %iota3A, %add3A_602 : vector<16xi32>
        %scatter3A_604 = arith.constant 0 : i32
        %scatter3A_605 = arith.constant 0 : i32
        %scatter3A_606 = arith.constant 0 : i32
        %scatter3A_607 = arith.constant 0 : i32
        %scatter3A_608 = arith.constant 0 : i32
        %scatter3A_609 = tpu.memref_slice %arg7[%scatter3A_604, %scatter3A_605, %scatter3A_606, %scatter3A_607, %scatter3A_608] : memref<2x4x4x8x128xf32, #tpu.memory_space<vmem>> -> memref<1x4x4x8x128xf32, #tpu.memory_space<vmem>>
        %scatter3A_610 = tpu.memref_squeeze %scatter3A_609 : memref<1x4x4x8x128xf32, #tpu.memory_space<vmem>> -> memref<4x4x8x128xf32, #tpu.memory_space<vmem>>
        tpu.vector_store_idx %scatter3A_610[%shift_right_arithmetic3A_318, %broadcast_in_dim3A_600, %and3A_321, %add3A_603], %gather3A_344 : memref<4x4x8x128xf32, #tpu.memory_space<vmem>>[vector<16xi32>, vector<16xi32>, vector<16xi32>, vector<16xi32>], vector<16xf32>,
        %broadcast_in_dim3A_611 = arith.constant 0 : i32
        %broadcast_in_dim3A_612 = vector.broadcast %broadcast_in_dim3A_611 : i32 to vector<16xi32>
        %add3A_613 = arith.constant 48 : i32
        %add3A_614 = vector.broadcast %add3A_613 : i32 to vector<16xi32>
        %add3A_615 = arith.addi %iota3A, %add3A_614 : vector<16xi32>
        %scatter3A_616 = arith.constant 0 : i32
        %scatter3A_617 = arith.constant 0 : i32
        %scatter3A_618 = arith.constant 0 : i32
        %scatter3A_619 = arith.constant 0 : i32
        %scatter3A_620 = arith.constant 0 : i32
        %scatter3A_621 = tpu.memref_slice %arg7[%scatter3A_616, %scatter3A_617, %scatter3A_618, %scatter3A_619, %scatter3A_620] : memref<2x4x4x8x128xf32, #tpu.memory_space<vmem>> -> memref<1x4x4x8x128xf32, #tpu.memory_space<vmem>>
        %scatter3A_622 = tpu.memref_squeeze %scatter3A_621 : memref<1x4x4x8x128xf32, #tpu.memory_space<vmem>> -> memref<4x4x8x128xf32, #tpu.memory_space<vmem>>
        tpu.vector_store_idx %scatter3A_622[%shift_right_arithmetic3A_318, %broadcast_in_dim3A_612, %and3A_321, %add3A_615], %gather3A_352 : memref<4x4x8x128xf32, #tpu.memory_space<vmem>>[vector<16xi32>, vector<16xi32>, vector<16xi32>, vector<16xi32>], vector<16xf32>,
        %broadcast_in_dim3A_623 = arith.constant 0 : i32
        %broadcast_in_dim3A_624 = vector.broadcast %broadcast_in_dim3A_623 : i32 to vector<16xi32>
        %add3A_625 = arith.constant 64 : i32
        %add3A_626 = vector.broadcast %add3A_625 : i32 to vector<16xi32>
        %add3A_627 = arith.addi %iota3A, %add3A_626 : vector<16xi32>
        %scatter3A_628 = arith.constant 0 : i32
        %scatter3A_629 = arith.constant 0 : i32
        %scatter3A_630 = arith.constant 0 : i32
        %scatter3A_631 = arith.constant 0 : i32
        %scatter3A_632 = arith.constant 0 : i32
        %scatter3A_633 = tpu.memref_slice %arg7[%scatter3A_628, %scatter3A_629, %scatter3A_630, %scatter3A_631, %scatter3A_632] : memref<2x4x4x8x128xf32, #tpu.memory_space<vmem>> -> memref<1x4x4x8x128xf32, #tpu.memory_space<vmem>>
        %scatter3A_634 = tpu.memref_squeeze %scatter3A_633 : memref<1x4x4x8x128xf32, #tpu.memory_space<vmem>> -> memref<4x4x8x128xf32, #tpu.memory_space<vmem>>
        tpu.vector_store_idx %scatter3A_634[%shift_right_arithmetic3A_318, %broadcast_in_dim3A_624, %and3A_321, %add3A_627], %gather3A_360 : memref<4x4x8x128xf32, #tpu.memory_space<vmem>>[vector<16xi32>, vector<16xi32>, vector<16xi32>, vector<16xi32>], vector<16xf32>,
        %broadcast_in_dim3A_635 = arith.constant 0 : i32
        %broadcast_in_dim3A_636 = vector.broadcast %broadcast_in_dim3A_635 : i32 to vector<16xi32>
        %add3A_637 = arith.constant 80 : i32
        %add3A_638 = vector.broadcast %add3A_637 : i32 to vector<16xi32>
        %add3A_639 = arith.addi %iota3A, %add3A_638 : vector<16xi32>
        %scatter3A_640 = arith.constant 0 : i32
        %scatter3A_641 = arith.constant 0 : i32
        %scatter3A_642 = arith.constant 0 : i32
        %scatter3A_643 = arith.constant 0 : i32
        %scatter3A_644 = arith.constant 0 : i32
        %scatter3A_645 = tpu.memref_slice %arg7[%scatter3A_640, %scatter3A_641, %scatter3A_642, %scatter3A_643, %scatter3A_644] : memref<2x4x4x8x128xf32, #tpu.memory_space<vmem>> -> memref<1x4x4x8x128xf32, #tpu.memory_space<vmem>>
        %scatter3A_646 = tpu.memref_squeeze %scatter3A_645 : memref<1x4x4x8x128xf32, #tpu.memory_space<vmem>> -> memref<4x4x8x128xf32, #tpu.memory_space<vmem>>
        tpu.vector_store_idx %scatter3A_646[%shift_right_arithmetic3A_318, %broadcast_in_dim3A_636, %and3A_321, %add3A_639], %gather3A_368 : memref<4x4x8x128xf32, #tpu.memory_space<vmem>>[vector<16xi32>, vector<16xi32>, vector<16xi32>, vector<16xi32>], vector<16xf32>,
        %broadcast_in_dim3A_647 = arith.constant 0 : i32
        %broadcast_in_dim3A_648 = vector.broadcast %broadcast_in_dim3A_647 : i32 to vector<16xi32>
        %add3A_649 = arith.constant 96 : i32
        %add3A_650 = vector.broadcast %add3A_649 : i32 to vector<16xi32>
        %add3A_651 = arith.addi %iota3A, %add3A_650 : vector<16xi32>
        %scatter3A_652 = arith.constant 0 : i32
        %scatter3A_653 = arith.constant 0 : i32
        %scatter3A_654 = arith.constant 0 : i32
        %scatter3A_655 = arith.constant 0 : i32
        %scatter3A_656 = arith.constant 0 : i32
        %scatter3A_657 = tpu.memref_slice %arg7[%scatter3A_652, %scatter3A_653, %scatter3A_654, %scatter3A_655, %scatter3A_656] : memref<2x4x4x8x128xf32, #tpu.memory_space<vmem>> -> memref<1x4x4x8x128xf32, #tpu.memory_space<vmem>>
        %scatter3A_658 = tpu.memref_squeeze %scatter3A_657 : memref<1x4x4x8x128xf32, #tpu.memory_space<vmem>> -> memref<4x4x8x128xf32, #tpu.memory_space<vmem>>
        tpu.vector_store_idx %scatter3A_658[%shift_right_arithmetic3A_318, %broadcast_in_dim3A_648, %and3A_321, %add3A_651], %gather3A_376 : memref<4x4x8x128xf32, #tpu.memory_space<vmem>>[vector<16xi32>, vector<16xi32>, vector<16xi32>, vector<16xi32>], vector<16xf32>,
        %broadcast_in_dim3A_659 = arith.constant 0 : i32
        %broadcast_in_dim3A_660 = vector.broadcast %broadcast_in_dim3A_659 : i32 to vector<16xi32>
        %add3A_661 = arith.constant 112 : i32
        %add3A_662 = vector.broadcast %add3A_661 : i32 to vector<16xi32>
        %add3A_663 = arith.addi %iota3A, %add3A_662 : vector<16xi32>
        %scatter3A_664 = arith.constant 0 : i32
        %scatter3A_665 = arith.constant 0 : i32
        %scatter3A_666 = arith.constant 0 : i32
        %scatter3A_667 = arith.constant 0 : i32
        %scatter3A_668 = arith.constant 0 : i32
        %scatter3A_669 = tpu.memref_slice %arg7[%scatter3A_664, %scatter3A_665, %scatter3A_666, %scatter3A_667, %scatter3A_668] : memref<2x4x4x8x128xf32, #tpu.memory_space<vmem>> -> memref<1x4x4x8x128xf32, #tpu.memory_space<vmem>>
        %scatter3A_670 = tpu.memref_squeeze %scatter3A_669 : memref<1x4x4x8x128xf32, #tpu.memory_space<vmem>> -> memref<4x4x8x128xf32, #tpu.memory_space<vmem>>
        tpu.vector_store_idx %scatter3A_670[%shift_right_arithmetic3A_318, %broadcast_in_dim3A_660, %and3A_321, %add3A_663], %gather3A_384 : memref<4x4x8x128xf32, #tpu.memory_space<vmem>>[vector<16xi32>, vector<16xi32>, vector<16xi32>, vector<16xi32>], vector<16xf32>,
        %broadcast_in_dim3A_671 = arith.constant 1 : i32
        %broadcast_in_dim3A_672 = vector.broadcast %broadcast_in_dim3A_671 : i32 to vector<16xi32>
        %add3A_673 = arith.constant 0 : i32
        %add3A_674 = vector.broadcast %add3A_673 : i32 to vector<16xi32>
        %add3A_675 = arith.addi %iota3A, %add3A_674 : vector<16xi32>
        %scatter3A_676 = arith.constant 0 : i32
        %scatter3A_677 = arith.constant 0 : i32
        %scatter3A_678 = arith.constant 0 : i32
        %scatter3A_679 = arith.constant 0 : i32
        %scatter3A_680 = arith.constant 0 : i32
        %scatter3A_681 = tpu.memref_slice %arg7[%scatter3A_676, %scatter3A_677, %scatter3A_678, %scatter3A_679, %scatter3A_680] : memref<2x4x4x8x128xf32, #tpu.memory_space<vmem>> -> memref<1x4x4x8x128xf32, #tpu.memory_space<vmem>>
        %scatter3A_682 = tpu.memref_squeeze %scatter3A_681 : memref<1x4x4x8x128xf32, #tpu.memory_space<vmem>> -> memref<4x4x8x128xf32, #tpu.memory_space<vmem>>
        tpu.vector_store_idx %scatter3A_682[%shift_right_arithmetic3A_318, %broadcast_in_dim3A_672, %and3A_321, %add3A_675], %gather3A_392 : memref<4x4x8x128xf32, #tpu.memory_space<vmem>>[vector<16xi32>, vector<16xi32>, vector<16xi32>, vector<16xi32>], vector<16xf32>,
        %broadcast_in_dim3A_683 = arith.constant 1 : i32
        %broadcast_in_dim3A_684 = vector.broadcast %broadcast_in_dim3A_683 : i32 to vector<16xi32>
        %add3A_685 = arith.constant 16 : i32
        %add3A_686 = vector.broadcast %add3A_685 : i32 to vector<16xi32>
        %add3A_687 = arith.addi %iota3A, %add3A_686 : vector<16xi32>
        %scatter3A_688 = arith.constant 0 : i32
        %scatter3A_689 = arith.constant 0 : i32
        %scatter3A_690 = arith.constant 0 : i32
        %scatter3A_691 = arith.constant 0 : i32
        %scatter3A_692 = arith.constant 0 : i32
        %scatter3A_693 = tpu.memref_slice %arg7[%scatter3A_688, %scatter3A_689, %scatter3A_690, %scatter3A_691, %scatter3A_692] : memref<2x4x4x8x128xf32, #tpu.memory_space<vmem>> -> memref<1x4x4x8x128xf32, #tpu.memory_space<vmem>>
        %scatter3A_694 = tpu.memref_squeeze %scatter3A_693 : memref<1x4x4x8x128xf32, #tpu.memory_space<vmem>> -> memref<4x4x8x128xf32, #tpu.memory_space<vmem>>
        tpu.vector_store_idx %scatter3A_694[%shift_right_arithmetic3A_318, %broadcast_in_dim3A_684, %and3A_321, %add3A_687], %gather3A_400 : memref<4x4x8x128xf32, #tpu.memory_space<vmem>>[vector<16xi32>, vector<16xi32>, vector<16xi32>, vector<16xi32>], vector<16xf32>,
        %broadcast_in_dim3A_695 = arith.constant 1 : i32
        %broadcast_in_dim3A_696 = vector.broadcast %broadcast_in_dim3A_695 : i32 to vector<16xi32>
        %add3A_697 = arith.constant 32 : i32
        %add3A_698 = vector.broadcast %add3A_697 : i32 to vector<16xi32>
        %add3A_699 = arith.addi %iota3A, %add3A_698 : vector<16xi32>
        %scatter3A_700 = arith.constant 0 : i32
        %scatter3A_701 = arith.constant 0 : i32
        %scatter3A_702 = arith.constant 0 : i32
        %scatter3A_703 = arith.constant 0 : i32
        %scatter3A_704 = arith.constant 0 : i32
        %scatter3A_705 = tpu.memref_slice %arg7[%scatter3A_700, %scatter3A_701, %scatter3A_702, %scatter3A_703, %scatter3A_704] : memref<2x4x4x8x128xf32, #tpu.memory_space<vmem>> -> memref<1x4x4x8x128xf32, #tpu.memory_space<vmem>>
        %scatter3A_706 = tpu.memref_squeeze %scatter3A_705 : memref<1x4x4x8x128xf32, #tpu.memory_space<vmem>> -> memref<4x4x8x128xf32, #tpu.memory_space<vmem>>
        tpu.vector_store_idx %scatter3A_706[%shift_right_arithmetic3A_318, %broadcast_in_dim3A_696, %and3A_321, %add3A_699], %gather3A_408 : memref<4x4x8x128xf32, #tpu.memory_space<vmem>>[vector<16xi32>, vector<16xi32>, vector<16xi32>, vector<16xi32>], vector<16xf32>,
        %broadcast_in_dim3A_707 = arith.constant 1 : i32
        %broadcast_in_dim3A_708 = vector.broadcast %broadcast_in_dim3A_707 : i32 to vector<16xi32>
        %add3A_709 = arith.constant 48 : i32
        %add3A_710 = vector.broadcast %add3A_709 : i32 to vector<16xi32>
        %add3A_711 = arith.addi %iota3A, %add3A_710 : vector<16xi32>
        %scatter3A_712 = arith.constant 0 : i32
        %scatter3A_713 = arith.constant 0 : i32
        %scatter3A_714 = arith.constant 0 : i32
        %scatter3A_715 = arith.constant 0 : i32
        %scatter3A_716 = arith.constant 0 : i32
        %scatter3A_717 = tpu.memref_slice %arg7[%scatter3A_712, %scatter3A_713, %scatter3A_714, %scatter3A_715, %scatter3A_716] : memref<2x4x4x8x128xf32, #tpu.memory_space<vmem>> -> memref<1x4x4x8x128xf32, #tpu.memory_space<vmem>>
        %scatter3A_718 = tpu.memref_squeeze %scatter3A_717 : memref<1x4x4x8x128xf32, #tpu.memory_space<vmem>> -> memref<4x4x8x128xf32, #tpu.memory_space<vmem>>
        tpu.vector_store_idx %scatter3A_718[%shift_right_arithmetic3A_318, %broadcast_in_dim3A_708, %and3A_321, %add3A_711], %gather3A_416 : memref<4x4x8x128xf32, #tpu.memory_space<vmem>>[vector<16xi32>, vector<16xi32>, vector<16xi32>, vector<16xi32>], vector<16xf32>,
        %broadcast_in_dim3A_719 = arith.constant 1 : i32
        %broadcast_in_dim3A_720 = vector.broadcast %broadcast_in_dim3A_719 : i32 to vector<16xi32>
        %add3A_721 = arith.constant 64 : i32
        %add3A_722 = vector.broadcast %add3A_721 : i32 to vector<16xi32>
        %add3A_723 = arith.addi %iota3A, %add3A_722 : vector<16xi32>
        %scatter3A_724 = arith.constant 0 : i32
        %scatter3A_725 = arith.constant 0 : i32
        %scatter3A_726 = arith.constant 0 : i32
        %scatter3A_727 = arith.constant 0 : i32
        %scatter3A_728 = arith.constant 0 : i32
        %scatter3A_729 = tpu.memref_slice %arg7[%scatter3A_724, %scatter3A_725, %scatter3A_726, %scatter3A_727, %scatter3A_728] : memref<2x4x4x8x128xf32, #tpu.memory_space<vmem>> -> memref<1x4x4x8x128xf32, #tpu.memory_space<vmem>>
        %scatter3A_730 = tpu.memref_squeeze %scatter3A_729 : memref<1x4x4x8x128xf32, #tpu.memory_space<vmem>> -> memref<4x4x8x128xf32, #tpu.memory_space<vmem>>
        tpu.vector_store_idx %scatter3A_730[%shift_right_arithmetic3A_318, %broadcast_in_dim3A_720, %and3A_321, %add3A_723], %gather3A_424 : memref<4x4x8x128xf32, #tpu.memory_space<vmem>>[vector<16xi32>, vector<16xi32>, vector<16xi32>, vector<16xi32>], vector<16xf32>,
        %broadcast_in_dim3A_731 = arith.constant 1 : i32
        %broadcast_in_dim3A_732 = vector.broadcast %broadcast_in_dim3A_731 : i32 to vector<16xi32>
        %add3A_733 = arith.constant 80 : i32
        %add3A_734 = vector.broadcast %add3A_733 : i32 to vector<16xi32>
        %add3A_735 = arith.addi %iota3A, %add3A_734 : vector<16xi32>
        %scatter3A_736 = arith.constant 0 : i32
        %scatter3A_737 = arith.constant 0 : i32
        %scatter3A_738 = arith.constant 0 : i32
        %scatter3A_739 = arith.constant 0 : i32
        %scatter3A_740 = arith.constant 0 : i32
        %scatter3A_741 = tpu.memref_slice %arg7[%scatter3A_736, %scatter3A_737, %scatter3A_738, %scatter3A_739, %scatter3A_740] : memref<2x4x4x8x128xf32, #tpu.memory_space<vmem>> -> memref<1x4x4x8x128xf32, #tpu.memory_space<vmem>>
        %scatter3A_742 = tpu.memref_squeeze %scatter3A_741 : memref<1x4x4x8x128xf32, #tpu.memory_space<vmem>> -> memref<4x4x8x128xf32, #tpu.memory_space<vmem>>
        tpu.vector_store_idx %scatter3A_742[%shift_right_arithmetic3A_318, %broadcast_in_dim3A_732, %and3A_321, %add3A_735], %gather3A_432 : memref<4x4x8x128xf32, #tpu.memory_space<vmem>>[vector<16xi32>, vector<16xi32>, vector<16xi32>, vector<16xi32>], vector<16xf32>,
        %broadcast_in_dim3A_743 = arith.constant 1 : i32
        %broadcast_in_dim3A_744 = vector.broadcast %broadcast_in_dim3A_743 : i32 to vector<16xi32>
        %add3A_745 = arith.constant 96 : i32
        %add3A_746 = vector.broadcast %add3A_745 : i32 to vector<16xi32>
        %add3A_747 = arith.addi %iota3A, %add3A_746 : vector<16xi32>
        %scatter3A_748 = arith.constant 0 : i32
        %scatter3A_749 = arith.constant 0 : i32
        %scatter3A_750 = arith.constant 0 : i32
        %scatter3A_751 = arith.constant 0 : i32
        %scatter3A_752 = arith.constant 0 : i32
        %scatter3A_753 = tpu.memref_slice %arg7[%scatter3A_748, %scatter3A_749, %scatter3A_750, %scatter3A_751, %scatter3A_752] : memref<2x4x4x8x128xf32, #tpu.memory_space<vmem>> -> memref<1x4x4x8x128xf32, #tpu.memory_space<vmem>>
        %scatter3A_754 = tpu.memref_squeeze %scatter3A_753 : memref<1x4x4x8x128xf32, #tpu.memory_space<vmem>> -> memref<4x4x8x128xf32, #tpu.memory_space<vmem>>
        tpu.vector_store_idx %scatter3A_754[%shift_right_arithmetic3A_318, %broadcast_in_dim3A_744, %and3A_321, %add3A_747], %gather3A_440 : memref<4x4x8x128xf32, #tpu.memory_space<vmem>>[vector<16xi32>, vector<16xi32>, vector<16xi32>, vector<16xi32>], vector<16xf32>,
        %broadcast_in_dim3A_755 = arith.constant 1 : i32
        %broadcast_in_dim3A_756 = vector.broadcast %broadcast_in_dim3A_755 : i32 to vector<16xi32>
        %add3A_757 = arith.constant 112 : i32
        %add3A_758 = vector.broadcast %add3A_757 : i32 to vector<16xi32>
        %add3A_759 = arith.addi %iota3A, %add3A_758 : vector<16xi32>
        %scatter3A_760 = arith.constant 0 : i32
        %scatter3A_761 = arith.constant 0 : i32
        %scatter3A_762 = arith.constant 0 : i32
        %scatter3A_763 = arith.constant 0 : i32
        %scatter3A_764 = arith.constant 0 : i32
        %scatter3A_765 = tpu.memref_slice %arg7[%scatter3A_760, %scatter3A_761, %scatter3A_762, %scatter3A_763, %scatter3A_764] : memref<2x4x4x8x128xf32, #tpu.memory_space<vmem>> -> memref<1x4x4x8x128xf32, #tpu.memory_space<vmem>>
        %scatter3A_766 = tpu.memref_squeeze %scatter3A_765 : memref<1x4x4x8x128xf32, #tpu.memory_space<vmem>> -> memref<4x4x8x128xf32, #tpu.memory_space<vmem>>
        tpu.vector_store_idx %scatter3A_766[%shift_right_arithmetic3A_318, %broadcast_in_dim3A_756, %and3A_321, %add3A_759], %gather3A_448 : memref<4x4x8x128xf32, #tpu.memory_space<vmem>>[vector<16xi32>, vector<16xi32>, vector<16xi32>, vector<16xi32>], vector<16xf32>,
        %broadcast_in_dim3A_767 = arith.constant 2 : i32
        %broadcast_in_dim3A_768 = vector.broadcast %broadcast_in_dim3A_767 : i32 to vector<16xi32>
        %add3A_769 = arith.constant 0 : i32
        %add3A_770 = vector.broadcast %add3A_769 : i32 to vector<16xi32>
        %add3A_771 = arith.addi %iota3A, %add3A_770 : vector<16xi32>
        %scatter3A_772 = arith.constant 0 : i32
        %scatter3A_773 = arith.constant 0 : i32
        %scatter3A_774 = arith.constant 0 : i32
        %scatter3A_775 = arith.constant 0 : i32
        %scatter3A_776 = arith.constant 0 : i32
        %scatter3A_777 = tpu.memref_slice %arg7[%scatter3A_772, %scatter3A_773, %scatter3A_774, %scatter3A_775, %scatter3A_776] : memref<2x4x4x8x128xf32, #tpu.memory_space<vmem>> -> memref<1x4x4x8x128xf32, #tpu.memory_space<vmem>>
        %scatter3A_778 = tpu.memref_squeeze %scatter3A_777 : memref<1x4x4x8x128xf32, #tpu.memory_space<vmem>> -> memref<4x4x8x128xf32, #tpu.memory_space<vmem>>
        tpu.vector_store_idx %scatter3A_778[%shift_right_arithmetic3A_318, %broadcast_in_dim3A_768, %and3A_321, %add3A_771], %gather3A_456 : memref<4x4x8x128xf32, #tpu.memory_space<vmem>>[vector<16xi32>, vector<16xi32>, vector<16xi32>, vector<16xi32>], vector<16xf32>,
        %broadcast_in_dim3A_779 = arith.constant 2 : i32
        %broadcast_in_dim3A_780 = vector.broadcast %broadcast_in_dim3A_779 : i32 to vector<16xi32>
        %add3A_781 = arith.constant 16 : i32
        %add3A_782 = vector.broadcast %add3A_781 : i32 to vector<16xi32>
        %add3A_783 = arith.addi %iota3A, %add3A_782 : vector<16xi32>
        %scatter3A_784 = arith.constant 0 : i32
        %scatter3A_785 = arith.constant 0 : i32
        %scatter3A_786 = arith.constant 0 : i32
        %scatter3A_787 = arith.constant 0 : i32
        %scatter3A_788 = arith.constant 0 : i32
        %scatter3A_789 = tpu.memref_slice %arg7[%scatter3A_784, %scatter3A_785, %scatter3A_786, %scatter3A_787, %scatter3A_788] : memref<2x4x4x8x128xf32, #tpu.memory_space<vmem>> -> memref<1x4x4x8x128xf32, #tpu.memory_space<vmem>>
        %scatter3A_790 = tpu.memref_squeeze %scatter3A_789 : memref<1x4x4x8x128xf32, #tpu.memory_space<vmem>> -> memref<4x4x8x128xf32, #tpu.memory_space<vmem>>
        tpu.vector_store_idx %scatter3A_790[%shift_right_arithmetic3A_318, %broadcast_in_dim3A_780, %and3A_321, %add3A_783], %gather3A_464 : memref<4x4x8x128xf32, #tpu.memory_space<vmem>>[vector<16xi32>, vector<16xi32>, vector<16xi32>, vector<16xi32>], vector<16xf32>,
        %broadcast_in_dim3A_791 = arith.constant 2 : i32
        %broadcast_in_dim3A_792 = vector.broadcast %broadcast_in_dim3A_791 : i32 to vector<16xi32>
        %add3A_793 = arith.constant 32 : i32
        %add3A_794 = vector.broadcast %add3A_793 : i32 to vector<16xi32>
        %add3A_795 = arith.addi %iota3A, %add3A_794 : vector<16xi32>
        %scatter3A_796 = arith.constant 0 : i32
        %scatter3A_797 = arith.constant 0 : i32
        %scatter3A_798 = arith.constant 0 : i32
        %scatter3A_799 = arith.constant 0 : i32
        %scatter3A_800 = arith.constant 0 : i32
        %scatter3A_801 = tpu.memref_slice %arg7[%scatter3A_796, %scatter3A_797, %scatter3A_798, %scatter3A_799, %scatter3A_800] : memref<2x4x4x8x128xf32, #tpu.memory_space<vmem>> -> memref<1x4x4x8x128xf32, #tpu.memory_space<vmem>>
        %scatter3A_802 = tpu.memref_squeeze %scatter3A_801 : memref<1x4x4x8x128xf32, #tpu.memory_space<vmem>> -> memref<4x4x8x128xf32, #tpu.memory_space<vmem>>
        tpu.vector_store_idx %scatter3A_802[%shift_right_arithmetic3A_318, %broadcast_in_dim3A_792, %and3A_321, %add3A_795], %gather3A_472 : memref<4x4x8x128xf32, #tpu.memory_space<vmem>>[vector<16xi32>, vector<16xi32>, vector<16xi32>, vector<16xi32>], vector<16xf32>,
        %broadcast_in_dim3A_803 = arith.constant 2 : i32
        %broadcast_in_dim3A_804 = vector.broadcast %broadcast_in_dim3A_803 : i32 to vector<16xi32>
        %add3A_805 = arith.constant 48 : i32
        %add3A_806 = vector.broadcast %add3A_805 : i32 to vector<16xi32>
        %add3A_807 = arith.addi %iota3A, %add3A_806 : vector<16xi32>
        %scatter3A_808 = arith.constant 0 : i32
        %scatter3A_809 = arith.constant 0 : i32
        %scatter3A_810 = arith.constant 0 : i32
        %scatter3A_811 = arith.constant 0 : i32
        %scatter3A_812 = arith.constant 0 : i32
        %scatter3A_813 = tpu.memref_slice %arg7[%scatter3A_808, %scatter3A_809, %scatter3A_810, %scatter3A_811, %scatter3A_812] : memref<2x4x4x8x128xf32, #tpu.memory_space<vmem>> -> memref<1x4x4x8x128xf32, #tpu.memory_space<vmem>>
        %scatter3A_814 = tpu.memref_squeeze %scatter3A_813 : memref<1x4x4x8x128xf32, #tpu.memory_space<vmem>> -> memref<4x4x8x128xf32, #tpu.memory_space<vmem>>
        tpu.vector_store_idx %scatter3A_814[%shift_right_arithmetic3A_318, %broadcast_in_dim3A_804, %and3A_321, %add3A_807], %gather3A_480 : memref<4x4x8x128xf32, #tpu.memory_space<vmem>>[vector<16xi32>, vector<16xi32>, vector<16xi32>, vector<16xi32>], vector<16xf32>,
        %broadcast_in_dim3A_815 = arith.constant 2 : i32
        %broadcast_in_dim3A_816 = vector.broadcast %broadcast_in_dim3A_815 : i32 to vector<16xi32>
        %add3A_817 = arith.constant 64 : i32
        %add3A_818 = vector.broadcast %add3A_817 : i32 to vector<16xi32>
        %add3A_819 = arith.addi %iota3A, %add3A_818 : vector<16xi32>
        %scatter3A_820 = arith.constant 0 : i32
        %scatter3A_821 = arith.constant 0 : i32
        %scatter3A_822 = arith.constant 0 : i32
        %scatter3A_823 = arith.constant 0 : i32
        %scatter3A_824 = arith.constant 0 : i32
        %scatter3A_825 = tpu.memref_slice %arg7[%scatter3A_820, %scatter3A_821, %scatter3A_822, %scatter3A_823, %scatter3A_824] : memref<2x4x4x8x128xf32, #tpu.memory_space<vmem>> -> memref<1x4x4x8x128xf32, #tpu.memory_space<vmem>>
        %scatter3A_826 = tpu.memref_squeeze %scatter3A_825 : memref<1x4x4x8x128xf32, #tpu.memory_space<vmem>> -> memref<4x4x8x128xf32, #tpu.memory_space<vmem>>
        tpu.vector_store_idx %scatter3A_826[%shift_right_arithmetic3A_318, %broadcast_in_dim3A_816, %and3A_321, %add3A_819], %gather3A_488 : memref<4x4x8x128xf32, #tpu.memory_space<vmem>>[vector<16xi32>, vector<16xi32>, vector<16xi32>, vector<16xi32>], vector<16xf32>,
        %broadcast_in_dim3A_827 = arith.constant 2 : i32
        %broadcast_in_dim3A_828 = vector.broadcast %broadcast_in_dim3A_827 : i32 to vector<16xi32>
        %add3A_829 = arith.constant 80 : i32
        %add3A_830 = vector.broadcast %add3A_829 : i32 to vector<16xi32>
        %add3A_831 = arith.addi %iota3A, %add3A_830 : vector<16xi32>
        %scatter3A_832 = arith.constant 0 : i32
        %scatter3A_833 = arith.constant 0 : i32
        %scatter3A_834 = arith.constant 0 : i32
        %scatter3A_835 = arith.constant 0 : i32
        %scatter3A_836 = arith.constant 0 : i32
        %scatter3A_837 = tpu.memref_slice %arg7[%scatter3A_832, %scatter3A_833, %scatter3A_834, %scatter3A_835, %scatter3A_836] : memref<2x4x4x8x128xf32, #tpu.memory_space<vmem>> -> memref<1x4x4x8x128xf32, #tpu.memory_space<vmem>>
        %scatter3A_838 = tpu.memref_squeeze %scatter3A_837 : memref<1x4x4x8x128xf32, #tpu.memory_space<vmem>> -> memref<4x4x8x128xf32, #tpu.memory_space<vmem>>
        tpu.vector_store_idx %scatter3A_838[%shift_right_arithmetic3A_318, %broadcast_in_dim3A_828, %and3A_321, %add3A_831], %gather3A_496 : memref<4x4x8x128xf32, #tpu.memory_space<vmem>>[vector<16xi32>, vector<16xi32>, vector<16xi32>, vector<16xi32>], vector<16xf32>,
        %broadcast_in_dim3A_839 = arith.constant 2 : i32
        %broadcast_in_dim3A_840 = vector.broadcast %broadcast_in_dim3A_839 : i32 to vector<16xi32>
        %add3A_841 = arith.constant 96 : i32
        %add3A_842 = vector.broadcast %add3A_841 : i32 to vector<16xi32>
        %add3A_843 = arith.addi %iota3A, %add3A_842 : vector<16xi32>
        %scatter3A_844 = arith.constant 0 : i32
        %scatter3A_845 = arith.constant 0 : i32
        %scatter3A_846 = arith.constant 0 : i32
        %scatter3A_847 = arith.constant 0 : i32
        %scatter3A_848 = arith.constant 0 : i32
        %scatter3A_849 = tpu.memref_slice %arg7[%scatter3A_844, %scatter3A_845, %scatter3A_846, %scatter3A_847, %scatter3A_848] : memref<2x4x4x8x128xf32, #tpu.memory_space<vmem>> -> memref<1x4x4x8x128xf32, #tpu.memory_space<vmem>>
        %scatter3A_850 = tpu.memref_squeeze %scatter3A_849 : memref<1x4x4x8x128xf32, #tpu.memory_space<vmem>> -> memref<4x4x8x128xf32, #tpu.memory_space<vmem>>
        tpu.vector_store_idx %scatter3A_850[%shift_right_arithmetic3A_318, %broadcast_in_dim3A_840, %and3A_321, %add3A_843], %gather3A_504 : memref<4x4x8x128xf32, #tpu.memory_space<vmem>>[vector<16xi32>, vector<16xi32>, vector<16xi32>, vector<16xi32>], vector<16xf32>,
        %broadcast_in_dim3A_851 = arith.constant 2 : i32
        %broadcast_in_dim3A_852 = vector.broadcast %broadcast_in_dim3A_851 : i32 to vector<16xi32>
        %add3A_853 = arith.constant 112 : i32
        %add3A_854 = vector.broadcast %add3A_853 : i32 to vector<16xi32>
        %add3A_855 = arith.addi %iota3A, %add3A_854 : vector<16xi32>
        %scatter3A_856 = arith.constant 0 : i32
        %scatter3A_857 = arith.constant 0 : i32
        %scatter3A_858 = arith.constant 0 : i32
        %scatter3A_859 = arith.constant 0 : i32
        %scatter3A_860 = arith.constant 0 : i32
        %scatter3A_861 = tpu.memref_slice %arg7[%scatter3A_856, %scatter3A_857, %scatter3A_858, %scatter3A_859, %scatter3A_860] : memref<2x4x4x8x128xf32, #tpu.memory_space<vmem>> -> memref<1x4x4x8x128xf32, #tpu.memory_space<vmem>>
        %scatter3A_862 = tpu.memref_squeeze %scatter3A_861 : memref<1x4x4x8x128xf32, #tpu.memory_space<vmem>> -> memref<4x4x8x128xf32, #tpu.memory_space<vmem>>
        tpu.vector_store_idx %scatter3A_862[%shift_right_arithmetic3A_318, %broadcast_in_dim3A_852, %and3A_321, %add3A_855], %gather3A_512 : memref<4x4x8x128xf32, #tpu.memory_space<vmem>>[vector<16xi32>, vector<16xi32>, vector<16xi32>, vector<16xi32>], vector<16xf32>,
        %broadcast_in_dim3A_863 = arith.constant 3 : i32
        %broadcast_in_dim3A_864 = vector.broadcast %broadcast_in_dim3A_863 : i32 to vector<16xi32>
        %add3A_865 = arith.constant 0 : i32
        %add3A_866 = vector.broadcast %add3A_865 : i32 to vector<16xi32>
        %add3A_867 = arith.addi %iota3A, %add3A_866 : vector<16xi32>
        %scatter3A_868 = arith.constant 0 : i32
        %scatter3A_869 = arith.constant 0 : i32
        %scatter3A_870 = arith.constant 0 : i32
        %scatter3A_871 = arith.constant 0 : i32
        %scatter3A_872 = arith.constant 0 : i32
        %scatter3A_873 = tpu.memref_slice %arg7[%scatter3A_868, %scatter3A_869, %scatter3A_870, %scatter3A_871, %scatter3A_872] : memref<2x4x4x8x128xf32, #tpu.memory_space<vmem>> -> memref<1x4x4x8x128xf32, #tpu.memory_space<vmem>>
        %scatter3A_874 = tpu.memref_squeeze %scatter3A_873 : memref<1x4x4x8x128xf32, #tpu.memory_space<vmem>> -> memref<4x4x8x128xf32, #tpu.memory_space<vmem>>
        tpu.vector_store_idx %scatter3A_874[%shift_right_arithmetic3A_318, %broadcast_in_dim3A_864, %and3A_321, %add3A_867], %gather3A_520 : memref<4x4x8x128xf32, #tpu.memory_space<vmem>>[vector<16xi32>, vector<16xi32>, vector<16xi32>, vector<16xi32>], vector<16xf32>,
        %broadcast_in_dim3A_875 = arith.constant 3 : i32
        %broadcast_in_dim3A_876 = vector.broadcast %broadcast_in_dim3A_875 : i32 to vector<16xi32>
        %add3A_877 = arith.constant 16 : i32
        %add3A_878 = vector.broadcast %add3A_877 : i32 to vector<16xi32>
        %add3A_879 = arith.addi %iota3A, %add3A_878 : vector<16xi32>
        %scatter3A_880 = arith.constant 0 : i32
        %scatter3A_881 = arith.constant 0 : i32
        %scatter3A_882 = arith.constant 0 : i32
        %scatter3A_883 = arith.constant 0 : i32
        %scatter3A_884 = arith.constant 0 : i32
        %scatter3A_885 = tpu.memref_slice %arg7[%scatter3A_880, %scatter3A_881, %scatter3A_882, %scatter3A_883, %scatter3A_884] : memref<2x4x4x8x128xf32, #tpu.memory_space<vmem>> -> memref<1x4x4x8x128xf32, #tpu.memory_space<vmem>>
        %scatter3A_886 = tpu.memref_squeeze %scatter3A_885 : memref<1x4x4x8x128xf32, #tpu.memory_space<vmem>> -> memref<4x4x8x128xf32, #tpu.memory_space<vmem>>
        tpu.vector_store_idx %scatter3A_886[%shift_right_arithmetic3A_318, %broadcast_in_dim3A_876, %and3A_321, %add3A_879], %gather3A_528 : memref<4x4x8x128xf32, #tpu.memory_space<vmem>>[vector<16xi32>, vector<16xi32>, vector<16xi32>, vector<16xi32>], vector<16xf32>,
        %broadcast_in_dim3A_887 = arith.constant 3 : i32
        %broadcast_in_dim3A_888 = vector.broadcast %broadcast_in_dim3A_887 : i32 to vector<16xi32>
        %add3A_889 = arith.constant 32 : i32
        %add3A_890 = vector.broadcast %add3A_889 : i32 to vector<16xi32>
        %add3A_891 = arith.addi %iota3A, %add3A_890 : vector<16xi32>
        %scatter3A_892 = arith.constant 0 : i32
        %scatter3A_893 = arith.constant 0 : i32
        %scatter3A_894 = arith.constant 0 : i32
        %scatter3A_895 = arith.constant 0 : i32
        %scatter3A_896 = arith.constant 0 : i32
        %scatter3A_897 = tpu.memref_slice %arg7[%scatter3A_892, %scatter3A_893, %scatter3A_894, %scatter3A_895, %scatter3A_896] : memref<2x4x4x8x128xf32, #tpu.memory_space<vmem>> -> memref<1x4x4x8x128xf32, #tpu.memory_space<vmem>>
        %scatter3A_898 = tpu.memref_squeeze %scatter3A_897 : memref<1x4x4x8x128xf32, #tpu.memory_space<vmem>> -> memref<4x4x8x128xf32, #tpu.memory_space<vmem>>
        tpu.vector_store_idx %scatter3A_898[%shift_right_arithmetic3A_318, %broadcast_in_dim3A_888, %and3A_321, %add3A_891], %gather3A_536 : memref<4x4x8x128xf32, #tpu.memory_space<vmem>>[vector<16xi32>, vector<16xi32>, vector<16xi32>, vector<16xi32>], vector<16xf32>,
        %broadcast_in_dim3A_899 = arith.constant 3 : i32
        %broadcast_in_dim3A_900 = vector.broadcast %broadcast_in_dim3A_899 : i32 to vector<16xi32>
        %add3A_901 = arith.constant 48 : i32
        %add3A_902 = vector.broadcast %add3A_901 : i32 to vector<16xi32>
        %add3A_903 = arith.addi %iota3A, %add3A_902 : vector<16xi32>
        %scatter3A_904 = arith.constant 0 : i32
        %scatter3A_905 = arith.constant 0 : i32
        %scatter3A_906 = arith.constant 0 : i32
        %scatter3A_907 = arith.constant 0 : i32
        %scatter3A_908 = arith.constant 0 : i32
        %scatter3A_909 = tpu.memref_slice %arg7[%scatter3A_904, %scatter3A_905, %scatter3A_906, %scatter3A_907, %scatter3A_908] : memref<2x4x4x8x128xf32, #tpu.memory_space<vmem>> -> memref<1x4x4x8x128xf32, #tpu.memory_space<vmem>>
        %scatter3A_910 = tpu.memref_squeeze %scatter3A_909 : memref<1x4x4x8x128xf32, #tpu.memory_space<vmem>> -> memref<4x4x8x128xf32, #tpu.memory_space<vmem>>
        tpu.vector_store_idx %scatter3A_910[%shift_right_arithmetic3A_318, %broadcast_in_dim3A_900, %and3A_321, %add3A_903], %gather3A_544 : memref<4x4x8x128xf32, #tpu.memory_space<vmem>>[vector<16xi32>, vector<16xi32>, vector<16xi32>, vector<16xi32>], vector<16xf32>,
        %broadcast_in_dim3A_911 = arith.constant 3 : i32
        %broadcast_in_dim3A_912 = vector.broadcast %broadcast_in_dim3A_911 : i32 to vector<16xi32>
        %add3A_913 = arith.constant 64 : i32
        %add3A_914 = vector.broadcast %add3A_913 : i32 to vector<16xi32>
        %add3A_915 = arith.addi %iota3A, %add3A_914 : vector<16xi32>
        %scatter3A_916 = arith.constant 0 : i32
        %scatter3A_917 = arith.constant 0 : i32
        %scatter3A_918 = arith.constant 0 : i32
        %scatter3A_919 = arith.constant 0 : i32
        %scatter3A_920 = arith.constant 0 : i32
        %scatter3A_921 = tpu.memref_slice %arg7[%scatter3A_916, %scatter3A_917, %scatter3A_918, %scatter3A_919, %scatter3A_920] : memref<2x4x4x8x128xf32, #tpu.memory_space<vmem>> -> memref<1x4x4x8x128xf32, #tpu.memory_space<vmem>>
        %scatter3A_922 = tpu.memref_squeeze %scatter3A_921 : memref<1x4x4x8x128xf32, #tpu.memory_space<vmem>> -> memref<4x4x8x128xf32, #tpu.memory_space<vmem>>
        tpu.vector_store_idx %scatter3A_922[%shift_right_arithmetic3A_318, %broadcast_in_dim3A_912, %and3A_321, %add3A_915], %gather3A_552 : memref<4x4x8x128xf32, #tpu.memory_space<vmem>>[vector<16xi32>, vector<16xi32>, vector<16xi32>, vector<16xi32>], vector<16xf32>,
        %broadcast_in_dim3A_923 = arith.constant 3 : i32
        %broadcast_in_dim3A_924 = vector.broadcast %broadcast_in_dim3A_923 : i32 to vector<16xi32>
        %add3A_925 = arith.constant 80 : i32
        %add3A_926 = vector.broadcast %add3A_925 : i32 to vector<16xi32>
        %add3A_927 = arith.addi %iota3A, %add3A_926 : vector<16xi32>
        %scatter3A_928 = arith.constant 0 : i32
        %scatter3A_929 = arith.constant 0 : i32
        %scatter3A_930 = arith.constant 0 : i32
        %scatter3A_931 = arith.constant 0 : i32
        %scatter3A_932 = arith.constant 0 : i32
        %scatter3A_933 = tpu.memref_slice %arg7[%scatter3A_928, %scatter3A_929, %scatter3A_930, %scatter3A_931, %scatter3A_932] : memref<2x4x4x8x128xf32, #tpu.memory_space<vmem>> -> memref<1x4x4x8x128xf32, #tpu.memory_space<vmem>>
        %scatter3A_934 = tpu.memref_squeeze %scatter3A_933 : memref<1x4x4x8x128xf32, #tpu.memory_space<vmem>> -> memref<4x4x8x128xf32, #tpu.memory_space<vmem>>
        tpu.vector_store_idx %scatter3A_934[%shift_right_arithmetic3A_318, %broadcast_in_dim3A_924, %and3A_321, %add3A_927], %gather3A_560 : memref<4x4x8x128xf32, #tpu.memory_space<vmem>>[vector<16xi32>, vector<16xi32>, vector<16xi32>, vector<16xi32>], vector<16xf32>,
        %broadcast_in_dim3A_935 = arith.constant 3 : i32
        %broadcast_in_dim3A_936 = vector.broadcast %broadcast_in_dim3A_935 : i32 to vector<16xi32>
        %add3A_937 = arith.constant 96 : i32
        %add3A_938 = vector.broadcast %add3A_937 : i32 to vector<16xi32>
        %add3A_939 = arith.addi %iota3A, %add3A_938 : vector<16xi32>
        %scatter3A_940 = arith.constant 0 : i32
        %scatter3A_941 = arith.constant 0 : i32
        %scatter3A_942 = arith.constant 0 : i32
        %scatter3A_943 = arith.constant 0 : i32
        %scatter3A_944 = arith.constant 0 : i32
        %scatter3A_945 = tpu.memref_slice %arg7[%scatter3A_940, %scatter3A_941, %scatter3A_942, %scatter3A_943, %scatter3A_944] : memref<2x4x4x8x128xf32, #tpu.memory_space<vmem>> -> memref<1x4x4x8x128xf32, #tpu.memory_space<vmem>>
        %scatter3A_946 = tpu.memref_squeeze %scatter3A_945 : memref<1x4x4x8x128xf32, #tpu.memory_space<vmem>> -> memref<4x4x8x128xf32, #tpu.memory_space<vmem>>
        tpu.vector_store_idx %scatter3A_946[%shift_right_arithmetic3A_318, %broadcast_in_dim3A_936, %and3A_321, %add3A_939], %gather3A_568 : memref<4x4x8x128xf32, #tpu.memory_space<vmem>>[vector<16xi32>, vector<16xi32>, vector<16xi32>, vector<16xi32>], vector<16xf32>,
        %broadcast_in_dim3A_947 = arith.constant 3 : i32
        %broadcast_in_dim3A_948 = vector.broadcast %broadcast_in_dim3A_947 : i32 to vector<16xi32>
        %add3A_949 = arith.constant 112 : i32
        %add3A_950 = vector.broadcast %add3A_949 : i32 to vector<16xi32>
        %add3A_951 = arith.addi %iota3A, %add3A_950 : vector<16xi32>
        %scatter3A_952 = arith.constant 0 : i32
        %scatter3A_953 = arith.constant 0 : i32
        %scatter3A_954 = arith.constant 0 : i32
        %scatter3A_955 = arith.constant 0 : i32
        %scatter3A_956 = arith.constant 0 : i32
        %scatter3A_957 = tpu.memref_slice %arg7[%scatter3A_952, %scatter3A_953, %scatter3A_954, %scatter3A_955, %scatter3A_956] : memref<2x4x4x8x128xf32, #tpu.memory_space<vmem>> -> memref<1x4x4x8x128xf32, #tpu.memory_space<vmem>>
        %scatter3A_958 = tpu.memref_squeeze %scatter3A_957 : memref<1x4x4x8x128xf32, #tpu.memory_space<vmem>> -> memref<4x4x8x128xf32, #tpu.memory_space<vmem>>
        tpu.vector_store_idx %scatter3A_958[%shift_right_arithmetic3A_318, %broadcast_in_dim3A_948, %and3A_321, %add3A_951], %gather3A_576 : memref<4x4x8x128xf32, #tpu.memory_space<vmem>>[vector<16xi32>, vector<16xi32>, vector<16xi32>, vector<16xi32>], vector<16xf32>,
      }
      %scan3A_145 = arith.constant 32 : i32
      %add3A_146 = arith.addi %mul3A_2, %add3A_111 : i32
      %jit3A = arith.constant 32 : i32
      %div3A = arith.divsi %add3A_146, %jit3A : i32
      %sign3A = arith.constant 0 : i32
      %sign3A_147 = arith.cmpi sgt, %add3A_146, %sign3A : i32
      %sign3A_148 = arith.extui %sign3A_147 : i1 to i32
      %sign3A_149 = arith.constant 0 : i32
      %sign3A_150 = arith.cmpi slt, %add3A_146, %sign3A_149 : i32
      %sign3A_151 = arith.extui %sign3A_150 : i1 to i32
      %sign3A_152 = arith.subi %sign3A_148, %sign3A_151 : i32
      %sign3A_153 = arith.constant 0 : i32
      %sign3A_154 = arith.cmpi sgt, %jit3A, %sign3A_153 : i32
      %sign3A_155 = arith.extui %sign3A_154 : i1 to i32
      %sign3A_156 = arith.constant 0 : i32
      %sign3A_157 = arith.cmpi slt, %jit3A, %sign3A_156 : i32
      %sign3A_158 = arith.extui %sign3A_157 : i1 to i32
      %sign3A_159 = arith.subi %sign3A_155, %sign3A_158 : i32
      %ne3A = arith.cmpi ne, %sign3A_152, %sign3A_159 : i32
      %rem3A = arith.remsi %add3A_146, %jit3A : i32
      %ne3A_160 = arith.constant 0 : i32
      %ne3A_161 = arith.cmpi ne, %rem3A, %ne3A_160 : i32
      %and3A = arith.andi %ne3A, %ne3A_161 : i1
      %sub3A = arith.constant 1 : i32
      %sub3A_162 = arith.subi %div3A, %sub3A : i32
      %select_n3A = arith.select %and3A, %sub3A_162, %div3A : i32
      %jit3A_163 = arith.constant 32 : i32
      %eq3A = arith.constant 0 : i32
      %eq3A_164 = arith.cmpi eq, %jit3A_163, %eq3A : i32
      %jit3A_165 = arith.constant 1 : i32
      %select_n3A_166 = arith.select %eq3A_164, %jit3A_165, %jit3A_163 : i32
      %rem3A_167 = arith.remsi %add3A_146, %select_n3A_166 : i32
      %ne3A_168 = arith.constant 0 : i32
      %ne3A_169 = arith.cmpi ne, %rem3A_167, %ne3A_168 : i32
      %lt3A_170 = arith.constant 0 : i32
      %lt3A_171 = arith.cmpi slt, %rem3A_167, %lt3A_170 : i32
      %lt3A_172 = arith.constant 0 : i32
      %lt3A_173 = arith.cmpi slt, %select_n3A_166, %lt3A_172 : i32
      %ne3A_174 = arith.xori %lt3A_171, %lt3A_173 : i1
      %and3A_175 = arith.andi %ne3A_174, %ne3A_169 : i1
      %add3A_176 = arith.addi %rem3A_167, %select_n3A_166 : i32
      %select_n3A_177 = arith.select %and3A_175, %add3A_176, %rem3A_167 : i32
      %mul3A_178 = arith.constant 4 : i32
      %mul3A_179 = arith.muli %select_n3A_177, %mul3A_178 : i32
      %dma_start3A_180 = arith.constant 0 : i32
      %dma_start3A_181 = arith.constant 0 : i32
      %dma_start3A_182 = arith.constant 0 : i32
      %dma_start3A_183 = arith.constant 0 : i32
      %dma_start3A_184 = arith.constant 0 : i32
      %dma_start3A_185 = tpu.memref_slice %arg7[%dma_start3A_180, %dma_start3A_181, %dma_start3A_182, %dma_start3A_183, %dma_start3A_184] : memref<2x4x4x8x128xf32, #tpu.memory_space<vmem>> -> memref<1x4x4x8x128xf32, #tpu.memory_space<vmem>>
      %dma_start3A_186 = tpu.memref_squeeze %dma_start3A_185 : memref<1x4x4x8x128xf32, #tpu.memory_space<vmem>> -> memref<4x4x8x128xf32, #tpu.memory_space<vmem>>
      %dma_start3A_187 = arith.constant 0 : i32
      %dma_start3A_188 = arith.constant 0 : i32
      %dma_start3A_189 = arith.constant 0 : i32
      %dma_start3A_190 = tpu.memref_slice %arg4[%select_n3A, %dma_start3A_187, %mul3A_179, %dma_start3A_188, %dma_start3A_189] : memref<200x4x128x8x128xf32, #tpu.memory_space<hbm>> -> memref<1x4x4x8x128xf32, #tpu.memory_space<hbm>>
      %dma_start3A_191 = tpu.memref_squeeze %dma_start3A_190 : memref<1x4x4x8x128xf32, #tpu.memory_space<hbm>> -> memref<4x4x8x128xf32, #tpu.memory_space<hbm>>
      %dma_start3A_192 = arith.constant 0 : i32
      %dma_start3A_193 = arith.constant 0 : i32
      %dma_start3A_194 = arith.constant 0 : i32
      %dma_start3A_195 = tpu.memref_slice %arg4[%select_n3A, %dma_start3A_192, %mul3A_179, %dma_start3A_193, %dma_start3A_194] : memref<200x4x128x8x128xf32, #tpu.memory_space<hbm>> -> memref<1x4x4x8x128xf32, #tpu.memory_space<hbm>>
      %dma_start3A_196 = tpu.memref_squeeze %dma_start3A_195 : memref<1x4x4x8x128xf32, #tpu.memory_space<hbm>> -> memref<4x4x8x128xf32, #tpu.memory_space<hbm>>
      %dma_start3A_197 = arith.constant 0 : i32
      %dma_start3A_198 = arith.constant 0 : i32
      %dma_start3A_199 = arith.constant 0 : i32
      %dma_start3A_200 = arith.constant 0 : i32
      %dma_start3A_201 = tpu.memref_slice %arg7[%dma_start3A_180, %dma_start3A_197, %dma_start3A_198, %dma_start3A_199, %dma_start3A_200] : memref<2x4x4x8x128xf32, #tpu.memory_space<vmem>> -> memref<1x4x4x8x128xf32, #tpu.memory_space<vmem>>
      %dma_start3A_202 = tpu.memref_squeeze %dma_start3A_201 : memref<1x4x4x8x128xf32, #tpu.memory_space<vmem>> -> memref<4x4x8x128xf32, #tpu.memory_space<vmem>>
      tpu.enqueue_dma source(%dma_start3A_202 : memref<4x4x8x128xf32, #tpu.memory_space<vmem>>) target(%dma_start3A_196 : memref<4x4x8x128xf32, #tpu.memory_space<hbm>>) target_semaphore(%arg12 : memref<!tpu.dma_semaphore, #tpu.memory_space<semaphore_mem>>)
      %mul3A_203 = arith.constant 2 : i32
      %mul3A_204 = arith.muli %mul3A_203, %scan3A_107 : i32
      %add3A_205 = arith.constant 1 : i32
      %add3A_206 = arith.addi %mul3A_204, %add3A_205 : i32
      %dma_wait3A_207 = arith.constant 1 : i32
      %dma_wait3A_208 = arith.constant 1 : i32
      %dma_wait3A_209 = arith.constant 0 : i32
      %dma_wait3A_210 = arith.constant 0 : i32
      %dma_wait3A_211 = tpu.memref_slice %arg6[%dma_wait3A_208, %dma_wait3A_209, %dma_wait3A_210] : memref<2x512x32xf32, #tpu.memory_space<vmem>> -> memref<1x512x32xf32, #tpu.memory_space<vmem>>
      %dma_wait3A_212 = tpu.memref_squeeze %dma_wait3A_211 : memref<1x512x32xf32, #tpu.memory_space<vmem>> -> memref<512x32xf32, #tpu.memory_space<vmem>>
      %dma_wait3A_213 = arith.constant 0 : i32
      %dma_wait3A_214 = tpu.memref_slice %arg5[%dma_wait3A_207, %dma_wait3A_213] : memref<2x512xi32, #tpu.memory_space<vmem>> -> memref<1x512xi32, #tpu.memory_space<vmem>>
      %dma_wait3A_215 = tpu.memref_squeeze %dma_wait3A_214 : memref<1x512xi32, #tpu.memory_space<vmem>> -> memref<512xi32, #tpu.memory_space<vmem>>
      %dma_wait3A_216 = arith.constant 0 : i32
      %dma_wait3A_217 = arith.constant 0 : i32
      %dma_wait3A_218 = tpu.memref_slice %arg3[%dma_wait3A_216, %dma_wait3A_217] : memref<1000000x32xf32, #tpu.memory_space<hbm>> -> memref<1000000x32xf32, #tpu.memory_space<hbm>>
      tpu.wait_indirect_dma semaphore(%arg11 : memref<!tpu.dma_semaphore, #tpu.memory_space<semaphore_mem>>) src(%dma_wait3A_218 : memref<1000000x32xf32, #tpu.memory_space<hbm>>) dst(%dma_wait3A_212 : memref<512x32xf32, #tpu.memory_space<vmem>>)
      %add3A_219 = arith.constant 2 : i32
      %add3A_220 = arith.addi %add3A_206, %add3A_219 : i32
      %lt3A_221 = arith.constant 200 : i32
      %lt3A_222 = arith.cmpi slt, %add3A_220, %lt3A_221 : i32
      %convert_element_type3A_223 = arith.extui %lt3A_222 : i1 to i32
      %cond3A_224 = arith.constant 0 : i32
      %cond3A_225 = arith.cmpi ne, %convert_element_type3A_223, %cond3A_224 : i32
      scf.if %cond3A_225 {
        %add3A_311 = arith.constant 2 : i32
        %add3A_312 = arith.addi %add3A_206, %add3A_311 : i32
        %add3A_313 = arith.addi %mul3A_2, %add3A_312 : i32
        %mul3A_314 = arith.constant 512 : i32
        %mul3A_315 = arith.muli %add3A_313, %mul3A_314 : i32
        %dma_start3A_316 = arith.constant 1 : i32
        %dma_start3A_317 = arith.constant 0 : i32
        %dma_start3A_318 = tpu.memref_slice %arg5[%dma_start3A_316, %dma_start3A_317] : memref<2x512xi32, #tpu.memory_space<vmem>> -> memref<1x512xi32, #tpu.memory_space<vmem>>
        %dma_start3A_319 = tpu.memref_squeeze %dma_start3A_318 : memref<1x512xi32, #tpu.memory_space<vmem>> -> memref<512xi32, #tpu.memory_space<vmem>>
        %dma_start3A_320 = tpu.memref_slice %arg2[%mul3A_315] : memref<3276800xi32, #tpu.memory_space<hbm>> -> memref<512xi32, #tpu.memory_space<hbm>>
        %dma_start3A_321 = arith.constant 0 : i32
        %dma_start3A_322 = tpu.memref_slice %arg5[%dma_start3A_316, %dma_start3A_321] : memref<2x512xi32, #tpu.memory_space<vmem>> -> memref<1x512xi32, #tpu.memory_space<vmem>>
        %dma_start3A_323 = tpu.memref_squeeze %dma_start3A_322 : memref<1x512xi32, #tpu.memory_space<vmem>> -> memref<512xi32, #tpu.memory_space<vmem>>
        %dma_start3A_324 = tpu.memref_slice %arg2[%mul3A_315] : memref<3276800xi32, #tpu.memory_space<hbm>> -> memref<512xi32, #tpu.memory_space<hbm>>
        tpu.enqueue_dma source(%dma_start3A_324 : memref<512xi32, #tpu.memory_space<hbm>>) target(%dma_start3A_323 : memref<512xi32, #tpu.memory_space<vmem>>) target_semaphore(%arg9 : memref<!tpu.dma_semaphore, #tpu.memory_space<semaphore_mem>>)
      } else {
      }
      %add3A_226 = arith.constant 1 : i32
      %add3A_227 = arith.addi %add3A_206, %add3A_226 : i32
      %lt3A_228 = arith.constant 200 : i32
      %lt3A_229 = arith.cmpi slt, %add3A_227, %lt3A_228 : i32
      %convert_element_type3A_230 = arith.extui %lt3A_229 : i1 to i32
      %cond3A_231 = arith.constant 0 : i32
      %cond3A_232 = arith.cmpi ne, %convert_element_type3A_230, %cond3A_231 : i32
      scf.if %cond3A_232 {
        %dma_wait3A_311 = arith.constant 0 : i32
        %dma_wait3A_312 = arith.constant 0 : i32
        %dma_wait3A_313 = tpu.memref_slice %arg5[%dma_wait3A_311, %dma_wait3A_312] : memref<2x512xi32, #tpu.memory_space<vmem>> -> memref<1x512xi32, #tpu.memory_space<vmem>>
        %dma_wait3A_314 = tpu.memref_squeeze %dma_wait3A_313 : memref<1x512xi32, #tpu.memory_space<vmem>> -> memref<512xi32, #tpu.memory_space<vmem>>
        %dma_wait3A_315 = arith.constant 0 : i32
        %dma_wait3A_316 = tpu.memref_slice %arg2[%dma_wait3A_315] : memref<3276800xi32, #tpu.memory_space<hbm>> -> memref<512xi32, #tpu.memory_space<hbm>>
        %dma_wait3A_317 = arith.constant 0 : i32
        %dma_wait3A_318 = tpu.memref_slice %arg5[%dma_wait3A_311, %dma_wait3A_317] : memref<2x512xi32, #tpu.memory_space<vmem>> -> memref<1x512xi32, #tpu.memory_space<vmem>>
        %dma_wait3A_319 = tpu.memref_squeeze %dma_wait3A_318 : memref<1x512xi32, #tpu.memory_space<vmem>> -> memref<512xi32, #tpu.memory_space<vmem>>
        %dma_wait3A_320 = arith.constant 0 : i32
        %dma_wait3A_321 = tpu.memref_slice %arg2[%dma_wait3A_320] : memref<3276800xi32, #tpu.memory_space<hbm>> -> memref<512xi32, #tpu.memory_space<hbm>>
        tpu.wait_dma2 semaphore(%arg8 : memref<!tpu.dma_semaphore, #tpu.memory_space<semaphore_mem>>) src(%dma_wait3A_321 : memref<512xi32, #tpu.memory_space<hbm>>) dst(%dma_wait3A_319 : memref<512xi32, #tpu.memory_space<vmem>>)
        %dma_start3A_322 = arith.constant 0 : i32
        %dma_start3A_323 = arith.constant 0 : i32
        %dma_start3A_324 = arith.constant 0 : i32
        %dma_start3A_325 = arith.constant 0 : i32
        %dma_start3A_326 = tpu.memref_slice %arg6[%dma_start3A_323, %dma_start3A_324, %dma_start3A_325] : memref<2x512x32xf32, #tpu.memory_space<vmem>> -> memref<1x512x32xf32, #tpu.memory_space<vmem>>
        %dma_start3A_327 = tpu.memref_squeeze %dma_start3A_326 : memref<1x512x32xf32, #tpu.memory_space<vmem>> -> memref<512x32xf32, #tpu.memory_space<vmem>>
        %dma_start3A_328 = arith.constant 0 : i32
        %dma_start3A_329 = tpu.memref_slice %arg5[%dma_start3A_322, %dma_start3A_328] : memref<2x512xi32, #tpu.memory_space<vmem>> -> memref<1x512xi32, #tpu.memory_space<vmem>>
        %dma_start3A_330 = tpu.memref_squeeze %dma_start3A_329 : memref<1x512xi32, #tpu.memory_space<vmem>> -> memref<512xi32, #tpu.memory_space<vmem>>
        %dma_start3A_331 = arith.constant 0 : i32
        %dma_start3A_332 = arith.constant 0 : i32
        %dma_start3A_333 = tpu.memref_slice %arg3[%dma_start3A_331, %dma_start3A_332] : memref<1000000x32xf32, #tpu.memory_space<hbm>> -> memref<1000000x32xf32, #tpu.memory_space<hbm>>
        tpu.enqueue_indirect_dma source(%dma_start3A_333 : memref<1000000x32xf32, #tpu.memory_space<hbm>>) target(%dma_start3A_327 : memref<512x32xf32, #tpu.memory_space<vmem>>) offsets(%dma_start3A_330 : memref<512xi32, #tpu.memory_space<vmem>>) semaphore(%arg10 : memref<!tpu.dma_semaphore, #tpu.memory_space<semaphore_mem>>)
      } else {
      }
      %ge3A_233 = arith.constant 2 : i32
      %ge3A_234 = arith.cmpi sge, %add3A_206, %ge3A_233 : i32
      %convert_element_type3A_235 = arith.extui %ge3A_234 : i1 to i32
      %cond3A_236 = arith.constant 0 : i32
      %cond3A_237 = arith.cmpi ne, %convert_element_type3A_235, %cond3A_236 : i32
      scf.if %cond3A_237 {
        %dma_wait3A_311 = arith.constant 1 : i32
        %dma_wait3A_312 = arith.constant 0 : i32
        %dma_wait3A_313 = arith.constant 0 : i32
        %dma_wait3A_314 = arith.constant 0 : i32
        %dma_wait3A_315 = arith.constant 0 : i32
        %dma_wait3A_316 = arith.constant 0 : i32
        %dma_wait3A_317 = tpu.memref_slice %arg7[%dma_wait3A_311, %dma_wait3A_313, %dma_wait3A_314, %dma_wait3A_315, %dma_wait3A_316] : memref<2x4x4x8x128xf32, #tpu.memory_space<vmem>> -> memref<1x4x4x8x128xf32, #tpu.memory_space<vmem>>
        %dma_wait3A_318 = tpu.memref_squeeze %dma_wait3A_317 : memref<1x4x4x8x128xf32, #tpu.memory_space<vmem>> -> memref<4x4x8x128xf32, #tpu.memory_space<vmem>>
        %dma_wait3A_319 = arith.constant 0 : i32
        %dma_wait3A_320 = arith.constant 0 : i32
        %dma_wait3A_321 = arith.constant 0 : i32
        %dma_wait3A_322 = arith.constant 0 : i32
        %dma_wait3A_323 = tpu.memref_slice %arg4[%dma_wait3A_312, %dma_wait3A_319, %dma_wait3A_320, %dma_wait3A_321, %dma_wait3A_322] : memref<200x4x128x8x128xf32, #tpu.memory_space<hbm>> -> memref<1x4x4x8x128xf32, #tpu.memory_space<hbm>>
        %dma_wait3A_324 = tpu.memref_squeeze %dma_wait3A_323 : memref<1x4x4x8x128xf32, #tpu.memory_space<hbm>> -> memref<4x4x8x128xf32, #tpu.memory_space<hbm>>
        %dma_wait3A_325 = arith.constant 0 : i32
        %dma_wait3A_326 = arith.constant 0 : i32
        %dma_wait3A_327 = arith.constant 0 : i32
        %dma_wait3A_328 = arith.constant 0 : i32
        %dma_wait3A_329 = tpu.memref_slice %arg4[%dma_wait3A_312, %dma_wait3A_325, %dma_wait3A_326, %dma_wait3A_327, %dma_wait3A_328] : memref<200x4x128x8x128xf32, #tpu.memory_space<hbm>> -> memref<1x4x4x8x128xf32, #tpu.memory_space<hbm>>
        %dma_wait3A_330 = tpu.memref_squeeze %dma_wait3A_329 : memref<1x4x4x8x128xf32, #tpu.memory_space<hbm>> -> memref<4x4x8x128xf32, #tpu.memory_space<hbm>>
        %dma_wait3A_331 = arith.constant 0 : i32
        %dma_wait3A_332 = arith.constant 0 : i32
        %dma_wait3A_333 = arith.constant 0 : i32
        %dma_wait3A_334 = arith.constant 0 : i32
        %dma_wait3A_335 = tpu.memref_slice %arg7[%dma_wait3A_311, %dma_wait3A_331, %dma_wait3A_332, %dma_wait3A_333, %dma_wait3A_334] : memref<2x4x4x8x128xf32, #tpu.memory_space<vmem>> -> memref<1x4x4x8x128xf32, #tpu.memory_space<vmem>>
        %dma_wait3A_336 = tpu.memref_squeeze %dma_wait3A_335 : memref<1x4x4x8x128xf32, #tpu.memory_space<vmem>> -> memref<4x4x8x128xf32, #tpu.memory_space<vmem>>
        tpu.wait_dma2 semaphore(%arg13 : memref<!tpu.dma_semaphore, #tpu.memory_space<semaphore_mem>>) src(%dma_wait3A_336 : memref<4x4x8x128xf32, #tpu.memory_space<vmem>>) dst(%dma_wait3A_330 : memref<4x4x8x128xf32, #tpu.memory_space<hbm>>)
      } else {
      }
      %scan3A_238 = arith.constant 0 : i32
      %scan3A_239 = arith.constant 1 : i32
      %scan3A_240 = arith.constant 0 : i32
      %scan3A_241 = arith.constant 32 : i32
      %scan3A_242 = arith.addi %scan3A_240, %scan3A_241 : i32
      %scan3A_243 = arith.constant 1 : i32
      scf.for %scan3A_311 = %scan3A_240 to %scan3A_242 step %scan3A_243  : i32 {
        %add3A_312 = vector.broadcast %scan3A_311 : i32 to vector<16xi32>
        %add3A_313 = arith.addi %add3A_312, %iota3A : vector<16xi32>
        %and3A_314 = arith.constant 31 : i32
        %and3A_315 = vector.broadcast %and3A_314 : i32 to vector<16xi32>
        %and3A_316 = arith.andi %add3A_313, %and3A_315 : vector<16xi32>
        %shift_right_arithmetic3A = arith.constant 3 : i32
        %shift_right_arithmetic3A_317 = vector.broadcast %shift_right_arithmetic3A : i32 to vector<16xi32>
        %shift_right_arithmetic3A_318 = arith.shrsi %and3A_316, %shift_right_arithmetic3A_317 : vector<16xi32>
        %and3A_319 = arith.constant 7 : i32
        %and3A_320 = vector.broadcast %and3A_319 : i32 to vector<16xi32>
        %and3A_321 = arith.andi %and3A_316, %and3A_320 : vector<16xi32>
        %add3A_322 = arith.constant 0 : i32
        %add3A_323 = vector.broadcast %add3A_322 : i32 to vector<16xi32>
        %add3A_324 = arith.addi %iota3A, %add3A_323 : vector<16xi32>
        %gather3A = arith.constant 0 : i32
        %gather3A_325 = arith.constant 0 : i32
        %gather3A_326 = tpu.memref_slice %arg6[%scan3A_239, %gather3A, %gather3A_325] : memref<2x512x32xf32, #tpu.memory_space<vmem>> -> memref<1x512x32xf32, #tpu.memory_space<vmem>>
        %gather3A_327 = tpu.memref_squeeze %gather3A_326 : memref<1x512x32xf32, #tpu.memory_space<vmem>> -> memref<512x32xf32, #tpu.memory_space<vmem>>
        %gather3A_328 = tpu.vector_load_idx %gather3A_327[%add3A_324, %and3A_316] : memref<512x32xf32, #tpu.memory_space<vmem>>[vector<16xi32>, vector<16xi32>], vector<16xf32>,
        %add3A_329 = arith.constant 16 : i32
        %add3A_330 = vector.broadcast %add3A_329 : i32 to vector<16xi32>
        %add3A_331 = arith.addi %iota3A, %add3A_330 : vector<16xi32>
        %gather3A_332 = arith.constant 0 : i32
        %gather3A_333 = arith.constant 0 : i32
        %gather3A_334 = tpu.memref_slice %arg6[%scan3A_239, %gather3A_332, %gather3A_333] : memref<2x512x32xf32, #tpu.memory_space<vmem>> -> memref<1x512x32xf32, #tpu.memory_space<vmem>>
        %gather3A_335 = tpu.memref_squeeze %gather3A_334 : memref<1x512x32xf32, #tpu.memory_space<vmem>> -> memref<512x32xf32, #tpu.memory_space<vmem>>
        %gather3A_336 = tpu.vector_load_idx %gather3A_335[%add3A_331, %and3A_316] : memref<512x32xf32, #tpu.memory_space<vmem>>[vector<16xi32>, vector<16xi32>], vector<16xf32>,
        %add3A_337 = arith.constant 32 : i32
        %add3A_338 = vector.broadcast %add3A_337 : i32 to vector<16xi32>
        %add3A_339 = arith.addi %iota3A, %add3A_338 : vector<16xi32>
        %gather3A_340 = arith.constant 0 : i32
        %gather3A_341 = arith.constant 0 : i32
        %gather3A_342 = tpu.memref_slice %arg6[%scan3A_239, %gather3A_340, %gather3A_341] : memref<2x512x32xf32, #tpu.memory_space<vmem>> -> memref<1x512x32xf32, #tpu.memory_space<vmem>>
        %gather3A_343 = tpu.memref_squeeze %gather3A_342 : memref<1x512x32xf32, #tpu.memory_space<vmem>> -> memref<512x32xf32, #tpu.memory_space<vmem>>
        %gather3A_344 = tpu.vector_load_idx %gather3A_343[%add3A_339, %and3A_316] : memref<512x32xf32, #tpu.memory_space<vmem>>[vector<16xi32>, vector<16xi32>], vector<16xf32>,
        %add3A_345 = arith.constant 48 : i32
        %add3A_346 = vector.broadcast %add3A_345 : i32 to vector<16xi32>
        %add3A_347 = arith.addi %iota3A, %add3A_346 : vector<16xi32>
        %gather3A_348 = arith.constant 0 : i32
        %gather3A_349 = arith.constant 0 : i32
        %gather3A_350 = tpu.memref_slice %arg6[%scan3A_239, %gather3A_348, %gather3A_349] : memref<2x512x32xf32, #tpu.memory_space<vmem>> -> memref<1x512x32xf32, #tpu.memory_space<vmem>>
        %gather3A_351 = tpu.memref_squeeze %gather3A_350 : memref<1x512x32xf32, #tpu.memory_space<vmem>> -> memref<512x32xf32, #tpu.memory_space<vmem>>
        %gather3A_352 = tpu.vector_load_idx %gather3A_351[%add3A_347, %and3A_316] : memref<512x32xf32, #tpu.memory_space<vmem>>[vector<16xi32>, vector<16xi32>], vector<16xf32>,
        %add3A_353 = arith.constant 64 : i32
        %add3A_354 = vector.broadcast %add3A_353 : i32 to vector<16xi32>
        %add3A_355 = arith.addi %iota3A, %add3A_354 : vector<16xi32>
        %gather3A_356 = arith.constant 0 : i32
        %gather3A_357 = arith.constant 0 : i32
        %gather3A_358 = tpu.memref_slice %arg6[%scan3A_239, %gather3A_356, %gather3A_357] : memref<2x512x32xf32, #tpu.memory_space<vmem>> -> memref<1x512x32xf32, #tpu.memory_space<vmem>>
        %gather3A_359 = tpu.memref_squeeze %gather3A_358 : memref<1x512x32xf32, #tpu.memory_space<vmem>> -> memref<512x32xf32, #tpu.memory_space<vmem>>
        %gather3A_360 = tpu.vector_load_idx %gather3A_359[%add3A_355, %and3A_316] : memref<512x32xf32, #tpu.memory_space<vmem>>[vector<16xi32>, vector<16xi32>], vector<16xf32>,
        %add3A_361 = arith.constant 80 : i32
        %add3A_362 = vector.broadcast %add3A_361 : i32 to vector<16xi32>
        %add3A_363 = arith.addi %iota3A, %add3A_362 : vector<16xi32>
        %gather3A_364 = arith.constant 0 : i32
        %gather3A_365 = arith.constant 0 : i32
        %gather3A_366 = tpu.memref_slice %arg6[%scan3A_239, %gather3A_364, %gather3A_365] : memref<2x512x32xf32, #tpu.memory_space<vmem>> -> memref<1x512x32xf32, #tpu.memory_space<vmem>>
        %gather3A_367 = tpu.memref_squeeze %gather3A_366 : memref<1x512x32xf32, #tpu.memory_space<vmem>> -> memref<512x32xf32, #tpu.memory_space<vmem>>
        %gather3A_368 = tpu.vector_load_idx %gather3A_367[%add3A_363, %and3A_316] : memref<512x32xf32, #tpu.memory_space<vmem>>[vector<16xi32>, vector<16xi32>], vector<16xf32>,
        %add3A_369 = arith.constant 96 : i32
        %add3A_370 = vector.broadcast %add3A_369 : i32 to vector<16xi32>
        %add3A_371 = arith.addi %iota3A, %add3A_370 : vector<16xi32>
        %gather3A_372 = arith.constant 0 : i32
        %gather3A_373 = arith.constant 0 : i32
        %gather3A_374 = tpu.memref_slice %arg6[%scan3A_239, %gather3A_372, %gather3A_373] : memref<2x512x32xf32, #tpu.memory_space<vmem>> -> memref<1x512x32xf32, #tpu.memory_space<vmem>>
        %gather3A_375 = tpu.memref_squeeze %gather3A_374 : memref<1x512x32xf32, #tpu.memory_space<vmem>> -> memref<512x32xf32, #tpu.memory_space<vmem>>
        %gather3A_376 = tpu.vector_load_idx %gather3A_375[%add3A_371, %and3A_316] : memref<512x32xf32, #tpu.memory_space<vmem>>[vector<16xi32>, vector<16xi32>], vector<16xf32>,
        %add3A_377 = arith.constant 112 : i32
        %add3A_378 = vector.broadcast %add3A_377 : i32 to vector<16xi32>
        %add3A_379 = arith.addi %iota3A, %add3A_378 : vector<16xi32>
        %gather3A_380 = arith.constant 0 : i32
        %gather3A_381 = arith.constant 0 : i32
        %gather3A_382 = tpu.memref_slice %arg6[%scan3A_239, %gather3A_380, %gather3A_381] : memref<2x512x32xf32, #tpu.memory_space<vmem>> -> memref<1x512x32xf32, #tpu.memory_space<vmem>>
        %gather3A_383 = tpu.memref_squeeze %gather3A_382 : memref<1x512x32xf32, #tpu.memory_space<vmem>> -> memref<512x32xf32, #tpu.memory_space<vmem>>
        %gather3A_384 = tpu.vector_load_idx %gather3A_383[%add3A_379, %and3A_316] : memref<512x32xf32, #tpu.memory_space<vmem>>[vector<16xi32>, vector<16xi32>], vector<16xf32>,
        %add3A_385 = arith.constant 128 : i32
        %add3A_386 = vector.broadcast %add3A_385 : i32 to vector<16xi32>
        %add3A_387 = arith.addi %iota3A, %add3A_386 : vector<16xi32>
        %gather3A_388 = arith.constant 0 : i32
        %gather3A_389 = arith.constant 0 : i32
        %gather3A_390 = tpu.memref_slice %arg6[%scan3A_239, %gather3A_388, %gather3A_389] : memref<2x512x32xf32, #tpu.memory_space<vmem>> -> memref<1x512x32xf32, #tpu.memory_space<vmem>>
        %gather3A_391 = tpu.memref_squeeze %gather3A_390 : memref<1x512x32xf32, #tpu.memory_space<vmem>> -> memref<512x32xf32, #tpu.memory_space<vmem>>
        %gather3A_392 = tpu.vector_load_idx %gather3A_391[%add3A_387, %and3A_316] : memref<512x32xf32, #tpu.memory_space<vmem>>[vector<16xi32>, vector<16xi32>], vector<16xf32>,
        %add3A_393 = arith.constant 144 : i32
        %add3A_394 = vector.broadcast %add3A_393 : i32 to vector<16xi32>
        %add3A_395 = arith.addi %iota3A, %add3A_394 : vector<16xi32>
        %gather3A_396 = arith.constant 0 : i32
        %gather3A_397 = arith.constant 0 : i32
        %gather3A_398 = tpu.memref_slice %arg6[%scan3A_239, %gather3A_396, %gather3A_397] : memref<2x512x32xf32, #tpu.memory_space<vmem>> -> memref<1x512x32xf32, #tpu.memory_space<vmem>>
        %gather3A_399 = tpu.memref_squeeze %gather3A_398 : memref<1x512x32xf32, #tpu.memory_space<vmem>> -> memref<512x32xf32, #tpu.memory_space<vmem>>
        %gather3A_400 = tpu.vector_load_idx %gather3A_399[%add3A_395, %and3A_316] : memref<512x32xf32, #tpu.memory_space<vmem>>[vector<16xi32>, vector<16xi32>], vector<16xf32>,
        %add3A_401 = arith.constant 160 : i32
        %add3A_402 = vector.broadcast %add3A_401 : i32 to vector<16xi32>
        %add3A_403 = arith.addi %iota3A, %add3A_402 : vector<16xi32>
        %gather3A_404 = arith.constant 0 : i32
        %gather3A_405 = arith.constant 0 : i32
        %gather3A_406 = tpu.memref_slice %arg6[%scan3A_239, %gather3A_404, %gather3A_405] : memref<2x512x32xf32, #tpu.memory_space<vmem>> -> memref<1x512x32xf32, #tpu.memory_space<vmem>>
        %gather3A_407 = tpu.memref_squeeze %gather3A_406 : memref<1x512x32xf32, #tpu.memory_space<vmem>> -> memref<512x32xf32, #tpu.memory_space<vmem>>
        %gather3A_408 = tpu.vector_load_idx %gather3A_407[%add3A_403, %and3A_316] : memref<512x32xf32, #tpu.memory_space<vmem>>[vector<16xi32>, vector<16xi32>], vector<16xf32>,
        %add3A_409 = arith.constant 176 : i32
        %add3A_410 = vector.broadcast %add3A_409 : i32 to vector<16xi32>
        %add3A_411 = arith.addi %iota3A, %add3A_410 : vector<16xi32>
        %gather3A_412 = arith.constant 0 : i32
        %gather3A_413 = arith.constant 0 : i32
        %gather3A_414 = tpu.memref_slice %arg6[%scan3A_239, %gather3A_412, %gather3A_413] : memref<2x512x32xf32, #tpu.memory_space<vmem>> -> memref<1x512x32xf32, #tpu.memory_space<vmem>>
        %gather3A_415 = tpu.memref_squeeze %gather3A_414 : memref<1x512x32xf32, #tpu.memory_space<vmem>> -> memref<512x32xf32, #tpu.memory_space<vmem>>
        %gather3A_416 = tpu.vector_load_idx %gather3A_415[%add3A_411, %and3A_316] : memref<512x32xf32, #tpu.memory_space<vmem>>[vector<16xi32>, vector<16xi32>], vector<16xf32>,
        %add3A_417 = arith.constant 192 : i32
        %add3A_418 = vector.broadcast %add3A_417 : i32 to vector<16xi32>
        %add3A_419 = arith.addi %iota3A, %add3A_418 : vector<16xi32>
        %gather3A_420 = arith.constant 0 : i32
        %gather3A_421 = arith.constant 0 : i32
        %gather3A_422 = tpu.memref_slice %arg6[%scan3A_239, %gather3A_420, %gather3A_421] : memref<2x512x32xf32, #tpu.memory_space<vmem>> -> memref<1x512x32xf32, #tpu.memory_space<vmem>>
        %gather3A_423 = tpu.memref_squeeze %gather3A_422 : memref<1x512x32xf32, #tpu.memory_space<vmem>> -> memref<512x32xf32, #tpu.memory_space<vmem>>
        %gather3A_424 = tpu.vector_load_idx %gather3A_423[%add3A_419, %and3A_316] : memref<512x32xf32, #tpu.memory_space<vmem>>[vector<16xi32>, vector<16xi32>], vector<16xf32>,
        %add3A_425 = arith.constant 208 : i32
        %add3A_426 = vector.broadcast %add3A_425 : i32 to vector<16xi32>
        %add3A_427 = arith.addi %iota3A, %add3A_426 : vector<16xi32>
        %gather3A_428 = arith.constant 0 : i32
        %gather3A_429 = arith.constant 0 : i32
        %gather3A_430 = tpu.memref_slice %arg6[%scan3A_239, %gather3A_428, %gather3A_429] : memref<2x512x32xf32, #tpu.memory_space<vmem>> -> memref<1x512x32xf32, #tpu.memory_space<vmem>>
        %gather3A_431 = tpu.memref_squeeze %gather3A_430 : memref<1x512x32xf32, #tpu.memory_space<vmem>> -> memref<512x32xf32, #tpu.memory_space<vmem>>
        %gather3A_432 = tpu.vector_load_idx %gather3A_431[%add3A_427, %and3A_316] : memref<512x32xf32, #tpu.memory_space<vmem>>[vector<16xi32>, vector<16xi32>], vector<16xf32>,
        %add3A_433 = arith.constant 224 : i32
        %add3A_434 = vector.broadcast %add3A_433 : i32 to vector<16xi32>
        %add3A_435 = arith.addi %iota3A, %add3A_434 : vector<16xi32>
        %gather3A_436 = arith.constant 0 : i32
        %gather3A_437 = arith.constant 0 : i32
        %gather3A_438 = tpu.memref_slice %arg6[%scan3A_239, %gather3A_436, %gather3A_437] : memref<2x512x32xf32, #tpu.memory_space<vmem>> -> memref<1x512x32xf32, #tpu.memory_space<vmem>>
        %gather3A_439 = tpu.memref_squeeze %gather3A_438 : memref<1x512x32xf32, #tpu.memory_space<vmem>> -> memref<512x32xf32, #tpu.memory_space<vmem>>
        %gather3A_440 = tpu.vector_load_idx %gather3A_439[%add3A_435, %and3A_316] : memref<512x32xf32, #tpu.memory_space<vmem>>[vector<16xi32>, vector<16xi32>], vector<16xf32>,
        %add3A_441 = arith.constant 240 : i32
        %add3A_442 = vector.broadcast %add3A_441 : i32 to vector<16xi32>
        %add3A_443 = arith.addi %iota3A, %add3A_442 : vector<16xi32>
        %gather3A_444 = arith.constant 0 : i32
        %gather3A_445 = arith.constant 0 : i32
        %gather3A_446 = tpu.memref_slice %arg6[%scan3A_239, %gather3A_444, %gather3A_445] : memref<2x512x32xf32, #tpu.memory_space<vmem>> -> memref<1x512x32xf32, #tpu.memory_space<vmem>>
        %gather3A_447 = tpu.memref_squeeze %gather3A_446 : memref<1x512x32xf32, #tpu.memory_space<vmem>> -> memref<512x32xf32, #tpu.memory_space<vmem>>
        %gather3A_448 = tpu.vector_load_idx %gather3A_447[%add3A_443, %and3A_316] : memref<512x32xf32, #tpu.memory_space<vmem>>[vector<16xi32>, vector<16xi32>], vector<16xf32>,
        %add3A_449 = arith.constant 256 : i32
        %add3A_450 = vector.broadcast %add3A_449 : i32 to vector<16xi32>
        %add3A_451 = arith.addi %iota3A, %add3A_450 : vector<16xi32>
        %gather3A_452 = arith.constant 0 : i32
        %gather3A_453 = arith.constant 0 : i32
        %gather3A_454 = tpu.memref_slice %arg6[%scan3A_239, %gather3A_452, %gather3A_453] : memref<2x512x32xf32, #tpu.memory_space<vmem>> -> memref<1x512x32xf32, #tpu.memory_space<vmem>>
        %gather3A_455 = tpu.memref_squeeze %gather3A_454 : memref<1x512x32xf32, #tpu.memory_space<vmem>> -> memref<512x32xf32, #tpu.memory_space<vmem>>
        %gather3A_456 = tpu.vector_load_idx %gather3A_455[%add3A_451, %and3A_316] : memref<512x32xf32, #tpu.memory_space<vmem>>[vector<16xi32>, vector<16xi32>], vector<16xf32>,
        %add3A_457 = arith.constant 272 : i32
        %add3A_458 = vector.broadcast %add3A_457 : i32 to vector<16xi32>
        %add3A_459 = arith.addi %iota3A, %add3A_458 : vector<16xi32>
        %gather3A_460 = arith.constant 0 : i32
        %gather3A_461 = arith.constant 0 : i32
        %gather3A_462 = tpu.memref_slice %arg6[%scan3A_239, %gather3A_460, %gather3A_461] : memref<2x512x32xf32, #tpu.memory_space<vmem>> -> memref<1x512x32xf32, #tpu.memory_space<vmem>>
        %gather3A_463 = tpu.memref_squeeze %gather3A_462 : memref<1x512x32xf32, #tpu.memory_space<vmem>> -> memref<512x32xf32, #tpu.memory_space<vmem>>
        %gather3A_464 = tpu.vector_load_idx %gather3A_463[%add3A_459, %and3A_316] : memref<512x32xf32, #tpu.memory_space<vmem>>[vector<16xi32>, vector<16xi32>], vector<16xf32>,
        %add3A_465 = arith.constant 288 : i32
        %add3A_466 = vector.broadcast %add3A_465 : i32 to vector<16xi32>
        %add3A_467 = arith.addi %iota3A, %add3A_466 : vector<16xi32>
        %gather3A_468 = arith.constant 0 : i32
        %gather3A_469 = arith.constant 0 : i32
        %gather3A_470 = tpu.memref_slice %arg6[%scan3A_239, %gather3A_468, %gather3A_469] : memref<2x512x32xf32, #tpu.memory_space<vmem>> -> memref<1x512x32xf32, #tpu.memory_space<vmem>>
        %gather3A_471 = tpu.memref_squeeze %gather3A_470 : memref<1x512x32xf32, #tpu.memory_space<vmem>> -> memref<512x32xf32, #tpu.memory_space<vmem>>
        %gather3A_472 = tpu.vector_load_idx %gather3A_471[%add3A_467, %and3A_316] : memref<512x32xf32, #tpu.memory_space<vmem>>[vector<16xi32>, vector<16xi32>], vector<16xf32>,
        %add3A_473 = arith.constant 304 : i32
        %add3A_474 = vector.broadcast %add3A_473 : i32 to vector<16xi32>
        %add3A_475 = arith.addi %iota3A, %add3A_474 : vector<16xi32>
        %gather3A_476 = arith.constant 0 : i32
        %gather3A_477 = arith.constant 0 : i32
        %gather3A_478 = tpu.memref_slice %arg6[%scan3A_239, %gather3A_476, %gather3A_477] : memref<2x512x32xf32, #tpu.memory_space<vmem>> -> memref<1x512x32xf32, #tpu.memory_space<vmem>>
        %gather3A_479 = tpu.memref_squeeze %gather3A_478 : memref<1x512x32xf32, #tpu.memory_space<vmem>> -> memref<512x32xf32, #tpu.memory_space<vmem>>
        %gather3A_480 = tpu.vector_load_idx %gather3A_479[%add3A_475, %and3A_316] : memref<512x32xf32, #tpu.memory_space<vmem>>[vector<16xi32>, vector<16xi32>], vector<16xf32>,
        %add3A_481 = arith.constant 320 : i32
        %add3A_482 = vector.broadcast %add3A_481 : i32 to vector<16xi32>
        %add3A_483 = arith.addi %iota3A, %add3A_482 : vector<16xi32>
        %gather3A_484 = arith.constant 0 : i32
        %gather3A_485 = arith.constant 0 : i32
        %gather3A_486 = tpu.memref_slice %arg6[%scan3A_239, %gather3A_484, %gather3A_485] : memref<2x512x32xf32, #tpu.memory_space<vmem>> -> memref<1x512x32xf32, #tpu.memory_space<vmem>>
        %gather3A_487 = tpu.memref_squeeze %gather3A_486 : memref<1x512x32xf32, #tpu.memory_space<vmem>> -> memref<512x32xf32, #tpu.memory_space<vmem>>
        %gather3A_488 = tpu.vector_load_idx %gather3A_487[%add3A_483, %and3A_316] : memref<512x32xf32, #tpu.memory_space<vmem>>[vector<16xi32>, vector<16xi32>], vector<16xf32>,
        %add3A_489 = arith.constant 336 : i32
        %add3A_490 = vector.broadcast %add3A_489 : i32 to vector<16xi32>
        %add3A_491 = arith.addi %iota3A, %add3A_490 : vector<16xi32>
        %gather3A_492 = arith.constant 0 : i32
        %gather3A_493 = arith.constant 0 : i32
        %gather3A_494 = tpu.memref_slice %arg6[%scan3A_239, %gather3A_492, %gather3A_493] : memref<2x512x32xf32, #tpu.memory_space<vmem>> -> memref<1x512x32xf32, #tpu.memory_space<vmem>>
        %gather3A_495 = tpu.memref_squeeze %gather3A_494 : memref<1x512x32xf32, #tpu.memory_space<vmem>> -> memref<512x32xf32, #tpu.memory_space<vmem>>
        %gather3A_496 = tpu.vector_load_idx %gather3A_495[%add3A_491, %and3A_316] : memref<512x32xf32, #tpu.memory_space<vmem>>[vector<16xi32>, vector<16xi32>], vector<16xf32>,
        %add3A_497 = arith.constant 352 : i32
        %add3A_498 = vector.broadcast %add3A_497 : i32 to vector<16xi32>
        %add3A_499 = arith.addi %iota3A, %add3A_498 : vector<16xi32>
        %gather3A_500 = arith.constant 0 : i32
        %gather3A_501 = arith.constant 0 : i32
        %gather3A_502 = tpu.memref_slice %arg6[%scan3A_239, %gather3A_500, %gather3A_501] : memref<2x512x32xf32, #tpu.memory_space<vmem>> -> memref<1x512x32xf32, #tpu.memory_space<vmem>>
        %gather3A_503 = tpu.memref_squeeze %gather3A_502 : memref<1x512x32xf32, #tpu.memory_space<vmem>> -> memref<512x32xf32, #tpu.memory_space<vmem>>
        %gather3A_504 = tpu.vector_load_idx %gather3A_503[%add3A_499, %and3A_316] : memref<512x32xf32, #tpu.memory_space<vmem>>[vector<16xi32>, vector<16xi32>], vector<16xf32>,
        %add3A_505 = arith.constant 368 : i32
        %add3A_506 = vector.broadcast %add3A_505 : i32 to vector<16xi32>
        %add3A_507 = arith.addi %iota3A, %add3A_506 : vector<16xi32>
        %gather3A_508 = arith.constant 0 : i32
        %gather3A_509 = arith.constant 0 : i32
        %gather3A_510 = tpu.memref_slice %arg6[%scan3A_239, %gather3A_508, %gather3A_509] : memref<2x512x32xf32, #tpu.memory_space<vmem>> -> memref<1x512x32xf32, #tpu.memory_space<vmem>>
        %gather3A_511 = tpu.memref_squeeze %gather3A_510 : memref<1x512x32xf32, #tpu.memory_space<vmem>> -> memref<512x32xf32, #tpu.memory_space<vmem>>
        %gather3A_512 = tpu.vector_load_idx %gather3A_511[%add3A_507, %and3A_316] : memref<512x32xf32, #tpu.memory_space<vmem>>[vector<16xi32>, vector<16xi32>], vector<16xf32>,
        %add3A_513 = arith.constant 384 : i32
        %add3A_514 = vector.broadcast %add3A_513 : i32 to vector<16xi32>
        %add3A_515 = arith.addi %iota3A, %add3A_514 : vector<16xi32>
        %gather3A_516 = arith.constant 0 : i32
        %gather3A_517 = arith.constant 0 : i32
        %gather3A_518 = tpu.memref_slice %arg6[%scan3A_239, %gather3A_516, %gather3A_517] : memref<2x512x32xf32, #tpu.memory_space<vmem>> -> memref<1x512x32xf32, #tpu.memory_space<vmem>>
        %gather3A_519 = tpu.memref_squeeze %gather3A_518 : memref<1x512x32xf32, #tpu.memory_space<vmem>> -> memref<512x32xf32, #tpu.memory_space<vmem>>
        %gather3A_520 = tpu.vector_load_idx %gather3A_519[%add3A_515, %and3A_316] : memref<512x32xf32, #tpu.memory_space<vmem>>[vector<16xi32>, vector<16xi32>], vector<16xf32>,
        %add3A_521 = arith.constant 400 : i32
        %add3A_522 = vector.broadcast %add3A_521 : i32 to vector<16xi32>
        %add3A_523 = arith.addi %iota3A, %add3A_522 : vector<16xi32>
        %gather3A_524 = arith.constant 0 : i32
        %gather3A_525 = arith.constant 0 : i32
        %gather3A_526 = tpu.memref_slice %arg6[%scan3A_239, %gather3A_524, %gather3A_525] : memref<2x512x32xf32, #tpu.memory_space<vmem>> -> memref<1x512x32xf32, #tpu.memory_space<vmem>>
        %gather3A_527 = tpu.memref_squeeze %gather3A_526 : memref<1x512x32xf32, #tpu.memory_space<vmem>> -> memref<512x32xf32, #tpu.memory_space<vmem>>
        %gather3A_528 = tpu.vector_load_idx %gather3A_527[%add3A_523, %and3A_316] : memref<512x32xf32, #tpu.memory_space<vmem>>[vector<16xi32>, vector<16xi32>], vector<16xf32>,
        %add3A_529 = arith.constant 416 : i32
        %add3A_530 = vector.broadcast %add3A_529 : i32 to vector<16xi32>
        %add3A_531 = arith.addi %iota3A, %add3A_530 : vector<16xi32>
        %gather3A_532 = arith.constant 0 : i32
        %gather3A_533 = arith.constant 0 : i32
        %gather3A_534 = tpu.memref_slice %arg6[%scan3A_239, %gather3A_532, %gather3A_533] : memref<2x512x32xf32, #tpu.memory_space<vmem>> -> memref<1x512x32xf32, #tpu.memory_space<vmem>>
        %gather3A_535 = tpu.memref_squeeze %gather3A_534 : memref<1x512x32xf32, #tpu.memory_space<vmem>> -> memref<512x32xf32, #tpu.memory_space<vmem>>
        %gather3A_536 = tpu.vector_load_idx %gather3A_535[%add3A_531, %and3A_316] : memref<512x32xf32, #tpu.memory_space<vmem>>[vector<16xi32>, vector<16xi32>], vector<16xf32>,
        %add3A_537 = arith.constant 432 : i32
        %add3A_538 = vector.broadcast %add3A_537 : i32 to vector<16xi32>
        %add3A_539 = arith.addi %iota3A, %add3A_538 : vector<16xi32>
        %gather3A_540 = arith.constant 0 : i32
        %gather3A_541 = arith.constant 0 : i32
        %gather3A_542 = tpu.memref_slice %arg6[%scan3A_239, %gather3A_540, %gather3A_541] : memref<2x512x32xf32, #tpu.memory_space<vmem>> -> memref<1x512x32xf32, #tpu.memory_space<vmem>>
        %gather3A_543 = tpu.memref_squeeze %gather3A_542 : memref<1x512x32xf32, #tpu.memory_space<vmem>> -> memref<512x32xf32, #tpu.memory_space<vmem>>
        %gather3A_544 = tpu.vector_load_idx %gather3A_543[%add3A_539, %and3A_316] : memref<512x32xf32, #tpu.memory_space<vmem>>[vector<16xi32>, vector<16xi32>], vector<16xf32>,
        %add3A_545 = arith.constant 448 : i32
        %add3A_546 = vector.broadcast %add3A_545 : i32 to vector<16xi32>
        %add3A_547 = arith.addi %iota3A, %add3A_546 : vector<16xi32>
        %gather3A_548 = arith.constant 0 : i32
        %gather3A_549 = arith.constant 0 : i32
        %gather3A_550 = tpu.memref_slice %arg6[%scan3A_239, %gather3A_548, %gather3A_549] : memref<2x512x32xf32, #tpu.memory_space<vmem>> -> memref<1x512x32xf32, #tpu.memory_space<vmem>>
        %gather3A_551 = tpu.memref_squeeze %gather3A_550 : memref<1x512x32xf32, #tpu.memory_space<vmem>> -> memref<512x32xf32, #tpu.memory_space<vmem>>
        %gather3A_552 = tpu.vector_load_idx %gather3A_551[%add3A_547, %and3A_316] : memref<512x32xf32, #tpu.memory_space<vmem>>[vector<16xi32>, vector<16xi32>], vector<16xf32>,
        %add3A_553 = arith.constant 464 : i32
        %add3A_554 = vector.broadcast %add3A_553 : i32 to vector<16xi32>
        %add3A_555 = arith.addi %iota3A, %add3A_554 : vector<16xi32>
        %gather3A_556 = arith.constant 0 : i32
        %gather3A_557 = arith.constant 0 : i32
        %gather3A_558 = tpu.memref_slice %arg6[%scan3A_239, %gather3A_556, %gather3A_557] : memref<2x512x32xf32, #tpu.memory_space<vmem>> -> memref<1x512x32xf32, #tpu.memory_space<vmem>>
        %gather3A_559 = tpu.memref_squeeze %gather3A_558 : memref<1x512x32xf32, #tpu.memory_space<vmem>> -> memref<512x32xf32, #tpu.memory_space<vmem>>
        %gather3A_560 = tpu.vector_load_idx %gather3A_559[%add3A_555, %and3A_316] : memref<512x32xf32, #tpu.memory_space<vmem>>[vector<16xi32>, vector<16xi32>], vector<16xf32>,
        %add3A_561 = arith.constant 480 : i32
        %add3A_562 = vector.broadcast %add3A_561 : i32 to vector<16xi32>
        %add3A_563 = arith.addi %iota3A, %add3A_562 : vector<16xi32>
        %gather3A_564 = arith.constant 0 : i32
        %gather3A_565 = arith.constant 0 : i32
        %gather3A_566 = tpu.memref_slice %arg6[%scan3A_239, %gather3A_564, %gather3A_565] : memref<2x512x32xf32, #tpu.memory_space<vmem>> -> memref<1x512x32xf32, #tpu.memory_space<vmem>>
        %gather3A_567 = tpu.memref_squeeze %gather3A_566 : memref<1x512x32xf32, #tpu.memory_space<vmem>> -> memref<512x32xf32, #tpu.memory_space<vmem>>
        %gather3A_568 = tpu.vector_load_idx %gather3A_567[%add3A_563, %and3A_316] : memref<512x32xf32, #tpu.memory_space<vmem>>[vector<16xi32>, vector<16xi32>], vector<16xf32>,
        %add3A_569 = arith.constant 496 : i32
        %add3A_570 = vector.broadcast %add3A_569 : i32 to vector<16xi32>
        %add3A_571 = arith.addi %iota3A, %add3A_570 : vector<16xi32>
        %gather3A_572 = arith.constant 0 : i32
        %gather3A_573 = arith.constant 0 : i32
        %gather3A_574 = tpu.memref_slice %arg6[%scan3A_239, %gather3A_572, %gather3A_573] : memref<2x512x32xf32, #tpu.memory_space<vmem>> -> memref<1x512x32xf32, #tpu.memory_space<vmem>>
        %gather3A_575 = tpu.memref_squeeze %gather3A_574 : memref<1x512x32xf32, #tpu.memory_space<vmem>> -> memref<512x32xf32, #tpu.memory_space<vmem>>
        %gather3A_576 = tpu.vector_load_idx %gather3A_575[%add3A_571, %and3A_316] : memref<512x32xf32, #tpu.memory_space<vmem>>[vector<16xi32>, vector<16xi32>], vector<16xf32>,
        %broadcast_in_dim3A = arith.constant 0 : i32
        %broadcast_in_dim3A_577 = vector.broadcast %broadcast_in_dim3A : i32 to vector<16xi32>
        %add3A_578 = arith.constant 0 : i32
        %add3A_579 = vector.broadcast %add3A_578 : i32 to vector<16xi32>
        %add3A_580 = arith.addi %iota3A, %add3A_579 : vector<16xi32>
        %scatter3A = arith.constant 1 : i32
        %scatter3A_581 = arith.constant 0 : i32
        %scatter3A_582 = arith.constant 0 : i32
        %scatter3A_583 = arith.constant 0 : i32
        %scatter3A_584 = arith.constant 0 : i32
        %scatter3A_585 = tpu.memref_slice %arg7[%scatter3A, %scatter3A_581, %scatter3A_582, %scatter3A_583, %scatter3A_584] : memref<2x4x4x8x128xf32, #tpu.memory_space<vmem>> -> memref<1x4x4x8x128xf32, #tpu.memory_space<vmem>>
        %scatter3A_586 = tpu.memref_squeeze %scatter3A_585 : memref<1x4x4x8x128xf32, #tpu.memory_space<vmem>> -> memref<4x4x8x128xf32, #tpu.memory_space<vmem>>
        tpu.vector_store_idx %scatter3A_586[%shift_right_arithmetic3A_318, %broadcast_in_dim3A_577, %and3A_321, %add3A_580], %gather3A_328 : memref<4x4x8x128xf32, #tpu.memory_space<vmem>>[vector<16xi32>, vector<16xi32>, vector<16xi32>, vector<16xi32>], vector<16xf32>,
        %broadcast_in_dim3A_587 = arith.constant 0 : i32
        %broadcast_in_dim3A_588 = vector.broadcast %broadcast_in_dim3A_587 : i32 to vector<16xi32>
        %add3A_589 = arith.constant 16 : i32
        %add3A_590 = vector.broadcast %add3A_589 : i32 to vector<16xi32>
        %add3A_591 = arith.addi %iota3A, %add3A_590 : vector<16xi32>
        %scatter3A_592 = arith.constant 1 : i32
        %scatter3A_593 = arith.constant 0 : i32
        %scatter3A_594 = arith.constant 0 : i32
        %scatter3A_595 = arith.constant 0 : i32
        %scatter3A_596 = arith.constant 0 : i32
        %scatter3A_597 = tpu.memref_slice %arg7[%scatter3A_592, %scatter3A_593, %scatter3A_594, %scatter3A_595, %scatter3A_596] : memref<2x4x4x8x128xf32, #tpu.memory_space<vmem>> -> memref<1x4x4x8x128xf32, #tpu.memory_space<vmem>>
        %scatter3A_598 = tpu.memref_squeeze %scatter3A_597 : memref<1x4x4x8x128xf32, #tpu.memory_space<vmem>> -> memref<4x4x8x128xf32, #tpu.memory_space<vmem>>
        tpu.vector_store_idx %scatter3A_598[%shift_right_arithmetic3A_318, %broadcast_in_dim3A_588, %and3A_321, %add3A_591], %gather3A_336 : memref<4x4x8x128xf32, #tpu.memory_space<vmem>>[vector<16xi32>, vector<16xi32>, vector<16xi32>, vector<16xi32>], vector<16xf32>,
        %broadcast_in_dim3A_599 = arith.constant 0 : i32
        %broadcast_in_dim3A_600 = vector.broadcast %broadcast_in_dim3A_599 : i32 to vector<16xi32>
        %add3A_601 = arith.constant 32 : i32
        %add3A_602 = vector.broadcast %add3A_601 : i32 to vector<16xi32>
        %add3A_603 = arith.addi %iota3A, %add3A_602 : vector<16xi32>
        %scatter3A_604 = arith.constant 1 : i32
        %scatter3A_605 = arith.constant 0 : i32
        %scatter3A_606 = arith.constant 0 : i32
        %scatter3A_607 = arith.constant 0 : i32
        %scatter3A_608 = arith.constant 0 : i32
        %scatter3A_609 = tpu.memref_slice %arg7[%scatter3A_604, %scatter3A_605, %scatter3A_606, %scatter3A_607, %scatter3A_608] : memref<2x4x4x8x128xf32, #tpu.memory_space<vmem>> -> memref<1x4x4x8x128xf32, #tpu.memory_space<vmem>>
        %scatter3A_610 = tpu.memref_squeeze %scatter3A_609 : memref<1x4x4x8x128xf32, #tpu.memory_space<vmem>> -> memref<4x4x8x128xf32, #tpu.memory_space<vmem>>
        tpu.vector_store_idx %scatter3A_610[%shift_right_arithmetic3A_318, %broadcast_in_dim3A_600, %and3A_321, %add3A_603], %gather3A_344 : memref<4x4x8x128xf32, #tpu.memory_space<vmem>>[vector<16xi32>, vector<16xi32>, vector<16xi32>, vector<16xi32>], vector<16xf32>,
        %broadcast_in_dim3A_611 = arith.constant 0 : i32
        %broadcast_in_dim3A_612 = vector.broadcast %broadcast_in_dim3A_611 : i32 to vector<16xi32>
        %add3A_613 = arith.constant 48 : i32
        %add3A_614 = vector.broadcast %add3A_613 : i32 to vector<16xi32>
        %add3A_615 = arith.addi %iota3A, %add3A_614 : vector<16xi32>
        %scatter3A_616 = arith.constant 1 : i32
        %scatter3A_617 = arith.constant 0 : i32
        %scatter3A_618 = arith.constant 0 : i32
        %scatter3A_619 = arith.constant 0 : i32
        %scatter3A_620 = arith.constant 0 : i32
        %scatter3A_621 = tpu.memref_slice %arg7[%scatter3A_616, %scatter3A_617, %scatter3A_618, %scatter3A_619, %scatter3A_620] : memref<2x4x4x8x128xf32, #tpu.memory_space<vmem>> -> memref<1x4x4x8x128xf32, #tpu.memory_space<vmem>>
        %scatter3A_622 = tpu.memref_squeeze %scatter3A_621 : memref<1x4x4x8x128xf32, #tpu.memory_space<vmem>> -> memref<4x4x8x128xf32, #tpu.memory_space<vmem>>
        tpu.vector_store_idx %scatter3A_622[%shift_right_arithmetic3A_318, %broadcast_in_dim3A_612, %and3A_321, %add3A_615], %gather3A_352 : memref<4x4x8x128xf32, #tpu.memory_space<vmem>>[vector<16xi32>, vector<16xi32>, vector<16xi32>, vector<16xi32>], vector<16xf32>,
        %broadcast_in_dim3A_623 = arith.constant 0 : i32
        %broadcast_in_dim3A_624 = vector.broadcast %broadcast_in_dim3A_623 : i32 to vector<16xi32>
        %add3A_625 = arith.constant 64 : i32
        %add3A_626 = vector.broadcast %add3A_625 : i32 to vector<16xi32>
        %add3A_627 = arith.addi %iota3A, %add3A_626 : vector<16xi32>
        %scatter3A_628 = arith.constant 1 : i32
        %scatter3A_629 = arith.constant 0 : i32
        %scatter3A_630 = arith.constant 0 : i32
        %scatter3A_631 = arith.constant 0 : i32
        %scatter3A_632 = arith.constant 0 : i32
        %scatter3A_633 = tpu.memref_slice %arg7[%scatter3A_628, %scatter3A_629, %scatter3A_630, %scatter3A_631, %scatter3A_632] : memref<2x4x4x8x128xf32, #tpu.memory_space<vmem>> -> memref<1x4x4x8x128xf32, #tpu.memory_space<vmem>>
        %scatter3A_634 = tpu.memref_squeeze %scatter3A_633 : memref<1x4x4x8x128xf32, #tpu.memory_space<vmem>> -> memref<4x4x8x128xf32, #tpu.memory_space<vmem>>
        tpu.vector_store_idx %scatter3A_634[%shift_right_arithmetic3A_318, %broadcast_in_dim3A_624, %and3A_321, %add3A_627], %gather3A_360 : memref<4x4x8x128xf32, #tpu.memory_space<vmem>>[vector<16xi32>, vector<16xi32>, vector<16xi32>, vector<16xi32>], vector<16xf32>,
        %broadcast_in_dim3A_635 = arith.constant 0 : i32
        %broadcast_in_dim3A_636 = vector.broadcast %broadcast_in_dim3A_635 : i32 to vector<16xi32>
        %add3A_637 = arith.constant 80 : i32
        %add3A_638 = vector.broadcast %add3A_637 : i32 to vector<16xi32>
        %add3A_639 = arith.addi %iota3A, %add3A_638 : vector<16xi32>
        %scatter3A_640 = arith.constant 1 : i32
        %scatter3A_641 = arith.constant 0 : i32
        %scatter3A_642 = arith.constant 0 : i32
        %scatter3A_643 = arith.constant 0 : i32
        %scatter3A_644 = arith.constant 0 : i32
        %scatter3A_645 = tpu.memref_slice %arg7[%scatter3A_640, %scatter3A_641, %scatter3A_642, %scatter3A_643, %scatter3A_644] : memref<2x4x4x8x128xf32, #tpu.memory_space<vmem>> -> memref<1x4x4x8x128xf32, #tpu.memory_space<vmem>>
        %scatter3A_646 = tpu.memref_squeeze %scatter3A_645 : memref<1x4x4x8x128xf32, #tpu.memory_space<vmem>> -> memref<4x4x8x128xf32, #tpu.memory_space<vmem>>
        tpu.vector_store_idx %scatter3A_646[%shift_right_arithmetic3A_318, %broadcast_in_dim3A_636, %and3A_321, %add3A_639], %gather3A_368 : memref<4x4x8x128xf32, #tpu.memory_space<vmem>>[vector<16xi32>, vector<16xi32>, vector<16xi32>, vector<16xi32>], vector<16xf32>,
        %broadcast_in_dim3A_647 = arith.constant 0 : i32
        %broadcast_in_dim3A_648 = vector.broadcast %broadcast_in_dim3A_647 : i32 to vector<16xi32>
        %add3A_649 = arith.constant 96 : i32
        %add3A_650 = vector.broadcast %add3A_649 : i32 to vector<16xi32>
        %add3A_651 = arith.addi %iota3A, %add3A_650 : vector<16xi32>
        %scatter3A_652 = arith.constant 1 : i32
        %scatter3A_653 = arith.constant 0 : i32
        %scatter3A_654 = arith.constant 0 : i32
        %scatter3A_655 = arith.constant 0 : i32
        %scatter3A_656 = arith.constant 0 : i32
        %scatter3A_657 = tpu.memref_slice %arg7[%scatter3A_652, %scatter3A_653, %scatter3A_654, %scatter3A_655, %scatter3A_656] : memref<2x4x4x8x128xf32, #tpu.memory_space<vmem>> -> memref<1x4x4x8x128xf32, #tpu.memory_space<vmem>>
        %scatter3A_658 = tpu.memref_squeeze %scatter3A_657 : memref<1x4x4x8x128xf32, #tpu.memory_space<vmem>> -> memref<4x4x8x128xf32, #tpu.memory_space<vmem>>
        tpu.vector_store_idx %scatter3A_658[%shift_right_arithmetic3A_318, %broadcast_in_dim3A_648, %and3A_321, %add3A_651], %gather3A_376 : memref<4x4x8x128xf32, #tpu.memory_space<vmem>>[vector<16xi32>, vector<16xi32>, vector<16xi32>, vector<16xi32>], vector<16xf32>,
        %broadcast_in_dim3A_659 = arith.constant 0 : i32
        %broadcast_in_dim3A_660 = vector.broadcast %broadcast_in_dim3A_659 : i32 to vector<16xi32>
        %add3A_661 = arith.constant 112 : i32
        %add3A_662 = vector.broadcast %add3A_661 : i32 to vector<16xi32>
        %add3A_663 = arith.addi %iota3A, %add3A_662 : vector<16xi32>
        %scatter3A_664 = arith.constant 1 : i32
        %scatter3A_665 = arith.constant 0 : i32
        %scatter3A_666 = arith.constant 0 : i32
        %scatter3A_667 = arith.constant 0 : i32
        %scatter3A_668 = arith.constant 0 : i32
        %scatter3A_669 = tpu.memref_slice %arg7[%scatter3A_664, %scatter3A_665, %scatter3A_666, %scatter3A_667, %scatter3A_668] : memref<2x4x4x8x128xf32, #tpu.memory_space<vmem>> -> memref<1x4x4x8x128xf32, #tpu.memory_space<vmem>>
        %scatter3A_670 = tpu.memref_squeeze %scatter3A_669 : memref<1x4x4x8x128xf32, #tpu.memory_space<vmem>> -> memref<4x4x8x128xf32, #tpu.memory_space<vmem>>
        tpu.vector_store_idx %scatter3A_670[%shift_right_arithmetic3A_318, %broadcast_in_dim3A_660, %and3A_321, %add3A_663], %gather3A_384 : memref<4x4x8x128xf32, #tpu.memory_space<vmem>>[vector<16xi32>, vector<16xi32>, vector<16xi32>, vector<16xi32>], vector<16xf32>,
        %broadcast_in_dim3A_671 = arith.constant 1 : i32
        %broadcast_in_dim3A_672 = vector.broadcast %broadcast_in_dim3A_671 : i32 to vector<16xi32>
        %add3A_673 = arith.constant 0 : i32
        %add3A_674 = vector.broadcast %add3A_673 : i32 to vector<16xi32>
        %add3A_675 = arith.addi %iota3A, %add3A_674 : vector<16xi32>
        %scatter3A_676 = arith.constant 1 : i32
        %scatter3A_677 = arith.constant 0 : i32
        %scatter3A_678 = arith.constant 0 : i32
        %scatter3A_679 = arith.constant 0 : i32
        %scatter3A_680 = arith.constant 0 : i32
        %scatter3A_681 = tpu.memref_slice %arg7[%scatter3A_676, %scatter3A_677, %scatter3A_678, %scatter3A_679, %scatter3A_680] : memref<2x4x4x8x128xf32, #tpu.memory_space<vmem>> -> memref<1x4x4x8x128xf32, #tpu.memory_space<vmem>>
        %scatter3A_682 = tpu.memref_squeeze %scatter3A_681 : memref<1x4x4x8x128xf32, #tpu.memory_space<vmem>> -> memref<4x4x8x128xf32, #tpu.memory_space<vmem>>
        tpu.vector_store_idx %scatter3A_682[%shift_right_arithmetic3A_318, %broadcast_in_dim3A_672, %and3A_321, %add3A_675], %gather3A_392 : memref<4x4x8x128xf32, #tpu.memory_space<vmem>>[vector<16xi32>, vector<16xi32>, vector<16xi32>, vector<16xi32>], vector<16xf32>,
        %broadcast_in_dim3A_683 = arith.constant 1 : i32
        %broadcast_in_dim3A_684 = vector.broadcast %broadcast_in_dim3A_683 : i32 to vector<16xi32>
        %add3A_685 = arith.constant 16 : i32
        %add3A_686 = vector.broadcast %add3A_685 : i32 to vector<16xi32>
        %add3A_687 = arith.addi %iota3A, %add3A_686 : vector<16xi32>
        %scatter3A_688 = arith.constant 1 : i32
        %scatter3A_689 = arith.constant 0 : i32
        %scatter3A_690 = arith.constant 0 : i32
        %scatter3A_691 = arith.constant 0 : i32
        %scatter3A_692 = arith.constant 0 : i32
        %scatter3A_693 = tpu.memref_slice %arg7[%scatter3A_688, %scatter3A_689, %scatter3A_690, %scatter3A_691, %scatter3A_692] : memref<2x4x4x8x128xf32, #tpu.memory_space<vmem>> -> memref<1x4x4x8x128xf32, #tpu.memory_space<vmem>>
        %scatter3A_694 = tpu.memref_squeeze %scatter3A_693 : memref<1x4x4x8x128xf32, #tpu.memory_space<vmem>> -> memref<4x4x8x128xf32, #tpu.memory_space<vmem>>
        tpu.vector_store_idx %scatter3A_694[%shift_right_arithmetic3A_318, %broadcast_in_dim3A_684, %and3A_321, %add3A_687], %gather3A_400 : memref<4x4x8x128xf32, #tpu.memory_space<vmem>>[vector<16xi32>, vector<16xi32>, vector<16xi32>, vector<16xi32>], vector<16xf32>,
        %broadcast_in_dim3A_695 = arith.constant 1 : i32
        %broadcast_in_dim3A_696 = vector.broadcast %broadcast_in_dim3A_695 : i32 to vector<16xi32>
        %add3A_697 = arith.constant 32 : i32
        %add3A_698 = vector.broadcast %add3A_697 : i32 to vector<16xi32>
        %add3A_699 = arith.addi %iota3A, %add3A_698 : vector<16xi32>
        %scatter3A_700 = arith.constant 1 : i32
        %scatter3A_701 = arith.constant 0 : i32
        %scatter3A_702 = arith.constant 0 : i32
        %scatter3A_703 = arith.constant 0 : i32
        %scatter3A_704 = arith.constant 0 : i32
        %scatter3A_705 = tpu.memref_slice %arg7[%scatter3A_700, %scatter3A_701, %scatter3A_702, %scatter3A_703, %scatter3A_704] : memref<2x4x4x8x128xf32, #tpu.memory_space<vmem>> -> memref<1x4x4x8x128xf32, #tpu.memory_space<vmem>>
        %scatter3A_706 = tpu.memref_squeeze %scatter3A_705 : memref<1x4x4x8x128xf32, #tpu.memory_space<vmem>> -> memref<4x4x8x128xf32, #tpu.memory_space<vmem>>
        tpu.vector_store_idx %scatter3A_706[%shift_right_arithmetic3A_318, %broadcast_in_dim3A_696, %and3A_321, %add3A_699], %gather3A_408 : memref<4x4x8x128xf32, #tpu.memory_space<vmem>>[vector<16xi32>, vector<16xi32>, vector<16xi32>, vector<16xi32>], vector<16xf32>,
        %broadcast_in_dim3A_707 = arith.constant 1 : i32
        %broadcast_in_dim3A_708 = vector.broadcast %broadcast_in_dim3A_707 : i32 to vector<16xi32>
        %add3A_709 = arith.constant 48 : i32
        %add3A_710 = vector.broadcast %add3A_709 : i32 to vector<16xi32>
        %add3A_711 = arith.addi %iota3A, %add3A_710 : vector<16xi32>
        %scatter3A_712 = arith.constant 1 : i32
        %scatter3A_713 = arith.constant 0 : i32
        %scatter3A_714 = arith.constant 0 : i32
        %scatter3A_715 = arith.constant 0 : i32
        %scatter3A_716 = arith.constant 0 : i32
        %scatter3A_717 = tpu.memref_slice %arg7[%scatter3A_712, %scatter3A_713, %scatter3A_714, %scatter3A_715, %scatter3A_716] : memref<2x4x4x8x128xf32, #tpu.memory_space<vmem>> -> memref<1x4x4x8x128xf32, #tpu.memory_space<vmem>>
        %scatter3A_718 = tpu.memref_squeeze %scatter3A_717 : memref<1x4x4x8x128xf32, #tpu.memory_space<vmem>> -> memref<4x4x8x128xf32, #tpu.memory_space<vmem>>
        tpu.vector_store_idx %scatter3A_718[%shift_right_arithmetic3A_318, %broadcast_in_dim3A_708, %and3A_321, %add3A_711], %gather3A_416 : memref<4x4x8x128xf32, #tpu.memory_space<vmem>>[vector<16xi32>, vector<16xi32>, vector<16xi32>, vector<16xi32>], vector<16xf32>,
        %broadcast_in_dim3A_719 = arith.constant 1 : i32
        %broadcast_in_dim3A_720 = vector.broadcast %broadcast_in_dim3A_719 : i32 to vector<16xi32>
        %add3A_721 = arith.constant 64 : i32
        %add3A_722 = vector.broadcast %add3A_721 : i32 to vector<16xi32>
        %add3A_723 = arith.addi %iota3A, %add3A_722 : vector<16xi32>
        %scatter3A_724 = arith.constant 1 : i32
        %scatter3A_725 = arith.constant 0 : i32
        %scatter3A_726 = arith.constant 0 : i32
        %scatter3A_727 = arith.constant 0 : i32
        %scatter3A_728 = arith.constant 0 : i32
        %scatter3A_729 = tpu.memref_slice %arg7[%scatter3A_724, %scatter3A_725, %scatter3A_726, %scatter3A_727, %scatter3A_728] : memref<2x4x4x8x128xf32, #tpu.memory_space<vmem>> -> memref<1x4x4x8x128xf32, #tpu.memory_space<vmem>>
        %scatter3A_730 = tpu.memref_squeeze %scatter3A_729 : memref<1x4x4x8x128xf32, #tpu.memory_space<vmem>> -> memref<4x4x8x128xf32, #tpu.memory_space<vmem>>
        tpu.vector_store_idx %scatter3A_730[%shift_right_arithmetic3A_318, %broadcast_in_dim3A_720, %and3A_321, %add3A_723], %gather3A_424 : memref<4x4x8x128xf32, #tpu.memory_space<vmem>>[vector<16xi32>, vector<16xi32>, vector<16xi32>, vector<16xi32>], vector<16xf32>,
        %broadcast_in_dim3A_731 = arith.constant 1 : i32
        %broadcast_in_dim3A_732 = vector.broadcast %broadcast_in_dim3A_731 : i32 to vector<16xi32>
        %add3A_733 = arith.constant 80 : i32
        %add3A_734 = vector.broadcast %add3A_733 : i32 to vector<16xi32>
        %add3A_735 = arith.addi %iota3A, %add3A_734 : vector<16xi32>
        %scatter3A_736 = arith.constant 1 : i32
        %scatter3A_737 = arith.constant 0 : i32
        %scatter3A_738 = arith.constant 0 : i32
        %scatter3A_739 = arith.constant 0 : i32
        %scatter3A_740 = arith.constant 0 : i32
        %scatter3A_741 = tpu.memref_slice %arg7[%scatter3A_736, %scatter3A_737, %scatter3A_738, %scatter3A_739, %scatter3A_740] : memref<2x4x4x8x128xf32, #tpu.memory_space<vmem>> -> memref<1x4x4x8x128xf32, #tpu.memory_space<vmem>>
        %scatter3A_742 = tpu.memref_squeeze %scatter3A_741 : memref<1x4x4x8x128xf32, #tpu.memory_space<vmem>> -> memref<4x4x8x128xf32, #tpu.memory_space<vmem>>
        tpu.vector_store_idx %scatter3A_742[%shift_right_arithmetic3A_318, %broadcast_in_dim3A_732, %and3A_321, %add3A_735], %gather3A_432 : memref<4x4x8x128xf32, #tpu.memory_space<vmem>>[vector<16xi32>, vector<16xi32>, vector<16xi32>, vector<16xi32>], vector<16xf32>,
        %broadcast_in_dim3A_743 = arith.constant 1 : i32
        %broadcast_in_dim3A_744 = vector.broadcast %broadcast_in_dim3A_743 : i32 to vector<16xi32>
        %add3A_745 = arith.constant 96 : i32
        %add3A_746 = vector.broadcast %add3A_745 : i32 to vector<16xi32>
        %add3A_747 = arith.addi %iota3A, %add3A_746 : vector<16xi32>
        %scatter3A_748 = arith.constant 1 : i32
        %scatter3A_749 = arith.constant 0 : i32
        %scatter3A_750 = arith.constant 0 : i32
        %scatter3A_751 = arith.constant 0 : i32
        %scatter3A_752 = arith.constant 0 : i32
        %scatter3A_753 = tpu.memref_slice %arg7[%scatter3A_748, %scatter3A_749, %scatter3A_750, %scatter3A_751, %scatter3A_752] : memref<2x4x4x8x128xf32, #tpu.memory_space<vmem>> -> memref<1x4x4x8x128xf32, #tpu.memory_space<vmem>>
        %scatter3A_754 = tpu.memref_squeeze %scatter3A_753 : memref<1x4x4x8x128xf32, #tpu.memory_space<vmem>> -> memref<4x4x8x128xf32, #tpu.memory_space<vmem>>
        tpu.vector_store_idx %scatter3A_754[%shift_right_arithmetic3A_318, %broadcast_in_dim3A_744, %and3A_321, %add3A_747], %gather3A_440 : memref<4x4x8x128xf32, #tpu.memory_space<vmem>>[vector<16xi32>, vector<16xi32>, vector<16xi32>, vector<16xi32>], vector<16xf32>,
        %broadcast_in_dim3A_755 = arith.constant 1 : i32
        %broadcast_in_dim3A_756 = vector.broadcast %broadcast_in_dim3A_755 : i32 to vector<16xi32>
        %add3A_757 = arith.constant 112 : i32
        %add3A_758 = vector.broadcast %add3A_757 : i32 to vector<16xi32>
        %add3A_759 = arith.addi %iota3A, %add3A_758 : vector<16xi32>
        %scatter3A_760 = arith.constant 1 : i32
        %scatter3A_761 = arith.constant 0 : i32
        %scatter3A_762 = arith.constant 0 : i32
        %scatter3A_763 = arith.constant 0 : i32
        %scatter3A_764 = arith.constant 0 : i32
        %scatter3A_765 = tpu.memref_slice %arg7[%scatter3A_760, %scatter3A_761, %scatter3A_762, %scatter3A_763, %scatter3A_764] : memref<2x4x4x8x128xf32, #tpu.memory_space<vmem>> -> memref<1x4x4x8x128xf32, #tpu.memory_space<vmem>>
        %scatter3A_766 = tpu.memref_squeeze %scatter3A_765 : memref<1x4x4x8x128xf32, #tpu.memory_space<vmem>> -> memref<4x4x8x128xf32, #tpu.memory_space<vmem>>
        tpu.vector_store_idx %scatter3A_766[%shift_right_arithmetic3A_318, %broadcast_in_dim3A_756, %and3A_321, %add3A_759], %gather3A_448 : memref<4x4x8x128xf32, #tpu.memory_space<vmem>>[vector<16xi32>, vector<16xi32>, vector<16xi32>, vector<16xi32>], vector<16xf32>,
        %broadcast_in_dim3A_767 = arith.constant 2 : i32
        %broadcast_in_dim3A_768 = vector.broadcast %broadcast_in_dim3A_767 : i32 to vector<16xi32>
        %add3A_769 = arith.constant 0 : i32
        %add3A_770 = vector.broadcast %add3A_769 : i32 to vector<16xi32>
        %add3A_771 = arith.addi %iota3A, %add3A_770 : vector<16xi32>
        %scatter3A_772 = arith.constant 1 : i32
        %scatter3A_773 = arith.constant 0 : i32
        %scatter3A_774 = arith.constant 0 : i32
        %scatter3A_775 = arith.constant 0 : i32
        %scatter3A_776 = arith.constant 0 : i32
        %scatter3A_777 = tpu.memref_slice %arg7[%scatter3A_772, %scatter3A_773, %scatter3A_774, %scatter3A_775, %scatter3A_776] : memref<2x4x4x8x128xf32, #tpu.memory_space<vmem>> -> memref<1x4x4x8x128xf32, #tpu.memory_space<vmem>>
        %scatter3A_778 = tpu.memref_squeeze %scatter3A_777 : memref<1x4x4x8x128xf32, #tpu.memory_space<vmem>> -> memref<4x4x8x128xf32, #tpu.memory_space<vmem>>
        tpu.vector_store_idx %scatter3A_778[%shift_right_arithmetic3A_318, %broadcast_in_dim3A_768, %and3A_321, %add3A_771], %gather3A_456 : memref<4x4x8x128xf32, #tpu.memory_space<vmem>>[vector<16xi32>, vector<16xi32>, vector<16xi32>, vector<16xi32>], vector<16xf32>,
        %broadcast_in_dim3A_779 = arith.constant 2 : i32
        %broadcast_in_dim3A_780 = vector.broadcast %broadcast_in_dim3A_779 : i32 to vector<16xi32>
        %add3A_781 = arith.constant 16 : i32
        %add3A_782 = vector.broadcast %add3A_781 : i32 to vector<16xi32>
        %add3A_783 = arith.addi %iota3A, %add3A_782 : vector<16xi32>
        %scatter3A_784 = arith.constant 1 : i32
        %scatter3A_785 = arith.constant 0 : i32
        %scatter3A_786 = arith.constant 0 : i32
        %scatter3A_787 = arith.constant 0 : i32
        %scatter3A_788 = arith.constant 0 : i32
        %scatter3A_789 = tpu.memref_slice %arg7[%scatter3A_784, %scatter3A_785, %scatter3A_786, %scatter3A_787, %scatter3A_788] : memref<2x4x4x8x128xf32, #tpu.memory_space<vmem>> -> memref<1x4x4x8x128xf32, #tpu.memory_space<vmem>>
        %scatter3A_790 = tpu.memref_squeeze %scatter3A_789 : memref<1x4x4x8x128xf32, #tpu.memory_space<vmem>> -> memref<4x4x8x128xf32, #tpu.memory_space<vmem>>
        tpu.vector_store_idx %scatter3A_790[%shift_right_arithmetic3A_318, %broadcast_in_dim3A_780, %and3A_321, %add3A_783], %gather3A_464 : memref<4x4x8x128xf32, #tpu.memory_space<vmem>>[vector<16xi32>, vector<16xi32>, vector<16xi32>, vector<16xi32>], vector<16xf32>,
        %broadcast_in_dim3A_791 = arith.constant 2 : i32
        %broadcast_in_dim3A_792 = vector.broadcast %broadcast_in_dim3A_791 : i32 to vector<16xi32>
        %add3A_793 = arith.constant 32 : i32
        %add3A_794 = vector.broadcast %add3A_793 : i32 to vector<16xi32>
        %add3A_795 = arith.addi %iota3A, %add3A_794 : vector<16xi32>
        %scatter3A_796 = arith.constant 1 : i32
        %scatter3A_797 = arith.constant 0 : i32
        %scatter3A_798 = arith.constant 0 : i32
        %scatter3A_799 = arith.constant 0 : i32
        %scatter3A_800 = arith.constant 0 : i32
        %scatter3A_801 = tpu.memref_slice %arg7[%scatter3A_796, %scatter3A_797, %scatter3A_798, %scatter3A_799, %scatter3A_800] : memref<2x4x4x8x128xf32, #tpu.memory_space<vmem>> -> memref<1x4x4x8x128xf32, #tpu.memory_space<vmem>>
        %scatter3A_802 = tpu.memref_squeeze %scatter3A_801 : memref<1x4x4x8x128xf32, #tpu.memory_space<vmem>> -> memref<4x4x8x128xf32, #tpu.memory_space<vmem>>
        tpu.vector_store_idx %scatter3A_802[%shift_right_arithmetic3A_318, %broadcast_in_dim3A_792, %and3A_321, %add3A_795], %gather3A_472 : memref<4x4x8x128xf32, #tpu.memory_space<vmem>>[vector<16xi32>, vector<16xi32>, vector<16xi32>, vector<16xi32>], vector<16xf32>,
        %broadcast_in_dim3A_803 = arith.constant 2 : i32
        %broadcast_in_dim3A_804 = vector.broadcast %broadcast_in_dim3A_803 : i32 to vector<16xi32>
        %add3A_805 = arith.constant 48 : i32
        %add3A_806 = vector.broadcast %add3A_805 : i32 to vector<16xi32>
        %add3A_807 = arith.addi %iota3A, %add3A_806 : vector<16xi32>
        %scatter3A_808 = arith.constant 1 : i32
        %scatter3A_809 = arith.constant 0 : i32
        %scatter3A_810 = arith.constant 0 : i32
        %scatter3A_811 = arith.constant 0 : i32
        %scatter3A_812 = arith.constant 0 : i32
        %scatter3A_813 = tpu.memref_slice %arg7[%scatter3A_808, %scatter3A_809, %scatter3A_810, %scatter3A_811, %scatter3A_812] : memref<2x4x4x8x128xf32, #tpu.memory_space<vmem>> -> memref<1x4x4x8x128xf32, #tpu.memory_space<vmem>>
        %scatter3A_814 = tpu.memref_squeeze %scatter3A_813 : memref<1x4x4x8x128xf32, #tpu.memory_space<vmem>> -> memref<4x4x8x128xf32, #tpu.memory_space<vmem>>
        tpu.vector_store_idx %scatter3A_814[%shift_right_arithmetic3A_318, %broadcast_in_dim3A_804, %and3A_321, %add3A_807], %gather3A_480 : memref<4x4x8x128xf32, #tpu.memory_space<vmem>>[vector<16xi32>, vector<16xi32>, vector<16xi32>, vector<16xi32>], vector<16xf32>,
        %broadcast_in_dim3A_815 = arith.constant 2 : i32
        %broadcast_in_dim3A_816 = vector.broadcast %broadcast_in_dim3A_815 : i32 to vector<16xi32>
        %add3A_817 = arith.constant 64 : i32
        %add3A_818 = vector.broadcast %add3A_817 : i32 to vector<16xi32>
        %add3A_819 = arith.addi %iota3A, %add3A_818 : vector<16xi32>
        %scatter3A_820 = arith.constant 1 : i32
        %scatter3A_821 = arith.constant 0 : i32
        %scatter3A_822 = arith.constant 0 : i32
        %scatter3A_823 = arith.constant 0 : i32
        %scatter3A_824 = arith.constant 0 : i32
        %scatter3A_825 = tpu.memref_slice %arg7[%scatter3A_820, %scatter3A_821, %scatter3A_822, %scatter3A_823, %scatter3A_824] : memref<2x4x4x8x128xf32, #tpu.memory_space<vmem>> -> memref<1x4x4x8x128xf32, #tpu.memory_space<vmem>>
        %scatter3A_826 = tpu.memref_squeeze %scatter3A_825 : memref<1x4x4x8x128xf32, #tpu.memory_space<vmem>> -> memref<4x4x8x128xf32, #tpu.memory_space<vmem>>
        tpu.vector_store_idx %scatter3A_826[%shift_right_arithmetic3A_318, %broadcast_in_dim3A_816, %and3A_321, %add3A_819], %gather3A_488 : memref<4x4x8x128xf32, #tpu.memory_space<vmem>>[vector<16xi32>, vector<16xi32>, vector<16xi32>, vector<16xi32>], vector<16xf32>,
        %broadcast_in_dim3A_827 = arith.constant 2 : i32
        %broadcast_in_dim3A_828 = vector.broadcast %broadcast_in_dim3A_827 : i32 to vector<16xi32>
        %add3A_829 = arith.constant 80 : i32
        %add3A_830 = vector.broadcast %add3A_829 : i32 to vector<16xi32>
        %add3A_831 = arith.addi %iota3A, %add3A_830 : vector<16xi32>
        %scatter3A_832 = arith.constant 1 : i32
        %scatter3A_833 = arith.constant 0 : i32
        %scatter3A_834 = arith.constant 0 : i32
        %scatter3A_835 = arith.constant 0 : i32
        %scatter3A_836 = arith.constant 0 : i32
        %scatter3A_837 = tpu.memref_slice %arg7[%scatter3A_832, %scatter3A_833, %scatter3A_834, %scatter3A_835, %scatter3A_836] : memref<2x4x4x8x128xf32, #tpu.memory_space<vmem>> -> memref<1x4x4x8x128xf32, #tpu.memory_space<vmem>>
        %scatter3A_838 = tpu.memref_squeeze %scatter3A_837 : memref<1x4x4x8x128xf32, #tpu.memory_space<vmem>> -> memref<4x4x8x128xf32, #tpu.memory_space<vmem>>
        tpu.vector_store_idx %scatter3A_838[%shift_right_arithmetic3A_318, %broadcast_in_dim3A_828, %and3A_321, %add3A_831], %gather3A_496 : memref<4x4x8x128xf32, #tpu.memory_space<vmem>>[vector<16xi32>, vector<16xi32>, vector<16xi32>, vector<16xi32>], vector<16xf32>,
        %broadcast_in_dim3A_839 = arith.constant 2 : i32
        %broadcast_in_dim3A_840 = vector.broadcast %broadcast_in_dim3A_839 : i32 to vector<16xi32>
        %add3A_841 = arith.constant 96 : i32
        %add3A_842 = vector.broadcast %add3A_841 : i32 to vector<16xi32>
        %add3A_843 = arith.addi %iota3A, %add3A_842 : vector<16xi32>
        %scatter3A_844 = arith.constant 1 : i32
        %scatter3A_845 = arith.constant 0 : i32
        %scatter3A_846 = arith.constant 0 : i32
        %scatter3A_847 = arith.constant 0 : i32
        %scatter3A_848 = arith.constant 0 : i32
        %scatter3A_849 = tpu.memref_slice %arg7[%scatter3A_844, %scatter3A_845, %scatter3A_846, %scatter3A_847, %scatter3A_848] : memref<2x4x4x8x128xf32, #tpu.memory_space<vmem>> -> memref<1x4x4x8x128xf32, #tpu.memory_space<vmem>>
        %scatter3A_850 = tpu.memref_squeeze %scatter3A_849 : memref<1x4x4x8x128xf32, #tpu.memory_space<vmem>> -> memref<4x4x8x128xf32, #tpu.memory_space<vmem>>
        tpu.vector_store_idx %scatter3A_850[%shift_right_arithmetic3A_318, %broadcast_in_dim3A_840, %and3A_321, %add3A_843], %gather3A_504 : memref<4x4x8x128xf32, #tpu.memory_space<vmem>>[vector<16xi32>, vector<16xi32>, vector<16xi32>, vector<16xi32>], vector<16xf32>,
        %broadcast_in_dim3A_851 = arith.constant 2 : i32
        %broadcast_in_dim3A_852 = vector.broadcast %broadcast_in_dim3A_851 : i32 to vector<16xi32>
        %add3A_853 = arith.constant 112 : i32
        %add3A_854 = vector.broadcast %add3A_853 : i32 to vector<16xi32>
        %add3A_855 = arith.addi %iota3A, %add3A_854 : vector<16xi32>
        %scatter3A_856 = arith.constant 1 : i32
        %scatter3A_857 = arith.constant 0 : i32
        %scatter3A_858 = arith.constant 0 : i32
        %scatter3A_859 = arith.constant 0 : i32
        %scatter3A_860 = arith.constant 0 : i32
        %scatter3A_861 = tpu.memref_slice %arg7[%scatter3A_856, %scatter3A_857, %scatter3A_858, %scatter3A_859, %scatter3A_860] : memref<2x4x4x8x128xf32, #tpu.memory_space<vmem>> -> memref<1x4x4x8x128xf32, #tpu.memory_space<vmem>>
        %scatter3A_862 = tpu.memref_squeeze %scatter3A_861 : memref<1x4x4x8x128xf32, #tpu.memory_space<vmem>> -> memref<4x4x8x128xf32, #tpu.memory_space<vmem>>
        tpu.vector_store_idx %scatter3A_862[%shift_right_arithmetic3A_318, %broadcast_in_dim3A_852, %and3A_321, %add3A_855], %gather3A_512 : memref<4x4x8x128xf32, #tpu.memory_space<vmem>>[vector<16xi32>, vector<16xi32>, vector<16xi32>, vector<16xi32>], vector<16xf32>,
        %broadcast_in_dim3A_863 = arith.constant 3 : i32
        %broadcast_in_dim3A_864 = vector.broadcast %broadcast_in_dim3A_863 : i32 to vector<16xi32>
        %add3A_865 = arith.constant 0 : i32
        %add3A_866 = vector.broadcast %add3A_865 : i32 to vector<16xi32>
        %add3A_867 = arith.addi %iota3A, %add3A_866 : vector<16xi32>
        %scatter3A_868 = arith.constant 1 : i32
        %scatter3A_869 = arith.constant 0 : i32
        %scatter3A_870 = arith.constant 0 : i32
        %scatter3A_871 = arith.constant 0 : i32
        %scatter3A_872 = arith.constant 0 : i32
        %scatter3A_873 = tpu.memref_slice %arg7[%scatter3A_868, %scatter3A_869, %scatter3A_870, %scatter3A_871, %scatter3A_872] : memref<2x4x4x8x128xf32, #tpu.memory_space<vmem>> -> memref<1x4x4x8x128xf32, #tpu.memory_space<vmem>>
        %scatter3A_874 = tpu.memref_squeeze %scatter3A_873 : memref<1x4x4x8x128xf32, #tpu.memory_space<vmem>> -> memref<4x4x8x128xf32, #tpu.memory_space<vmem>>
        tpu.vector_store_idx %scatter3A_874[%shift_right_arithmetic3A_318, %broadcast_in_dim3A_864, %and3A_321, %add3A_867], %gather3A_520 : memref<4x4x8x128xf32, #tpu.memory_space<vmem>>[vector<16xi32>, vector<16xi32>, vector<16xi32>, vector<16xi32>], vector<16xf32>,
        %broadcast_in_dim3A_875 = arith.constant 3 : i32
        %broadcast_in_dim3A_876 = vector.broadcast %broadcast_in_dim3A_875 : i32 to vector<16xi32>
        %add3A_877 = arith.constant 16 : i32
        %add3A_878 = vector.broadcast %add3A_877 : i32 to vector<16xi32>
        %add3A_879 = arith.addi %iota3A, %add3A_878 : vector<16xi32>
        %scatter3A_880 = arith.constant 1 : i32
        %scatter3A_881 = arith.constant 0 : i32
        %scatter3A_882 = arith.constant 0 : i32
        %scatter3A_883 = arith.constant 0 : i32
        %scatter3A_884 = arith.constant 0 : i32
        %scatter3A_885 = tpu.memref_slice %arg7[%scatter3A_880, %scatter3A_881, %scatter3A_882, %scatter3A_883, %scatter3A_884] : memref<2x4x4x8x128xf32, #tpu.memory_space<vmem>> -> memref<1x4x4x8x128xf32, #tpu.memory_space<vmem>>
        %scatter3A_886 = tpu.memref_squeeze %scatter3A_885 : memref<1x4x4x8x128xf32, #tpu.memory_space<vmem>> -> memref<4x4x8x128xf32, #tpu.memory_space<vmem>>
        tpu.vector_store_idx %scatter3A_886[%shift_right_arithmetic3A_318, %broadcast_in_dim3A_876, %and3A_321, %add3A_879], %gather3A_528 : memref<4x4x8x128xf32, #tpu.memory_space<vmem>>[vector<16xi32>, vector<16xi32>, vector<16xi32>, vector<16xi32>], vector<16xf32>,
        %broadcast_in_dim3A_887 = arith.constant 3 : i32
        %broadcast_in_dim3A_888 = vector.broadcast %broadcast_in_dim3A_887 : i32 to vector<16xi32>
        %add3A_889 = arith.constant 32 : i32
        %add3A_890 = vector.broadcast %add3A_889 : i32 to vector<16xi32>
        %add3A_891 = arith.addi %iota3A, %add3A_890 : vector<16xi32>
        %scatter3A_892 = arith.constant 1 : i32
        %scatter3A_893 = arith.constant 0 : i32
        %scatter3A_894 = arith.constant 0 : i32
        %scatter3A_895 = arith.constant 0 : i32
        %scatter3A_896 = arith.constant 0 : i32
        %scatter3A_897 = tpu.memref_slice %arg7[%scatter3A_892, %scatter3A_893, %scatter3A_894, %scatter3A_895, %scatter3A_896] : memref<2x4x4x8x128xf32, #tpu.memory_space<vmem>> -> memref<1x4x4x8x128xf32, #tpu.memory_space<vmem>>
        %scatter3A_898 = tpu.memref_squeeze %scatter3A_897 : memref<1x4x4x8x128xf32, #tpu.memory_space<vmem>> -> memref<4x4x8x128xf32, #tpu.memory_space<vmem>>
        tpu.vector_store_idx %scatter3A_898[%shift_right_arithmetic3A_318, %broadcast_in_dim3A_888, %and3A_321, %add3A_891], %gather3A_536 : memref<4x4x8x128xf32, #tpu.memory_space<vmem>>[vector<16xi32>, vector<16xi32>, vector<16xi32>, vector<16xi32>], vector<16xf32>,
        %broadcast_in_dim3A_899 = arith.constant 3 : i32
        %broadcast_in_dim3A_900 = vector.broadcast %broadcast_in_dim3A_899 : i32 to vector<16xi32>
        %add3A_901 = arith.constant 48 : i32
        %add3A_902 = vector.broadcast %add3A_901 : i32 to vector<16xi32>
        %add3A_903 = arith.addi %iota3A, %add3A_902 : vector<16xi32>
        %scatter3A_904 = arith.constant 1 : i32
        %scatter3A_905 = arith.constant 0 : i32
        %scatter3A_906 = arith.constant 0 : i32
        %scatter3A_907 = arith.constant 0 : i32
        %scatter3A_908 = arith.constant 0 : i32
        %scatter3A_909 = tpu.memref_slice %arg7[%scatter3A_904, %scatter3A_905, %scatter3A_906, %scatter3A_907, %scatter3A_908] : memref<2x4x4x8x128xf32, #tpu.memory_space<vmem>> -> memref<1x4x4x8x128xf32, #tpu.memory_space<vmem>>
        %scatter3A_910 = tpu.memref_squeeze %scatter3A_909 : memref<1x4x4x8x128xf32, #tpu.memory_space<vmem>> -> memref<4x4x8x128xf32, #tpu.memory_space<vmem>>
        tpu.vector_store_idx %scatter3A_910[%shift_right_arithmetic3A_318, %broadcast_in_dim3A_900, %and3A_321, %add3A_903], %gather3A_544 : memref<4x4x8x128xf32, #tpu.memory_space<vmem>>[vector<16xi32>, vector<16xi32>, vector<16xi32>, vector<16xi32>], vector<16xf32>,
        %broadcast_in_dim3A_911 = arith.constant 3 : i32
        %broadcast_in_dim3A_912 = vector.broadcast %broadcast_in_dim3A_911 : i32 to vector<16xi32>
        %add3A_913 = arith.constant 64 : i32
        %add3A_914 = vector.broadcast %add3A_913 : i32 to vector<16xi32>
        %add3A_915 = arith.addi %iota3A, %add3A_914 : vector<16xi32>
        %scatter3A_916 = arith.constant 1 : i32
        %scatter3A_917 = arith.constant 0 : i32
        %scatter3A_918 = arith.constant 0 : i32
        %scatter3A_919 = arith.constant 0 : i32
        %scatter3A_920 = arith.constant 0 : i32
        %scatter3A_921 = tpu.memref_slice %arg7[%scatter3A_916, %scatter3A_917, %scatter3A_918, %scatter3A_919, %scatter3A_920] : memref<2x4x4x8x128xf32, #tpu.memory_space<vmem>> -> memref<1x4x4x8x128xf32, #tpu.memory_space<vmem>>
        %scatter3A_922 = tpu.memref_squeeze %scatter3A_921 : memref<1x4x4x8x128xf32, #tpu.memory_space<vmem>> -> memref<4x4x8x128xf32, #tpu.memory_space<vmem>>
        tpu.vector_store_idx %scatter3A_922[%shift_right_arithmetic3A_318, %broadcast_in_dim3A_912, %and3A_321, %add3A_915], %gather3A_552 : memref<4x4x8x128xf32, #tpu.memory_space<vmem>>[vector<16xi32>, vector<16xi32>, vector<16xi32>, vector<16xi32>], vector<16xf32>,
        %broadcast_in_dim3A_923 = arith.constant 3 : i32
        %broadcast_in_dim3A_924 = vector.broadcast %broadcast_in_dim3A_923 : i32 to vector<16xi32>
        %add3A_925 = arith.constant 80 : i32
        %add3A_926 = vector.broadcast %add3A_925 : i32 to vector<16xi32>
        %add3A_927 = arith.addi %iota3A, %add3A_926 : vector<16xi32>
        %scatter3A_928 = arith.constant 1 : i32
        %scatter3A_929 = arith.constant 0 : i32
        %scatter3A_930 = arith.constant 0 : i32
        %scatter3A_931 = arith.constant 0 : i32
        %scatter3A_932 = arith.constant 0 : i32
        %scatter3A_933 = tpu.memref_slice %arg7[%scatter3A_928, %scatter3A_929, %scatter3A_930, %scatter3A_931, %scatter3A_932] : memref<2x4x4x8x128xf32, #tpu.memory_space<vmem>> -> memref<1x4x4x8x128xf32, #tpu.memory_space<vmem>>
        %scatter3A_934 = tpu.memref_squeeze %scatter3A_933 : memref<1x4x4x8x128xf32, #tpu.memory_space<vmem>> -> memref<4x4x8x128xf32, #tpu.memory_space<vmem>>
        tpu.vector_store_idx %scatter3A_934[%shift_right_arithmetic3A_318, %broadcast_in_dim3A_924, %and3A_321, %add3A_927], %gather3A_560 : memref<4x4x8x128xf32, #tpu.memory_space<vmem>>[vector<16xi32>, vector<16xi32>, vector<16xi32>, vector<16xi32>], vector<16xf32>,
        %broadcast_in_dim3A_935 = arith.constant 3 : i32
        %broadcast_in_dim3A_936 = vector.broadcast %broadcast_in_dim3A_935 : i32 to vector<16xi32>
        %add3A_937 = arith.constant 96 : i32
        %add3A_938 = vector.broadcast %add3A_937 : i32 to vector<16xi32>
        %add3A_939 = arith.addi %iota3A, %add3A_938 : vector<16xi32>
        %scatter3A_940 = arith.constant 1 : i32
        %scatter3A_941 = arith.constant 0 : i32
        %scatter3A_942 = arith.constant 0 : i32
        %scatter3A_943 = arith.constant 0 : i32
        %scatter3A_944 = arith.constant 0 : i32
        %scatter3A_945 = tpu.memref_slice %arg7[%scatter3A_940, %scatter3A_941, %scatter3A_942, %scatter3A_943, %scatter3A_944] : memref<2x4x4x8x128xf32, #tpu.memory_space<vmem>> -> memref<1x4x4x8x128xf32, #tpu.memory_space<vmem>>
        %scatter3A_946 = tpu.memref_squeeze %scatter3A_945 : memref<1x4x4x8x128xf32, #tpu.memory_space<vmem>> -> memref<4x4x8x128xf32, #tpu.memory_space<vmem>>
        tpu.vector_store_idx %scatter3A_946[%shift_right_arithmetic3A_318, %broadcast_in_dim3A_936, %and3A_321, %add3A_939], %gather3A_568 : memref<4x4x8x128xf32, #tpu.memory_space<vmem>>[vector<16xi32>, vector<16xi32>, vector<16xi32>, vector<16xi32>], vector<16xf32>,
        %broadcast_in_dim3A_947 = arith.constant 3 : i32
        %broadcast_in_dim3A_948 = vector.broadcast %broadcast_in_dim3A_947 : i32 to vector<16xi32>
        %add3A_949 = arith.constant 112 : i32
        %add3A_950 = vector.broadcast %add3A_949 : i32 to vector<16xi32>
        %add3A_951 = arith.addi %iota3A, %add3A_950 : vector<16xi32>
        %scatter3A_952 = arith.constant 1 : i32
        %scatter3A_953 = arith.constant 0 : i32
        %scatter3A_954 = arith.constant 0 : i32
        %scatter3A_955 = arith.constant 0 : i32
        %scatter3A_956 = arith.constant 0 : i32
        %scatter3A_957 = tpu.memref_slice %arg7[%scatter3A_952, %scatter3A_953, %scatter3A_954, %scatter3A_955, %scatter3A_956] : memref<2x4x4x8x128xf32, #tpu.memory_space<vmem>> -> memref<1x4x4x8x128xf32, #tpu.memory_space<vmem>>
        %scatter3A_958 = tpu.memref_squeeze %scatter3A_957 : memref<1x4x4x8x128xf32, #tpu.memory_space<vmem>> -> memref<4x4x8x128xf32, #tpu.memory_space<vmem>>
        tpu.vector_store_idx %scatter3A_958[%shift_right_arithmetic3A_318, %broadcast_in_dim3A_948, %and3A_321, %add3A_951], %gather3A_576 : memref<4x4x8x128xf32, #tpu.memory_space<vmem>>[vector<16xi32>, vector<16xi32>, vector<16xi32>, vector<16xi32>], vector<16xf32>,
      }
      %scan3A_244 = arith.constant 32 : i32
      %add3A_245 = arith.addi %mul3A_2, %add3A_206 : i32
      %jit3A_246 = arith.constant 32 : i32
      %div3A_247 = arith.divsi %add3A_245, %jit3A_246 : i32
      %sign3A_248 = arith.constant 0 : i32
      %sign3A_249 = arith.cmpi sgt, %add3A_245, %sign3A_248 : i32
      %sign3A_250 = arith.extui %sign3A_249 : i1 to i32
      %sign3A_251 = arith.constant 0 : i32
      %sign3A_252 = arith.cmpi slt, %add3A_245, %sign3A_251 : i32
      %sign3A_253 = arith.extui %sign3A_252 : i1 to i32
      %sign3A_254 = arith.subi %sign3A_250, %sign3A_253 : i32
      %sign3A_255 = arith.constant 0 : i32
      %sign3A_256 = arith.cmpi sgt, %jit3A_246, %sign3A_255 : i32
      %sign3A_257 = arith.extui %sign3A_256 : i1 to i32
      %sign3A_258 = arith.constant 0 : i32
      %sign3A_259 = arith.cmpi slt, %jit3A_246, %sign3A_258 : i32
      %sign3A_260 = arith.extui %sign3A_259 : i1 to i32
      %sign3A_261 = arith.subi %sign3A_257, %sign3A_260 : i32
      %ne3A_262 = arith.cmpi ne, %sign3A_254, %sign3A_261 : i32
      %rem3A_263 = arith.remsi %add3A_245, %jit3A_246 : i32
      %ne3A_264 = arith.constant 0 : i32
      %ne3A_265 = arith.cmpi ne, %rem3A_263, %ne3A_264 : i32
      %and3A_266 = arith.andi %ne3A_262, %ne3A_265 : i1
      %sub3A_267 = arith.constant 1 : i32
      %sub3A_268 = arith.subi %div3A_247, %sub3A_267 : i32
      %select_n3A_269 = arith.select %and3A_266, %sub3A_268, %div3A_247 : i32
      %jit3A_270 = arith.constant 32 : i32
      %eq3A_271 = arith.constant 0 : i32
      %eq3A_272 = arith.cmpi eq, %jit3A_270, %eq3A_271 : i32
      %jit3A_273 = arith.constant 1 : i32
      %select_n3A_274 = arith.select %eq3A_272, %jit3A_273, %jit3A_270 : i32
      %rem3A_275 = arith.remsi %add3A_245, %select_n3A_274 : i32
      %ne3A_276 = arith.constant 0 : i32
      %ne3A_277 = arith.cmpi ne, %rem3A_275, %ne3A_276 : i32
      %lt3A_278 = arith.constant 0 : i32
      %lt3A_279 = arith.cmpi slt, %rem3A_275, %lt3A_278 : i32
      %lt3A_280 = arith.constant 0 : i32
      %lt3A_281 = arith.cmpi slt, %select_n3A_274, %lt3A_280 : i32
      %ne3A_282 = arith.xori %lt3A_279, %lt3A_281 : i1
      %and3A_283 = arith.andi %ne3A_282, %ne3A_277 : i1
      %add3A_284 = arith.addi %rem3A_275, %select_n3A_274 : i32
      %select_n3A_285 = arith.select %and3A_283, %add3A_284, %rem3A_275 : i32
      %mul3A_286 = arith.constant 4 : i32
      %mul3A_287 = arith.muli %select_n3A_285, %mul3A_286 : i32
      %dma_start3A_288 = arith.constant 1 : i32
      %dma_start3A_289 = arith.constant 0 : i32
      %dma_start3A_290 = arith.constant 0 : i32
      %dma_start3A_291 = arith.constant 0 : i32
      %dma_start3A_292 = arith.constant 0 : i32
      %dma_start3A_293 = tpu.memref_slice %arg7[%dma_start3A_288, %dma_start3A_289, %dma_start3A_290, %dma_start3A_291, %dma_start3A_292] : memref<2x4x4x8x128xf32, #tpu.memory_space<vmem>> -> memref<1x4x4x8x128xf32, #tpu.memory_space<vmem>>
      %dma_start3A_294 = tpu.memref_squeeze %dma_start3A_293 : memref<1x4x4x8x128xf32, #tpu.memory_space<vmem>> -> memref<4x4x8x128xf32, #tpu.memory_space<vmem>>
      %dma_start3A_295 = arith.constant 0 : i32
      %dma_start3A_296 = arith.constant 0 : i32
      %dma_start3A_297 = arith.constant 0 : i32
      %dma_start3A_298 = tpu.memref_slice %arg4[%select_n3A_269, %dma_start3A_295, %mul3A_287, %dma_start3A_296, %dma_start3A_297] : memref<200x4x128x8x128xf32, #tpu.memory_space<hbm>> -> memref<1x4x4x8x128xf32, #tpu.memory_space<hbm>>
      %dma_start3A_299 = tpu.memref_squeeze %dma_start3A_298 : memref<1x4x4x8x128xf32, #tpu.memory_space<hbm>> -> memref<4x4x8x128xf32, #tpu.memory_space<hbm>>
      %dma_start3A_300 = arith.constant 0 : i32
      %dma_start3A_301 = arith.constant 0 : i32
      %dma_start3A_302 = arith.constant 0 : i32
      %dma_start3A_303 = tpu.memref_slice %arg4[%select_n3A_269, %dma_start3A_300, %mul3A_287, %dma_start3A_301, %dma_start3A_302] : memref<200x4x128x8x128xf32, #tpu.memory_space<hbm>> -> memref<1x4x4x8x128xf32, #tpu.memory_space<hbm>>
      %dma_start3A_304 = tpu.memref_squeeze %dma_start3A_303 : memref<1x4x4x8x128xf32, #tpu.memory_space<hbm>> -> memref<4x4x8x128xf32, #tpu.memory_space<hbm>>
      %dma_start3A_305 = arith.constant 0 : i32
      %dma_start3A_306 = arith.constant 0 : i32
      %dma_start3A_307 = arith.constant 0 : i32
      %dma_start3A_308 = arith.constant 0 : i32
      %dma_start3A_309 = tpu.memref_slice %arg7[%dma_start3A_288, %dma_start3A_305, %dma_start3A_306, %dma_start3A_307, %dma_start3A_308] : memref<2x4x4x8x128xf32, #tpu.memory_space<vmem>> -> memref<1x4x4x8x128xf32, #tpu.memory_space<vmem>>
      %dma_start3A_310 = tpu.memref_squeeze %dma_start3A_309 : memref<1x4x4x8x128xf32, #tpu.memory_space<vmem>> -> memref<4x4x8x128xf32, #tpu.memory_space<vmem>>
      tpu.enqueue_dma source(%dma_start3A_310 : memref<4x4x8x128xf32, #tpu.memory_space<vmem>>) target(%dma_start3A_304 : memref<4x4x8x128xf32, #tpu.memory_space<hbm>>) target_semaphore(%arg13 : memref<!tpu.dma_semaphore, #tpu.memory_space<semaphore_mem>>)
    }
    %scan3A_54 = arith.constant 100 : i32
    %dma_wait3A_55 = arith.constant 0 : i32
    %dma_wait3A_56 = arith.constant 0 : i32
    %dma_wait3A_57 = arith.constant 0 : i32
    %dma_wait3A_58 = arith.constant 0 : i32
    %dma_wait3A_59 = arith.constant 0 : i32
    %dma_wait3A_60 = arith.constant 0 : i32
    %dma_wait3A_61 = tpu.memref_slice %arg7[%dma_wait3A_55, %dma_wait3A_57, %dma_wait3A_58, %dma_wait3A_59, %dma_wait3A_60] : memref<2x4x4x8x128xf32, #tpu.memory_space<vmem>> -> memref<1x4x4x8x128xf32, #tpu.memory_space<vmem>>
    %dma_wait3A_62 = tpu.memref_squeeze %dma_wait3A_61 : memref<1x4x4x8x128xf32, #tpu.memory_space<vmem>> -> memref<4x4x8x128xf32, #tpu.memory_space<vmem>>
    %dma_wait3A_63 = arith.constant 0 : i32
    %dma_wait3A_64 = arith.constant 0 : i32
    %dma_wait3A_65 = arith.constant 0 : i32
    %dma_wait3A_66 = arith.constant 0 : i32
    %dma_wait3A_67 = tpu.memref_slice %arg4[%dma_wait3A_56, %dma_wait3A_63, %dma_wait3A_64, %dma_wait3A_65, %dma_wait3A_66] : memref<200x4x128x8x128xf32, #tpu.memory_space<hbm>> -> memref<1x4x4x8x128xf32, #tpu.memory_space<hbm>>
    %dma_wait3A_68 = tpu.memref_squeeze %dma_wait3A_67 : memref<1x4x4x8x128xf32, #tpu.memory_space<hbm>> -> memref<4x4x8x128xf32, #tpu.memory_space<hbm>>
    %dma_wait3A_69 = arith.constant 0 : i32
    %dma_wait3A_70 = arith.constant 0 : i32
    %dma_wait3A_71 = arith.constant 0 : i32
    %dma_wait3A_72 = arith.constant 0 : i32
    %dma_wait3A_73 = tpu.memref_slice %arg4[%dma_wait3A_56, %dma_wait3A_69, %dma_wait3A_70, %dma_wait3A_71, %dma_wait3A_72] : memref<200x4x128x8x128xf32, #tpu.memory_space<hbm>> -> memref<1x4x4x8x128xf32, #tpu.memory_space<hbm>>
    %dma_wait3A_74 = tpu.memref_squeeze %dma_wait3A_73 : memref<1x4x4x8x128xf32, #tpu.memory_space<hbm>> -> memref<4x4x8x128xf32, #tpu.memory_space<hbm>>
    %dma_wait3A_75 = arith.constant 0 : i32
    %dma_wait3A_76 = arith.constant 0 : i32
    %dma_wait3A_77 = arith.constant 0 : i32
    %dma_wait3A_78 = arith.constant 0 : i32
    %dma_wait3A_79 = tpu.memref_slice %arg7[%dma_wait3A_55, %dma_wait3A_75, %dma_wait3A_76, %dma_wait3A_77, %dma_wait3A_78] : memref<2x4x4x8x128xf32, #tpu.memory_space<vmem>> -> memref<1x4x4x8x128xf32, #tpu.memory_space<vmem>>
    %dma_wait3A_80 = tpu.memref_squeeze %dma_wait3A_79 : memref<1x4x4x8x128xf32, #tpu.memory_space<vmem>> -> memref<4x4x8x128xf32, #tpu.memory_space<vmem>>
    tpu.wait_dma2 semaphore(%arg12 : memref<!tpu.dma_semaphore, #tpu.memory_space<semaphore_mem>>) src(%dma_wait3A_80 : memref<4x4x8x128xf32, #tpu.memory_space<vmem>>) dst(%dma_wait3A_74 : memref<4x4x8x128xf32, #tpu.memory_space<hbm>>)
    %dma_wait3A_81 = arith.constant 1 : i32
    %dma_wait3A_82 = arith.constant 0 : i32
    %dma_wait3A_83 = arith.constant 0 : i32
    %dma_wait3A_84 = arith.constant 0 : i32
    %dma_wait3A_85 = arith.constant 0 : i32
    %dma_wait3A_86 = arith.constant 0 : i32
    %dma_wait3A_87 = tpu.memref_slice %arg7[%dma_wait3A_81, %dma_wait3A_83, %dma_wait3A_84, %dma_wait3A_85, %dma_wait3A_86] : memref<2x4x4x8x128xf32, #tpu.memory_space<vmem>> -> memref<1x4x4x8x128xf32, #tpu.memory_space<vmem>>
    %dma_wait3A_88 = tpu.memref_squeeze %dma_wait3A_87 : memref<1x4x4x8x128xf32, #tpu.memory_space<vmem>> -> memref<4x4x8x128xf32, #tpu.memory_space<vmem>>
    %dma_wait3A_89 = arith.constant 0 : i32
    %dma_wait3A_90 = arith.constant 0 : i32
    %dma_wait3A_91 = arith.constant 0 : i32
    %dma_wait3A_92 = arith.constant 0 : i32
    %dma_wait3A_93 = tpu.memref_slice %arg4[%dma_wait3A_82, %dma_wait3A_89, %dma_wait3A_90, %dma_wait3A_91, %dma_wait3A_92] : memref<200x4x128x8x128xf32, #tpu.memory_space<hbm>> -> memref<1x4x4x8x128xf32, #tpu.memory_space<hbm>>
    %dma_wait3A_94 = tpu.memref_squeeze %dma_wait3A_93 : memref<1x4x4x8x128xf32, #tpu.memory_space<hbm>> -> memref<4x4x8x128xf32, #tpu.memory_space<hbm>>
    %dma_wait3A_95 = arith.constant 0 : i32
    %dma_wait3A_96 = arith.constant 0 : i32
    %dma_wait3A_97 = arith.constant 0 : i32
    %dma_wait3A_98 = arith.constant 0 : i32
    %dma_wait3A_99 = tpu.memref_slice %arg4[%dma_wait3A_82, %dma_wait3A_95, %dma_wait3A_96, %dma_wait3A_97, %dma_wait3A_98] : memref<200x4x128x8x128xf32, #tpu.memory_space<hbm>> -> memref<1x4x4x8x128xf32, #tpu.memory_space<hbm>>
    %dma_wait3A_100 = tpu.memref_squeeze %dma_wait3A_99 : memref<1x4x4x8x128xf32, #tpu.memory_space<hbm>> -> memref<4x4x8x128xf32, #tpu.memory_space<hbm>>
    %dma_wait3A_101 = arith.constant 0 : i32
    %dma_wait3A_102 = arith.constant 0 : i32
    %dma_wait3A_103 = arith.constant 0 : i32
    %dma_wait3A_104 = arith.constant 0 : i32
    %dma_wait3A_105 = tpu.memref_slice %arg7[%dma_wait3A_81, %dma_wait3A_101, %dma_wait3A_102, %dma_wait3A_103, %dma_wait3A_104] : memref<2x4x4x8x128xf32, #tpu.memory_space<vmem>> -> memref<1x4x4x8x128xf32, #tpu.memory_space<vmem>>
    %dma_wait3A_106 = tpu.memref_squeeze %dma_wait3A_105 : memref<1x4x4x8x128xf32, #tpu.memory_space<vmem>> -> memref<4x4x8x128xf32, #tpu.memory_space<vmem>>
    tpu.wait_dma2 semaphore(%arg13 : memref<!tpu.dma_semaphore, #tpu.memory_space<semaphore_mem>>) src(%dma_wait3A_106 : memref<4x4x8x128xf32, #tpu.memory_space<vmem>>) dst(%dma_wait3A_100 : memref<4x4x8x128xf32, #tpu.memory_space<hbm>>)
    return
  }
}

</mosaic_0001>

<sc_bundles>
// kernel: _gather_native.3.cloned.1.call-start
scs
__scs_entry_jumppad:
0x0: {  	(pc) =	sbr.rel $0x88, $3  }
0x1: {  	(tag) =	ssettag $0x0;
	lr =	simm.s32 $0x1  }
0x2: {  	[smem:$0x3F9F] =	sst lr;
	_ =	strace $0xD0000000  }
0x3: {  	_ = 	snop  }
0x4: {  	_ = 	snop  }
0x5: {  	_ = 	snop  }
0x6: {  	_ = 	snop  }
0x7: {  	_ = 	snop  }
__scs_overlays_trampoline_lowered:
0x8: {  	[smem:$0x3FAE] =	sst s0  }
0x9: {  	[smem:$0x3FAF] =	sst s1  }
0xa: {  	[smem:$0x3FB0] =	sst s2  }
0xb: {  	[smem:$0x3FB1] =	sst s3  }
0xc: {  	[smem:$0x3FB2] =	sst s4  }
0xd: {  	[smem:$0x3FB3] =	sst s5  }
0xe: {  	[smem:$0x3FB4] =	sst s6  }
0xf: {  	[smem:$0x3FB5] =	sst s7  }
0x10: {  	[smem:$0x3FB6] =	sst s8  }
0x11: {  	[smem:$0x3FB7] =	sst s9;
	s0 =	simm.s32 @!p0 $0x0  }
0x12: {  	s1 =	sld [smem:$0x3F9D];
	s0 =	simm.s32 @p0 $0x1  }
0x13: {  	[smem:$0x3FB8] =	sst s0;
	s0 =	simm.s32 @!p1 $0x0  }
0x14: {  	s2 =	sld [smem:$0x3F9C];
	s0 =	simm.s32 @p1 $0x1  }
0x15: {  	[smem:$0x3FB9] =	sst s0;
	s0 =	simm.s32 @!p2 $0x0  }
0x16: {  	s3 =	sld [smem:$0x3FDB];
	s0 =	simm.s32 @p2 $0x1  }
0x17: {  	s4 =	simm.s32 $0x1BF5;
	[smem:$0x3FBB] =	sst s0  }
0x18: {  	s0 =	sld [smem:$0x3F9E];
	_ =	swait.ge [sflag:s4], $0x0  }
0x19: {  	s7 =	sld [smem:$0x3F9F]  }
0x1a: {  	s8 =	sadd.s32 $0xFFFFE003, lr  }
0x1b: {  	s9 =	sadd.s32 $0xFFFFFEF7, lr;
	s5 =	simm.s32 $0xFFFFFFFF;
	p2 =	slt.u32 s8, $0xFFFFF086  }
0x1c: {  	p1 =	slt.u32 s9, $0xF7A;
	s5 =	simm.s32 @!p2 $0x0  }
0x1d: {  	s5 =	simm.s32 @p1 $0x1;
	p0 =	seq.s32 s7, s2  }
0x1e: {  	s7 =	smul.u32 @!p0 $0xF7A, s2;
	p2 =	seq.s32 @!p0 s5, $0x0  }
0x1f: {  	s9 =	smul.u32 $0xF7A, s1;
	s8 =	simm.s32 @!p0 $0x1BF5;
	p2 =	por !p2, p0  }
0x20: {  	[sflag:s8] =	ssyncset.s32 @!p0 $0xFFFFF086;
	s6 =	sadd.s32 @!p0 s3, s7;
	s7 =	simm.s32 @!p0 $0x108  }
0x21: {  	s3 =	sadd.s32 s3, s9;
	s6 =	sadd.s32 @!p0 $0x88, s6;
	s7 =	simm.s32 @p2 $0x1082  }
0x22: {  	[simem:s7], [sflag:s8] =	dma.local @!p0 [hbm:s6], $0xF7A  }
0x23: {  	s9 =	sor.u32 $0xD0000000, s2;
	s6 =	simm.s32 $0x108;
	_ =	swait.ge @!p0 [sflag:s8], $0x0  }
0x24: {  	s3 =	sadd.s32 $0x88, s3;
	s6 =	simm.s32 @!p1 $0x1082;
	[sflag:s4] =	ssyncset.s32 $0xFFFFF086  }
0x25: {  	[simem:s6], [sflag:s4] =	dma.local [hbm:s3], $0xF7A  }
0x26: {  	[smem:$0x3F9F] =	sst s1;
	(tag) =	ssettag s2;
	_ =	strace s9  }
0x27: {  	s1 =	sld [smem:$0x3FAF]  }
0x28: {  	s2 =	sld [smem:$0x3FB0]  }
0x29: {  	s4 =	sld [smem:$0x3FB2]  }
0x2a: {  	p0 =	seq.s32 s5, $0x0;
	s5 =	sld [smem:$0x3FB3]  }
0x2b: {  	s6 =	sld [smem:$0x3FB4]  }
0x2c: {  	s7 =	sld [smem:$0x3FB5]  }
0x2d: {  	s3 =	simm.s32 $0x108;
	s8 =	sld [smem:$0x3FB6]  }
0x2e: {  	s3 =	simm.s32 @!p0 $0x1082;
	s9 =	sld [smem:$0x3FB7]  }
0x2f: {  	lr =	sadd.s32 s0, s3;
	s0 =	sld [smem:$0x3FAE]  }
0x30: {  	s3 =	sld [smem:$0x3FB1]  }
0x31: {  	[smem:$0x3FBA] =	sst s10  }
0x32: {  	s10 =	sld [smem:$0x3FB8];
	_ =	sdelay $0x3  }
0x33: {  	p0 =	seq.s32 s10, $0x1;
	s10 =	sld [smem:$0x3FBA];
	_ =	sdelay $0x3  }
0x34: {  	[smem:$0x3FBA] =	sst s10  }
0x35: {  	s10 =	sld [smem:$0x3FB9];
	_ =	sdelay $0x3  }
0x36: {  	p1 =	seq.s32 s10, $0x1;
	s10 =	sld [smem:$0x3FBA];
	_ =	sdelay $0x3  }
0x37: {  	[smem:$0x3FBA] =	sst s10  }
0x38: {  	s10 =	sld [smem:$0x3FBB]  }
0x39: {  	_ = 	snop;
	(pc) =	sbr.ind lr, $3  }
0x3a: {  	_ = 	snop  }
0x3b: {  	_ = 	snop  }
0x3c: {  	p2 =	seq.s32 s10, $0x1;
	s10 =	sld [smem:$0x3FBA]  }
0x3d: {  	_ =	shalt  }
0x3e: {  	_ =	shalt  }
0x3f: {  	_ =	shalt  }
0x40: {  	_ =	shalt  }
0x41: {  	_ =	shalt  }
0x42: {  	_ =	shalt  }
0x43: {  	_ =	shalt  }
0x44: {  	_ =	shalt  }
0x45: {  	_ =	shalt  }
0x46: {  	_ =	shalt  }
0x47: {  	_ =	shalt  }
0x48: {  	_ =	shalt  }
0x49: {  	_ =	shalt  }
0x4a: {  	_ =	shalt  }
0x4b: {  	_ =	shalt  }
0x4c: {  	_ =	shalt  }
0x4d: {  	_ =	shalt  }
0x4e: {  	_ =	shalt  }
0x4f: {  	_ =	shalt  }
0x50: {  	_ =	shalt  }
0x51: {  	_ =	shalt  }
0x52: {  	_ =	shalt  }
0x53: {  	_ =	shalt  }
0x54: {  	_ =	shalt  }
0x55: {  	_ =	shalt  }
0x56: {  	_ =	shalt  }
0x57: {  	_ =	shalt  }
0x58: {  	_ =	shalt  }
0x59: {  	_ =	shalt  }
0x5a: {  	_ =	shalt  }
0x5b: {  	_ =	shalt  }
0x5c: {  	_ =	shalt  }
0x5d: {  	_ =	shalt  }
0x5e: {  	_ =	shalt  }
0x5f: {  	_ =	shalt  }
0x60: {  	_ =	shalt  }
0x61: {  	_ =	shalt  }
0x62: {  	_ =	shalt  }
0x63: {  	_ =	shalt  }
0x64: {  	_ =	shalt  }
0x65: {  	_ =	shalt  }
0x66: {  	_ =	shalt  }
0x67: {  	_ =	shalt  }
0x68: {  	_ =	shalt  }
0x69: {  	_ =	shalt  }
0x6a: {  	_ =	shalt  }
0x6b: {  	_ =	shalt  }
0x6c: {  	_ =	shalt  }
0x6d: {  	_ =	shalt  }
0x6e: {  	_ =	shalt  }
0x6f: {  	_ =	shalt  }
0x70: {  	_ =	shalt  }
0x71: {  	_ =	shalt  }
0x72: {  	_ =	shalt  }
0x73: {  	_ =	shalt  }
0x74: {  	_ =	shalt  }
0x75: {  	_ =	shalt  }
0x76: {  	_ =	shalt  }
0x77: {  	_ =	shalt  }
0x78: {  	_ =	shalt  }
0x79: {  	_ =	shalt  }
0x7a: {  	_ =	shalt  }
0x7b: {  	_ =	shalt  }
0x7c: {  	_ =	shalt  }
0x7d: {  	_ =	shalt  }
0x7e: {  	_ =	shalt  }
0x7f: {  	_ =	shalt  }
0x80: {  	_ =	shalt  }
0x81: {  	_ =	shalt  }
0x82: {  	_ =	shalt  }
0x83: {  	_ =	shalt  }
0x84: {  	_ =	shalt  }
0x85: {  	_ =	shalt  }
0x86: {  	_ =	shalt  }
0x87: {  	_ =	shalt  }
.Lfunc_end0:
.L_simem_size_0:
called_computation_lowered:
.L_overlay_start_0:
0x88: {  	s2 =	sld [smem:$0x3FD9]  }
0x89: {  	s3 =	sld [smem:$0x3FFE];
	_ =	sdelay $0x1  }
0x8a: {  	s1 =	srdreg.scid  }
0x8b: {  	s0 =	sand.u32 $0x1, s1  }
0x8c: {  	s17 =	sshll.u32 s0, $0xA;
	s2 =	sadd.s32 s3, s2  }
0x8d: {  	s2 =	sadd.s32 s2, s17  }
0x8e: {  	[smem:$0x3FC6] =	sst s2  }
0x8f: {  	_ = 	snop  }
0x90: {  	s2 =	sld [smem:$0x3FC9]  }
0x91: {  	s18 =	sld [smem:$0x3FD0];
	(tm) =	ssettm $0x1  }
0x92: {  	s4 =	sld [smem:$0x3FFB];
	_ =	sdelay $0x3  }
0x93: {  	_ =	strace s4  }
0x94: {  	s4 =	sld [smem:$0x3FFC];
	_ =	sdelay $0x3  }
0x95: {  	_ =	strace s4  }
0x96: {  	s4 =	sld [smem:$0x3FFD];
	_ =	sdelay $0x3  }
0x97: {  	_ =	strace s4  }
0x98: {  	_ =	strace $0x8FFFFFFF  }
0x99: {  	s19 =	sld [smem:$0x3FDB];
	_ =	sdelay $0x1  }
0x9a: {  	s5 =	simm.s32 $_scs_section_size  }
0x9b: {  	s6 =	simm.s32 $_size__tile_overlayer_lowered;
	s7 =	simm.s32 $_tile_overlayer_lowered  }
0x9c: {  	s22 =	simm.s32 $0x1BFF;
	s21 =	sshll.u32 s7, $0x1;
	s4 =	sadd.s32 s5, s19  }
0x9d: {  	s8 =	simm.s32 $0x0;
	s20 =	sshll.u32 s6, $0x1;
	s6 =	sadd.s32 s21, s4  }
0x9e: {  	[timem:s8], [sflag:s22] =	dma.local [hbm:s6], s20  }
0x9f: {  	_ =	swait.ge [sflag:s22], s20  }
0xa0: {  	s5 =	ssub.s32 $0x0, s20;
	[sflag:s22] =	ssyncset.done $0x0  }
0xa1: {  	[sflag:s22] =	ssyncadd.s32 s5;
	_ =	sdelay $0x1  }
0xa2: {  	s23 =	simm.s32 $0x1B8B  }
0xa3: {  	_ =	swait.ge [sflag:s23], $0x1  }
0xa4: {  	[sflag:s23] =	ssyncset.done $0x0  }
0xa5: {  	s25 =	simm.s32 $0x1B8E;
	s24 =	sld [smem:$0x3FFE];
	[sflag:s23] =	ssyncadd.s32 $0xFFFFFFFF  }
0xa6: {  	s26 =	simm.s32 $execute0_lowered;
	[smem:$0x3FD2] =	sst s25  }
0xa7: {  	s6 =	sshll.u32 s26, $0x1;
	_ =	strace $0x80000046;
	[dreg:$0x1] =	wrdreg $0xFFFFFFFF  }
0xa8: {  	s28 =	simm.s32 $_size_execute0_lowered;
	s4 =	sadd.s32 s4, s6;
	[dreg:$0x0] =	wrdreg $0x0  }
0xa9: {  	s6 =	sshll.u32 s28, $0x1;
	[dreg:$0x2] =	wrdreg s4  }
0xaa: {  	[dreg:$0x3] =	wrdreg s6  }
0xab: {  	[dreg:$0x4] =	wrdreg $0xC0  }
0xac: {  	_ =	task [dreg:s8], $0x5FFFF  }
0xad: {  	[dreg:$0x1] =	wrdreg $0xFFFFFFFF  }
0xae: {  	[dreg:$0x0] =	wrdreg $0x60  }
0xaf: {  	[dreg:$0x2] =	wrdreg s2  }
0xb0: {  	[dreg:$0x3] =	wrdreg s24  }
0xb1: {  	[dreg:$0x4] =	wrdreg s18  }
0xb2: {  	[dreg:$0x5] =	wrdreg $0x9  }
0xb3: {  	_ =	task.clear_ibuf [dreg:s8], $0x6FFFF;
	_ =	strace $0x90000046  }
0xb4: {  	s29 =	simm.s32 $0x9;
	_ =	strace $0x80000048  }
0xb5: {  	_ =	swait.ge [sflag:s29], $0x1  }
0xb6: {  	[sflag:s29] =	ssyncadd.s32 $0xFFFFFFFF  }
0xb7: {  	_ =	strace $0x90000048  }
0xb8: {  	_ =	sfence  }
0xb9: {  	s30 =	sld [smem:$0x0];
	_ =	sdelay $0x2  }
0xba: {  	s31 =	sshll.u32 s1, $0xD;
	s1 =	sshrl.u32 s1, $0x2  }
0xbb: {  	s3 =	sand.u32 $0x4000, s31;
	s1 =	sadd.s32 s1, s30  }
0xbc: {  	s0 =	sor.u32 s3, s0;
	s1 =	sshll.u32 s1, $0x11  }
0xbd: {  	s0 =	sor.u32 s1, s0  }
0xbe: {  	s0 =	sadd.s32 $0x8F2B, s0  }
0xbf: {  	[sflag:s0] =	ssyncadd.remote.s32 $0x1  }
0xc0: {  	_ =	sfence.sel $0xFFFF  }
0xc1: {  	[dreg:$0x0] =	wrdreg $0xFFFFFFFF;
	(pc) =	sbr.abs _section_cstart, $3  }
0xc2: {  	[dreg:$0x1] =	wrdreg $0xFFFFFFFF  }
0xc3: {  	_ =	task.clear_ibuf [dreg:s8], $0x2FFFF;
	_ =	strace $0x9FFFFFFF  }
0xc4: {  	(tm) =	ssettm $0x7FFFFFFF  }
0xc5: {  	_ =	shalt  }
tec
execute0_lowered:
.L_overlay_start_1:
0x0: {  	(tag) =	ssettag $0x1  }
0x1: {  	v24 =	vlaneseq.u32  }
0x2: {  	v45 =	vmul.u32 $0x20, v24  }
0x3: {  	s0 =	rddreg [dreg:$0x0]  }
0x4: {  	s6 =	rddreg [dreg:$0x1];
	v0 =	vor.u32 $0x3000, v45  }
0x5: {  	s3 =	rddreg [dreg:$0x2];
	s4 =	simm.s32 $0x0;
	[tilespmem:$0x1FC90] =	vst v0;
	v0 =	vor.u32 $0x3600, v45  }
0x6: {  	s2 =	srdreg.scid;
	[smem:$0x7FF] =	sst s4;
	[tilespmem:$0x1FCA0] =	vst v0;
	v0 =	vor.u32 $0x870, v24  }
0x7: {  	s5 =	sand.u32 $0x1, s2;
	s2 =	rddreg [dreg:$0x3];
	v37 =	vor.u32 $0x1A00, v45;
	_ =	strace $0x80000047;
	[tilespmem:$0x1FCB0] =	vst v0  }
0x8: {  	v36 =	vor.u32 $0x1800, v45;
	[tilespmem:$0x1FCC0] =	vst v37  }
0x9: {  	v3 =	vor.u32 $0x2000, v45;
	[tilespmem:$0x1FCD0] =	vst v36  }
0xa: {  	v12 =	vor.u32 $0x2200, v45;
	[tilespmem:$0x1FCE0] =	vst v3  }
0xb: {  	v52 =	vor.u32 $0x2400, v45;
	[tilespmem:$0x1FCF0] =	vst v12  }
0xc: {  	v40 =	vor.u32 $0x2600, v45;
	[tilespmem:$0x1FD00] =	vst v52  }
0xd: {  	v13 =	vor.u32 $0x2800, v45;
	[tilespmem:$0x1FD10] =	vst v40  }
0xe: {  	v15 =	vor.u32 $0x2A00, v45;
	[tilespmem:$0x1FD20] =	vst v13  }
0xf: {  	v43 =	vor.u32 $0x2C00, v45;
	[tilespmem:$0x1FD30] =	vst v15  }
0x10: {  	v39 =	vor.u32 $0x2E00, v45;
	[tilespmem:$0x1FD40] =	vst v43  }
0x11: {  	v51 =	vor.u32 $0x1600, v45;
	[tilespmem:$0x1FD50] =	vst v39  }
0x12: {  	v57 =	vor.u32 $0x3400, v45;
	[tilespmem:$0x1FD60] =	vst v51  }
0x13: {  	v54 =	vor.u32 $0x3800, v45;
	[tilespmem:$0x1FD70] =	vst v57  }
0x14: {  	v41 =	vor.u32 $0x3A00, v45;
	[tilespmem:$0x1FD80] =	vst v54  }
0x15: {  	v31 =	vor.u32 $0x3C00, v45;
	[tilespmem:$0x1FD90] =	vst v41  }
0x16: {  	v50 =	vor.u32 $0x3E00, v45;
	[tilespmem:$0x1FDA0] =	vst v31  }
0x17: {  	v55 =	vor.u32 $0x10, v24;
	[tilespmem:$0x1FDB0] =	vst v50  }
0x18: {  	v56 =	vor.u32 $0x20, v24;
	[tilespmem:$0x1FDC0] =	vst v55  }
0x19: {  	v16 =	vor.u32 $0x30, v24;
	[tilespmem:$0x1FDD0] =	vst v56  }
0x1a: {  	v21 =	vor.u32 $0x40, v24;
	[tilespmem:$0x1FDE0] =	vst v16  }
0x1b: {  	v59 =	vor.u32 $0x50, v24;
	[tilespmem:$0x1FDF0] =	vst v21  }
0x1c: {  	v19 =	vor.u32 $0x60, v24;
	[tilespmem:$0x1FE00] =	vst v59  }
0x1d: {  	v29 =	vor.u32 $0x70, v24;
	[tilespmem:$0x1FE10] =	vst v19  }
0x1e: {  	v34 =	vor.u32 $0x400, v24;
	[tilespmem:$0x1FE20] =	vst v29  }
0x1f: {  	v33 =	vor.u32 $0x410, v24;
	[tilespmem:$0x1FE30] =	vst v34  }
0x20: {  	v23 =	vor.u32 $0x420, v24;
	[tilespmem:$0x1FE40] =	vst v33  }
0x21: {  	v25 =	vor.u32 $0x430, v24;
	[tilespmem:$0x1FE50] =	vst v23  }
0x22: {  	v53 =	vor.u32 $0x440, v24;
	[tilespmem:$0x1FE60] =	vst v25  }
0x23: {  	v18 =	vor.u32 $0x450, v24;
	[tilespmem:$0x1FE70] =	vst v53  }
0x24: {  	v63 =	vor.u32 $0x460, v24;
	[tilespmem:$0x1FE80] =	vst v18  }
0x25: {  	v35 =	vor.u32 $0x470, v24;
	[tilespmem:$0x1FE90] =	vst v63  }
0x26: {  	v20 =	vor.u32 $0x800, v24;
	[tilespmem:$0x1FEA0] =	vst v35  }
0x27: {  	v22 =	vor.u32 $0x810, v24;
	[tilespmem:$0x1FEB0] =	vst v20  }
0x28: {  	v26 =	vor.u32 $0x820, v24;
	[tilespmem:$0x1FEC0] =	vst v22  }
0x29: {  	v27 =	vor.u32 $0x830, v24;
	[tilespmem:$0x1FED0] =	vst v26  }
0x2a: {  	v7 =	vor.u32 $0x840, v24;
	[tilespmem:$0x1FEE0] =	vst v27  }
0x2b: {  	v11 =	vor.u32 $0x850, v24;
	[tilespmem:$0x1FEF0] =	vst v7  }
0x2c: {  	v30 =	vor.u32 $0x860, v24;
	[tilespmem:$0x1FF00] =	vst v11  }
0x2d: {  	v58 =	vor.u32 $0xC00, v24;
	[tilespmem:$0x1FF10] =	vst v30  }
0x2e: {  	v32 =	vor.u32 $0x1200, v45;
	[tilespmem:$0x1FF20] =	vst v58  }
0x2f: {  	v17 =	vor.u32 $0x400, v45;
	[tilespmem:$0x1FF30] =	vst v32  }
0x30: {  	v9 =	vor.u32 $0xC30, v24;
	[tilespmem:$0x1FF40] =	vst v17  }
0x31: {  	v6 =	vor.u32 $0xC10, v24;
	[tilespmem:$0x1FF50] =	vst v9  }
0x32: {  	s1 =	stileid.u32;
	v62 =	vor.u32 $0xC40, v24;
	[tilespmem:$0x1FF60] =	vst v6  }
0x33: {  	s12 =	simm.s32 $0x200;
	s13 =	simm.s32 $0x1;
	s14 =	simm.s32 $0x400;
	v1 =	vor.u32 $0x1E00, v45;
	[tilespmem:$0x1FF70] =	vst v62  }
0x34: {  	s15 =	simm.s32 $0x3;
	s16 =	simm.s32 $0x2;
	s17 =	simm.s32 $0x4400;
	v2 =	vor.u32 $0x1000, v45;
	[tilespmem:$0x1FF80] =	vst v1  }
0x35: {  	s18 =	simm.s32 $0x8400;
	s19 =	simm.s32 $0x1000;
	s7 =	sshll.u32 s1, $0x1;
	v10 =	vor.u32 $0xE00, v45;
	[tilespmem:$0x1FF90] =	vst v2  }
0x36: {  	s20 =	simm.s32 $0x20000;
	s21 =	simm.s32 $0x4;
	v60 =	vor.u32 $0xC60, v24;
	s7 =	sor.u32 s5, s7;
	[tilespmem:$0x1FFA0] =	vst v10  }
0x37: {  	s22 =	simm.s32 $0xC400;
	s23 =	simm.s32 $0x5;
	v38 =	vor.u32 $0x1400, v45;
	s9 =	smul.u32 $0x3200, s7;
	[tilespmem:$0x1FFC0] =	vst v60  }
0x38: {  	s24 =	simm.s32 $0x6;
	v4 =	vor.u32 $0xC50, v24;
	s8 =	ssub.s32 $0x2, s5;
	s5 =	smul.u32 $0xC8, s7;
	[tilespmem:$0x1FFD0] =	vst v38  }
0x39: {  	s25 =	simm.s32 $0x0;
	s6 =	sadd.s32 $0xF42800, s6;
	v61 =	vor.u32 $0xC20, v24;
	v46 =	vor.u32 $0x200, v45;
	v47 =	vor.u32 $0x600, v45;
	s10 =	sshrl.u32 s8, $0x1;
	[tilespmem:$0x1FFE0] =	vst v4  }
0x3a: {  	v48 =	vor.u32 $0x800, v45;
	v49 =	vor.u32 $0xA00, v45;
	s11 =	ssub.s32 s8, s10;
	s7 =	sadd.s32 s0, s9;
	s9 =	sor.u32 $0x2, s5;
	v0 =	vor.u32 $0xC70, v24;
	[tilespmem:$0x1FFF0] =	vst v61  }
0x3b: {  	v42 =	vor.u32 $0xC00, v45;
	v44 =	vor.u32 $0x1C00, v45;
	v28 =	vor.u32 $0x3200, v45;
	s10 =	sor.u32 $0x3, s5;
	s11 =	smax.u32 s11, $0x1;
	s8 =	sadd.s32 $0x40, s7;
	[tilespmem:$0x1FFB0] =	vst v0  }
.LBB2_1:
0x3c: {  	[tilespmem:s4], [sflag:$0x1] =	stream.linear.gather [hbm4b:s7+s4], $0x200, $0x38;
	[tilespmem:$0x10400] =	vst v63  }
0x3d: {  	_ = 	snop  }
0x3e: {  	[tilespmem:s12], [sflag:$0x2] =	stream.linear.gather [hbm4b:s8+s4], $0x200, $0x38;
	[tilespmem:$0x10400] =	vst v63  }
0x3f: {  	_ =	swait.ge [sflag:s13], $0x200  }
0x40: {  	[sflag:s13] =	ssyncset.done $0x0  }
0x41: {  	s26 =	simm.s32 $0x0;
	[sflag:s13] =	ssyncadd.s32 $0xFFFFFE00  }
0x42: {  	[tilespmem:s14], [sflag:$0x3] =	stream.indirect.gather [hbm4b:s6+s12], $0x20, s4, s12, $0xb8;
	[tilespmem:$0x10400] =	vst v63  }
.LBB2_2:
0x43: {  	s29 =	sshll.u32 s26, $0x1;
	p0 =	seq.s32 s26, $0x63  }
0x44: {  	s28 =	sadd.s32 @!p0 s29, s9  }
0x45: {  	_ =	swait.ge [sflag:s15], $0x4000;
	s28 =	sshll.u32 @!p0 s28, $0x6  }
0x46: {  	[sflag:s15] =	ssyncset.done $0x0;
	s28 =	sand.u32 @!p0 $0x1FFFFF80, s28  }
0x47: {  	s30 =	simm.s32 @!p0 $0x0;
	[sflag:s15] =	ssyncadd.s32 $0xFFFFC000;
	s28 =	sadd.s32 @!p0 s0, s28  }
0x48: {  	[tilespmem:s30], [sflag:$0x1] =	stream.linear.gather @!p0 [hbm4b:s28+s30], $0x200, $0x38;
	[tilespmem:$0x10400] =	vst v63  }
0x49: {  	s28 =	simm.s32 $0x0  }
0x4a: {  	_ =	swait.ge [sflag:s16], $0x200;
	v0 =	vadd.s32 s28, v24  }
0x4b: {  	p1 =	seq.s32 s26, $0x0;
	[sflag:s16] =	ssyncset.done $0x0;
	v8 =	vand.u32 $0x1F, v0  }
0x4c: {  	s28 =	simm.s32 @!p1 $0x5;
	[sflag:s16] =	ssyncadd.s32 $0xFFFFFE00;
	v1 =	vor.u32 v1, v8  }
0x4d: {  	v3 =	vor.u32 v3, v8;
	[tilespmem:s17], [sflag:$0x4] =	stream.indirect.gather [hbm4b:s6+s12], $0x20, s12, s12, $0xb8;
	[tilespmem:$0x10400] =	vst v63  }
0x4e: {  	v4 =	vor.u32 v49, v8;
	_ =	swait.ge @!p1 [sflag:s28], $0x4000  }
0x4f: {  	v5 =	vor.u32 v45, v8;
	[sflag:s28] =	ssyncset.done @!p1 $0x0;
	v53 =	vld [tilespmem:$0x1FC90]  }
0x50: {  	v6 =	vor.u32 v2, v8;
	v60 =	vld [tilespmem:$0x1FCA0];
	[sflag:s28] =	ssyncadd.s32 @!p1 $0xFFFFC000  }
0x51: {  	v7 =	vor.u32 v42, v8;
	v2 =	vld.idx.msk [tilespmem:v1+s14+$0x0], $0xffff  }
0x52: {  	v9 =	vor.u32 v52, v8;
	v1 =	vld.idx.msk [tilespmem:v3+s14+$0x0], $0xffff  }
0x53: {  	v14 =	vor.u32 v48, v8;
	v11 =	vld.idx.msk [tilespmem:v4+s14+$0x0], $0xffff  }
0x54: {  	v17 =	vor.u32 v17, v8;
	v25 =	vld.idx.msk [tilespmem:v5+s14+$0x0], $0xffff  }
0x55: {  	v18 =	vor.u32 v47, v8;
	v3 =	vor.u32 v10, v8;
	v10 =	vld.idx.msk [tilespmem:v6+s14+$0x0], $0xffff  }
0x56: {  	v19 =	vor.u32 v32, v8;
	v6 =	vor.u32 v12, v8;
	v12 =	vld.idx.msk [tilespmem:v7+s14+$0x0], $0xffff  }
0x57: {  	v20 =	vor.u32 v37, v8;
	v4 =	vld.idx.msk [tilespmem:v9+s14+$0x0], $0xffff  }
0x58: {  	v26 =	vor.u32 v44, v8;
	v22 =	vld.idx.msk [tilespmem:v14+s14+$0x0], $0xffff  }
0x59: {  	v37 =	vld.idx.msk [tilespmem:v17+s14+$0x0], $0xffff  }
0x5a: {  	v5 =	vor.u32 v15, v8;
	v15 =	vor.u32 v38, v8;
	v38 =	vld.idx.msk [tilespmem:v18+s14+$0x0], $0xffff  }
0x5b: {  	v7 =	vor.u32 v46, v8;
	v30 =	vld.idx.msk [tilespmem:v19+s14+$0x0], $0xffff  }
0x5c: {  	v9 =	vor.u32 v13, v8;
	v17 =	vld.idx.msk [tilespmem:v20+s14+$0x0], $0xffff  }
0x5d: {  	v16 =	vor.u32 v40, v8;
	v19 =	vld.idx.msk [tilespmem:v26+s14+$0x0], $0xffff  }
0x5e: {  	v13 =	vld.idx.msk [tilespmem:v3+s14+$0x0], $0xffff  }
0x5f: {  	v3 =	vld.idx.msk [tilespmem:v5+s14+$0x0], $0xffff  }
0x60: {  	v18 =	vor.u32 v36, v8;
	v35 =	vld.idx.msk [tilespmem:v7+s14+$0x0], $0xffff  }
0x61: {  	v5 =	vld.idx.msk [tilespmem:v9+s14+$0x0], $0xffff;
	v9 =	vor.u32 v51, v8  }
0x62: {  	v21 =	vor.u32 v31, v8;
	v7 =	vld.idx.msk [tilespmem:v16+s14+$0x0], $0xffff;
	v16 =	vor.u32 v43, v8  }
0x63: {  	v27 =	vor.u32 v39, v8;
	v33 =	vor.u32 v57, v8;
	v36 =	vor.u32 v54, v8;
	v6 =	vld.idx.msk [tilespmem:v6+s14+$0x0], $0xffff  }
0x64: {  	v58 =	vmovc v55;
	v61 =	vmovc v43;
	v39 =	vor.u32 v41, v8;
	v14 =	vld.idx.msk [tilespmem:v15+s14+$0x0], $0xffff;
	v15 =	vshll.u32 v0, $0x9;
	v0 =	vshll.u32 v0, $0x7  }
0x65: {  	v62 =	vmovc v57;
	v41 =	vor.u32 v50, v8;
	v50 =	vmovc v56;
	v32 =	vld.idx.msk [tilespmem:v18+s14+$0x0], $0xffff;
	v15 =	vand.u32 $0x3000, v15;
	v0 =	vand.u32 $0x380, v0  }
0x66: {  	v31 =	vor.u32 v53, v8;
	v40 =	vor.u32 v60, v8;
	v0 =	vor.u32 v0, v15;
	v23 =	vld.idx.msk [tilespmem:v9+s14+$0x0], $0xffff  }
0x67: {  	s30 =	simm.s32 $0x1;
	s28 =	sor.u32 $0x1, s29;
	v15 =	vor.u32 v24, v0;
	v24 =	vor.u32 v55, v0;
	v34 =	vor.u32 v56, v0;
	v9 =	vld.idx.msk [tilespmem:v16+s14+$0x0], $0xffff  }
.LBB2_3:
0x68: {  	v26 =	vld.idx.msk [tilespmem:v36+s14+$0x0], $0xffff  }
0x69: {  	v8 =	vor.u32 v28, v8;
	v36 =	vld.idx.msk [tilespmem:v27+s14+$0x0], $0xffff  }
0x6a: {  	v27 =	vld [tilespmem:$0x1FFE0]  }
0x6b: {  	v16 =	vld.idx.msk [tilespmem:v41+s14+$0x0], $0xffff  }
0x6c: {  	v18 =	vld.idx.msk [tilespmem:v21+s14+$0x0], $0xffff  }
0x6d: {  	v29 =	vld.idx.msk [tilespmem:v40+s14+$0x0], $0xffff  }
0x6e: {  	v40 =	vld.idx.msk [tilespmem:v8+s14+$0x0], $0xffff  }
0x6f: {  	v43 =	vor.u32 v27, v0;
	v27 =	vld [tilespmem:$0x1FFC0]  }
0x70: {  	v8 =	vld [tilespmem:$0x1FDE0]  }
0x71: {  	v21 =	vld [tilespmem:$0x1FFB0]  }
0x72: {  	v20 =	vld.idx.msk [tilespmem:v39+s14+$0x0], $0xffff  }
0x73: {  	v57 =	vmov v42;
	v42 =	vld.idx.msk [tilespmem:v33+s14+$0x0], $0xffff  }
0x74: {  	v59 =	vmov v44;
	v44 =	vor.u32 v27, v0;
	v27 =	vld [tilespmem:$0x1FF50]  }
0x75: {  	v41 =	vld.idx.msk [tilespmem:v31+s14+$0x0], $0xffff;
	v8 =	vor.u32 v8, v0  }
0x76: {  	v63 =	vmov v28;
	v28 =	vor.u32 v21, v0;
	v21 =	vld [tilespmem:$0x1FDF0]  }
0x77: {  	[tilespmem:v15+s18+$0x0] =	vst.idx.msk $0xffff, v25;
	v15 =	vld [tilespmem:$0x1FE00]  }
0x78: {  	[tilespmem:v24+s18+$0x0] =	vst.idx.msk $0xffff, v35;
	v24 =	vld [tilespmem:$0x1FE10]  }
0x79: {  	[tilespmem:v34+s18+$0x0] =	vst.idx.msk $0xffff, v37;
	v35 =	vor.u32 v27, v0;
	v27 =	vld [tilespmem:$0x1FE20]  }
0x7a: {  	[tilespmem:v8+s18+$0x0] =	vst.idx.msk $0xffff, v38;
	v8 =	vld [tilespmem:$0x1FE30]  }
0x7b: {  	v21 =	vor.u32 v21, v0  }
0x7c: {  	v15 =	vor.u32 v15, v0  }
0x7d: {  	v24 =	vor.u32 v24, v0  }
0x7e: {  	v27 =	vor.u32 v27, v0  }
0x7f: {  	v8 =	vor.u32 v8, v0  }
0x80: {  	[tilespmem:v21+s18+$0x0] =	vst.idx.msk $0xffff, v22  }
0x81: {  	[tilespmem:v15+s18+$0x0] =	vst.idx.msk $0xffff, v11  }
0x82: {  	v31 =	vld [tilespmem:$0x1FFF0];
	[tilespmem:v24+s18+$0x0] =	vst.idx.msk $0xffff, v12  }
0x83: {  	v15 =	vld [tilespmem:$0x1FCB0];
	[tilespmem:v27+s18+$0x0] =	vst.idx.msk $0xffff, v13  }
0x84: {  	[tilespmem:v8+s18+$0x0] =	vst.idx.msk $0xffff, v10;
	v8 =	vld [tilespmem:$0x1FE80];
	_ =	sdelay $0x2  }
0x85: {  	v34 =	vor.u32 v31, v0;
	v31 =	vld [tilespmem:$0x1FF60]  }
0x86: {  	v38 =	vor.u32 v15, v0;
	v15 =	vld [tilespmem:$0x1FF10]  }
0x87: {  	v10 =	vor.u32 v8, v0;
	v8 =	vld [tilespmem:$0x1FEF0];
	_ =	sdelay $0x2  }
0x88: {  	v21 =	vld [tilespmem:$0x1FE40]  }
0x89: {  	v24 =	vor.u32 v15, v0;
	v15 =	vld [tilespmem:$0x1FF00]  }
0x8a: {  	v37 =	vor.u32 v31, v0;
	v31 =	vor.u32 v8, v0;
	v8 =	vld [tilespmem:$0x1FE90];
	_ =	sdelay $0x3  }
0x8b: {  	v11 =	vld [tilespmem:$0x1FE50]  }
0x8c: {  	v21 =	vor.u32 v21, v0;
	v27 =	vor.u32 v15, v0;
	v15 =	vor.u32 v8, v0;
	v8 =	vld [tilespmem:$0x1FEE0];
	_ =	sdelay $0x4  }
0x8d: {  	v11 =	vor.u32 v11, v0;
	[tilespmem:v21+s18+$0x0] =	vst.idx.msk $0xffff, v30;
	v30 =	vor.u32 v8, v0;
	v8 =	vld [tilespmem:$0x1FEA0];
	_ =	sdelay $0x1  }
0x8e: {  	v12 =	vld [tilespmem:$0x1FE60]  }
0x8f: {  	v13 =	vld [tilespmem:$0x1FE70];
	_ =	sdelay $0x1  }
0x90: {  	[tilespmem:v11+s18+$0x0] =	vst.idx.msk $0xffff, v14;
	v11 =	vor.u32 v8, v0;
	v8 =	vld [tilespmem:$0x1FED0];
	_ =	sdelay $0x1  }
0x91: {  	v12 =	vor.u32 v12, v0  }
0x92: {  	v13 =	vor.u32 v13, v0;
	_ =	sdelay $0x1  }
0x93: {  	v14 =	vor.u32 v8, v0;
	v8 =	vld [tilespmem:$0x1FEB0];
	_ =	sdelay $0x1  }
0x94: {  	[tilespmem:v12+s18+$0x0] =	vst.idx.msk $0xffff, v23  }
0x95: {  	[tilespmem:v13+s18+$0x0] =	vst.idx.msk $0xffff, v32  }
0x96: {  	[tilespmem:v10+s18+$0x0] =	vst.idx.msk $0xffff, v17  }
0x97: {  	[tilespmem:v15+s18+$0x0] =	vst.idx.msk $0xffff, v19;
	v12 =	vor.u32 v8, v0;
	v8 =	vld [tilespmem:$0x1FEC0]  }
0x98: {  	[tilespmem:v11+s18+$0x0] =	vst.idx.msk $0xffff, v2;
	v2 =	vld [tilespmem:$0x1FFA0];
	_ =	sdelay $0x1  }
0x99: {  	s31 =	smov.u32 s30;
	v39 =	vlaneseq.u32  }
0x9a: {  	v21 =	vadd.s32 s31, v39  }
0x9b: {  	v23 =	vor.u32 v8, v0;
	v8 =	vand.u32 $0x1F, v21  }
0x9c: {  	v19 =	vor.u32 v2, v8;
	v2 =	vld [tilespmem:$0x1FCF0];
	_ =	sdelay $0x3  }
0x9d: {  	[tilespmem:v12+s18+$0x0] =	vst.idx.msk $0xffff, v1  }
0x9e: {  	[tilespmem:v23+s18+$0x0] =	vst.idx.msk $0xffff, v6;
	v6 =	vor.u32 v2, v8;
	v2 =	vld [tilespmem:$0x1FD00];
	_ =	sdelay $0x4  }
0x9f: {  	[tilespmem:v14+s18+$0x0] =	vst.idx.msk $0xffff, v4;
	v4 =	vor.u32 v2, v8;
	v2 =	vld [tilespmem:$0x1FD20];
	_ =	sdelay $0x3  }
0xa0: {  	[tilespmem:v30+s18+$0x0] =	vst.idx.msk $0xffff, v7  }
0xa1: {  	[tilespmem:v31+s18+$0x0] =	vst.idx.msk $0xffff, v5;
	v5 =	vor.u32 v2, v8;
	v2 =	vld [tilespmem:$0x1FD30];
	_ =	sdelay $0x4  }
0xa2: {  	v7 =	vor.u32 v2, v8;
	v2 =	vld [tilespmem:$0x1FD50];
	_ =	sdelay $0x4  }
0xa3: {  	[tilespmem:v27+s18+$0x0] =	vst.idx.msk $0xffff, v3;
	v27 =	vor.u32 v2, v8;
	v2 =	vld [tilespmem:$0x1FD80]  }
0xa4: {  	v25 =	vld [tilespmem:$0x1FF70]  }
0xa5: {  	v22 =	vld [tilespmem:$0x1FF20]  }
0xa6: {  	v15 =	vld [tilespmem:$0x1FDA0]  }
0xa7: {  	[tilespmem:v24+s18+$0x0] =	vst.idx.msk $0xffff, v9  }
0xa8: {  	[tilespmem:v38+s18+$0x0] =	vst.idx.msk $0xffff, v36;
	v36 =	vor.u32 v2, v8;
	v2 =	vld [tilespmem:$0x1FD90]  }
0xa9: {  	v25 =	vor.u32 v25, v0;
	v1 =	vld [tilespmem:$0x1FF30]  }
0xaa: {  	v22 =	vor.u32 v22, v0;
	v56 =	vshll.u32 v21, $0x7;
	v0 =	vshll.u32 v21, $0x9  }
0xab: {  	v0 =	vand.u32 $0x3000, v0;
	v21 =	vor.u32 v15, v8;
	v15 =	vand.u32 $0x380, v56  }
0xac: {  	v0 =	vor.u32 v15, v0  }
0xad: {  	v15 =	vor.u32 v39, v0;
	v39 =	vor.u32 v2, v8;
	v2 =	vld [tilespmem:$0x1FF40]  }
0xae: {  	v52 =	vmov v46;
	v32 =	vor.u32 v46, v8;
	v46 =	vor.u32 v1, v8;
	v1 =	vld [tilespmem:$0x1FFD0];
	_ =	sdelay $0x3  }
0xaf: {  	v9 =	vor.u32 v2, v8;
	v2 =	vld [tilespmem:$0x1FDB0]  }
0xb0: {  	v54 =	vmov v47;
	v17 =	vor.u32 v47, v8;
	v47 =	vor.u32 v1, v8;
	v1 =	vld [tilespmem:$0x1FCD0];
	_ =	sdelay $0x2  }
0xb1: {  	[tilespmem:v22+s18+$0x0] =	vst.idx.msk $0xffff, v41  }
0xb2: {  	v51 =	vmov v45;
	v13 =	vor.u32 v45, v8;
	[tilespmem:v37+s18+$0x0] =	vst.idx.msk $0xffff, v40;
	v41 =	vor.u32 v2, v8;
	v2 =	vld [tilespmem:$0x1FD10]  }
0xb3: {  	v55 =	vmov v48;
	v45 =	vor.u32 v48, v8;
	[tilespmem:v34+s18+$0x0] =	vst.idx.msk $0xffff, v42;
	v48 =	vor.u32 v1, v8;
	v1 =	vld [tilespmem:$0x1FCC0]  }
0xb4: {  	[tilespmem:v35+s18+$0x0] =	vst.idx.msk $0xffff, v29  }
0xb5: {  	[tilespmem:v25+s18+$0x0] =	vst.idx.msk $0xffff, v26  }
0xb6: {  	[tilespmem:v43+s18+$0x0] =	vst.idx.msk $0xffff, v20  }
0xb7: {  	[tilespmem:v44+s18+$0x0] =	vst.idx.msk $0xffff, v18;
	v23 =	vor.u32 v2, v8;
	v2 =	vld [tilespmem:$0x1FF90]  }
0xb8: {  	v10 =	vor.u32 v49, v8;
	v56 =	vmov v49;
	[tilespmem:v28+s18+$0x0] =	vst.idx.msk $0xffff, v16;
	v49 =	vor.u32 v1, v8;
	v1 =	vld [tilespmem:$0x1FF80]  }
0xb9: {  	v25 =	vld.idx.msk [tilespmem:v13+s14+$0x0], $0xffff  }
0xba: {  	v4 =	vld.idx.msk [tilespmem:v4+s14+$0x0], $0xffff  }
0xbb: {  	v13 =	vld.idx.msk [tilespmem:v19+s14+$0x0], $0xffff  }
0xbc: {  	v12 =	vor.u32 v2, v8;
	v2 =	vld [tilespmem:$0x1FD60]  }
0xbd: {  	v22 =	vld.idx.msk [tilespmem:v45+s14+$0x0], $0xffff  }
0xbe: {  	v6 =	vld.idx.msk [tilespmem:v6+s14+$0x0], $0xffff  }
0xbf: {  	v35 =	vld.idx.msk [tilespmem:v32+s14+$0x0], $0xffff  }
0xc0: {  	v14 =	vld.idx.msk [tilespmem:v47+s14+$0x0], $0xffff  }
0xc1: {  	v18 =	vor.u32 v59, v8;
	v29 =	vor.u32 v2, v8;
	v2 =	vld [tilespmem:$0x1FCE0]  }
0xc2: {  	v38 =	vld.idx.msk [tilespmem:v17+s14+$0x0], $0xffff  }
0xc3: {  	v30 =	vld.idx.msk [tilespmem:v46+s14+$0x0], $0xffff  }
0xc4: {  	v16 =	vor.u32 v61, v8;
	v32 =	vld.idx.msk [tilespmem:v48+s14+$0x0], $0xffff  }
0xc5: {  	v5 =	vld.idx.msk [tilespmem:v5+s14+$0x0], $0xffff;
	v1 =	vor.u32 v1, v8  }
0xc6: {  	v19 =	vld.idx.msk [tilespmem:v18+s14+$0x0], $0xffff;
	v11 =	vor.u32 v2, v8  }
0xc7: {  	v17 =	vld.idx.msk [tilespmem:v49+s14+$0x0], $0xffff  }
0xc8: {  	v37 =	vld.idx.msk [tilespmem:v9+s14+$0x0], $0xffff  }
0xc9: {  	v3 =	vor.u32 v57, v8;
	v9 =	vld.idx.msk [tilespmem:v16+s14+$0x0], $0xffff  }
0xca: {  	v2 =	vld.idx.msk [tilespmem:v1+s14+$0x0], $0xffff  }
0xcb: {  	v1 =	vld.idx.msk [tilespmem:v11+s14+$0x0], $0xffff  }
0xcc: {  	p1 =	sne.s32 s30, $0x1F;
	v11 =	vld.idx.msk [tilespmem:v10+s14+$0x0], $0xffff  }
.Ltmp0:
0xcd: {  	v10 =	vld.idx.msk [tilespmem:v12+s14+$0x0], $0xffff;
	(pc) =	sbr.rel @p1 .LBB2_3-.Ltmp0, $4  }
0xce: {  	v33 =	vor.u32 v62, v8;
	v12 =	vld.idx.msk [tilespmem:v3+s14+$0x0], $0xffff  }
0xcf: {  	v31 =	vor.u32 v53, v8;
	v24 =	vor.u32 v58, v0;
	v40 =	vor.u32 v60, v8;
	v3 =	vld.idx.msk [tilespmem:v7+s14+$0x0], $0xffff  }
0xd0: {  	v42 =	vmovc v57;
	v34 =	vor.u32 v50, v0;
	v44 =	vmov v59;
	v28 =	vmov v63;
	v7 =	vld.idx.msk [tilespmem:v23+s14+$0x0], $0xffff  }
0xd1: {  	s30 =	sadd.s32 $0x1, s30;
	v45 =	vmovc v51;
	v47 =	vmovc v54;
	v46 =	vmov v52;
	v48 =	vmov v55;
	v49 =	vmov v56;
	v23 =	vld.idx.msk [tilespmem:v29+s14+$0x0], $0xffff  }
0xd2: {  	_ =	sdelay $0x3  }
0xd3: {  	v16 =	vld.idx.msk [tilespmem:v41+s14+$0x0], $0xffff  }
0xd4: {  	v18 =	vld.idx.msk [tilespmem:v21+s14+$0x0], $0xffff  }
0xd5: {  	v20 =	vld.idx.msk [tilespmem:v39+s14+$0x0], $0xffff  }
0xd6: {  	v21 =	vld.idx.msk [tilespmem:v36+s14+$0x0], $0xffff  }
0xd7: {  	v26 =	vld.idx.msk [tilespmem:v40+s14+$0x0], $0xffff  }
0xd8: {  	v8 =	vor.u32 v28, v8;
	v28 =	vld.idx.msk [tilespmem:v33+s14+$0x0], $0xffff  }
0xd9: {  	v29 =	vld.idx.msk [tilespmem:v31+s14+$0x0], $0xffff  }
0xda: {  	v31 =	vld [tilespmem:$0x1FDE0]  }
0xdb: {  	v27 =	vld.idx.msk [tilespmem:v27+s14+$0x0], $0xffff  }
0xdc: {  	v61 =	vld [tilespmem:$0x1FDF0]  }
0xdd: {  	v8 =	vld.idx.msk [tilespmem:v8+s14+$0x0], $0xffff  }
0xde: {  	[tilespmem:v15+s18+$0x0] =	vst.idx.msk $0xffff, v25;
	v15 =	vld [tilespmem:$0x1FE00]  }
0xdf: {  	[tilespmem:v24+s18+$0x0] =	vst.idx.msk $0xffff, v35;
	v24 =	vld [tilespmem:$0x1FE10];
	_ =	sdelay $0x1  }
0xe0: {  	v31 =	vor.u32 v31, v0  }
0xe1: {  	v33 =	vor.u32 v61, v0  }
0xe2: {  	v15 =	vor.u32 v15, v0  }
0xe3: {  	v24 =	vor.u32 v24, v0  }
0xe4: {  	v25 =	vld [tilespmem:$0x1FE20];
	[tilespmem:v34+s18+$0x0] =	vst.idx.msk $0xffff, v37  }
0xe5: {  	[tilespmem:v31+s18+$0x0] =	vst.idx.msk $0xffff, v38;
	v31 =	vld [tilespmem:$0x1FE30]  }
0xe6: {  	[tilespmem:v33+s18+$0x0] =	vst.idx.msk $0xffff, v22;
	v22 =	vld [tilespmem:$0x1FE40]  }
0xe7: {  	[tilespmem:v15+s18+$0x0] =	vst.idx.msk $0xffff, v11;
	v11 =	vld [tilespmem:$0x1FE50]  }
0xe8: {  	[tilespmem:v24+s18+$0x0] =	vst.idx.msk $0xffff, v12;
	v12 =	vld [tilespmem:$0x1FE60]  }
0xe9: {  	v25 =	vor.u32 v25, v0  }
0xea: {  	v31 =	vor.u32 v31, v0  }
0xeb: {  	v22 =	vor.u32 v22, v0  }
0xec: {  	v11 =	vor.u32 v11, v0  }
0xed: {  	v12 =	vor.u32 v12, v0  }
0xee: {  	[tilespmem:v25+s18+$0x0] =	vst.idx.msk $0xffff, v13;
	v13 =	vld [tilespmem:$0x1FE70]  }
0xef: {  	[tilespmem:v31+s18+$0x0] =	vst.idx.msk $0xffff, v10;
	v10 =	vld [tilespmem:$0x1FE80]  }
0xf0: {  	v15 =	vld [tilespmem:$0x1FE90];
	[tilespmem:v22+s18+$0x0] =	vst.idx.msk $0xffff, v30  }
0xf1: {  	[tilespmem:v11+s18+$0x0] =	vst.idx.msk $0xffff, v14;
	v11 =	vld [tilespmem:$0x1FEA0]  }
0xf2: {  	[tilespmem:v12+s18+$0x0] =	vst.idx.msk $0xffff, v23;
	v12 =	vld [tilespmem:$0x1FEB0]  }
0xf3: {  	v13 =	vor.u32 v13, v0  }
0xf4: {  	v10 =	vor.u32 v10, v0  }
0xf5: {  	v15 =	vor.u32 v15, v0  }
0xf6: {  	v11 =	vor.u32 v11, v0  }
0xf7: {  	v12 =	vor.u32 v12, v0  }
0xf8: {  	[tilespmem:v13+s18+$0x0] =	vst.idx.msk $0xffff, v32;
	v13 =	vld [tilespmem:$0x1FEC0]  }
0xf9: {  	[tilespmem:v10+s18+$0x0] =	vst.idx.msk $0xffff, v17;
	v10 =	vld [tilespmem:$0x1FED0]  }
0xfa: {  	v14 =	vld [tilespmem:$0x1FEE0];
	[tilespmem:v15+s18+$0x0] =	vst.idx.msk $0xffff, v19  }
0xfb: {  	[tilespmem:v11+s18+$0x0] =	vst.idx.msk $0xffff, v2;
	v2 =	vld [tilespmem:$0x1FEF0]  }
0xfc: {  	[tilespmem:v12+s18+$0x0] =	vst.idx.msk $0xffff, v1;
	v1 =	vld [tilespmem:$0x1FF00]  }
0xfd: {  	v13 =	vor.u32 v13, v0  }
0xfe: {  	v10 =	vor.u32 v10, v0  }
0xff: {  	v14 =	vor.u32 v14, v0  }
0x100: {  	v2 =	vor.u32 v2, v0  }
0x101: {  	v1 =	vor.u32 v1, v0  }
0x102: {  	[tilespmem:v13+s18+$0x0] =	vst.idx.msk $0xffff, v6;
	v6 =	vld [tilespmem:$0x1FF10]  }
0x103: {  	[tilespmem:v10+s18+$0x0] =	vst.idx.msk $0xffff, v4;
	v4 =	vld [tilespmem:$0x1FCB0]  }
0x104: {  	[tilespmem:v14+s18+$0x0] =	vst.idx.msk $0xffff, v7;
	v7 =	vld [tilespmem:$0x1FF20]  }
0x105: {  	[tilespmem:v2+s18+$0x0] =	vst.idx.msk $0xffff, v5;
	v2 =	vld [tilespmem:$0x1FF60]  }
0x106: {  	[tilespmem:v1+s18+$0x0] =	vst.idx.msk $0xffff, v3;
	v1 =	vld [tilespmem:$0x1FFF0]  }
0x107: {  	v6 =	vor.u32 v6, v0  }
0x108: {  	v4 =	vor.u32 v4, v0  }
0x109: {  	v7 =	vor.u32 v7, v0  }
0x10a: {  	v2 =	vor.u32 v2, v0  }
0x10b: {  	v1 =	vor.u32 v1, v0  }
0x10c: {  	v3 =	vld [tilespmem:$0x1FF50];
	[tilespmem:v6+s18+$0x0] =	vst.idx.msk $0xffff, v9  }
0x10d: {  	[tilespmem:v4+s18+$0x0] =	vst.idx.msk $0xffff, v27;
	v4 =	vld [tilespmem:$0x1FF70]  }
0x10e: {  	v5 =	vld [tilespmem:$0x1FFE0];
	[tilespmem:v7+s18+$0x0] =	vst.idx.msk $0xffff, v29  }
0x10f: {  	[tilespmem:v2+s18+$0x0] =	vst.idx.msk $0xffff, v8;
	v2 =	vld [tilespmem:$0x1FFC0]  }
0x110: {  	[tilespmem:v1+s18+$0x0] =	vst.idx.msk $0xffff, v28;
	v1 =	vld [tilespmem:$0x1FFB0]  }
0x111: {  	v3 =	vor.u32 v3, v0  }
0x112: {  	v4 =	vor.u32 v4, v0  }
0x113: {  	v5 =	vor.u32 v5, v0  }
0x114: {  	v2 =	vor.u32 v2, v0  }
0x115: {  	v0 =	vor.u32 v1, v0  }
0x116: {  	s30 =	sadd.s32 s5, s29;
	[tilespmem:v3+s18+$0x0] =	vst.idx.msk $0xffff, v26  }
0x117: {  	s31 =	sshll.u32 s30, $0x9;
	[tilespmem:v4+s18+$0x0] =	vst.idx.msk $0xffff, v21  }
0x118: {  	s30 =	sshll.u32 s30, $0xB;
	s31 =	sand.u32 $0x3C00, s31;
	[tilespmem:v5+s18+$0x0] =	vst.idx.msk $0xffff, v20  }
0x119: {  	v43 =	vld [tilespmem:$0x1FF80];
	s29 =	sadd.s32 @!p0 s29, s10;
	s30 =	sand.u32 $0xFFF0000, s30;
	s31 =	sadd.s32 s3, s31;
	[tilespmem:v2+s18+$0x0] =	vst.idx.msk $0xffff, v18  }
0x11a: {  	v53 =	vld [tilespmem:$0x1FFD0];
	s29 =	sshll.u32 @!p0 s29, $0x6;
	s30 =	sadd.s32 s30, s31;
	[tilespmem:v0+s18+$0x0] =	vst.idx.msk $0xffff, v16  }
0x11b: {  	v58 =	vld [tilespmem:$0x1FF90];
	[hbm4b:s30+s19] =	stream.strided.scatter [tilespmem:s18], [sflag:$0x5], $0x4000, s20, s19, $0x38  }
0x11c: {  	v62 =	vld [tilespmem:$0x1FFA0];
	s29 =	sand.u32 @!p0 $0x1FFFFFC0, s29;
	_ =	swait.ge [sflag:s21], $0x4000  }
0x11d: {  	s29 =	sadd.s32 @!p0 s0, s29;
	[sflag:s21] =	ssyncset.done $0x0  }
0x11e: {  	s31 =	simm.s32 @!p0 $0x200;
	s30 =	simm.s32 @!p0 $0x0;
	[sflag:s21] =	ssyncadd.s32 $0xFFFFC000  }
0x11f: {  	[tilespmem:s31], [sflag:$0x2] =	stream.linear.gather @!p0 [hbm4b:s29+s30], $0x200, $0x38;
	[tilespmem:$0x10400] =	vst v63  }
0x120: {  	s29 =	simm.s32 @!p0 $0x1  }
0x121: {  	_ =	swait.ge @!p0 [sflag:s29], $0x200  }
0x122: {  	[sflag:s29] =	ssyncset.done @!p0 $0x0  }
0x123: {  	[sflag:s29] =	ssyncadd.s32 @!p0 $0xFFFFFE00;
	s29 =	simm.s32 @!p0 $0x400  }
0x124: {  	[tilespmem:s29], [sflag:$0x3] =	stream.indirect.gather @!p0 [hbm4b:s6+s31], $0x20, s30, s31, $0xb8;
	[tilespmem:$0x10400] =	vst v63  }
0x125: {  	p1 =	seq.s32 @!p0 s26, $0x0;
	v24 =	vlaneseq.u32;
	s29 =	simm.s32 $0x0  }
0x126: {  	p0 =	por p0, !p1;
	v0 =	vadd.s32 s29, v24  }
0x127: {  	_ =	swait.ge @p0 [sflag:s24], $0x4000;
	v8 =	vand.u32 $0x1F, v0  }
0x128: {  	v2 =	vld [tilespmem:$0x1FCE0];
	v1 =	vor.u32 v43, v8;
	_ =	sdelay $0x2  }
0x129: {  	[sflag:s24] =	ssyncset.done @p0 $0x0  }
0x12a: {  	[sflag:s24] =	ssyncadd.s32 @p0 $0xFFFFC000;
	v4 =	vor.u32 v49, v8  }
0x12b: {  	v3 =	vor.u32 v2, v8;
	v2 =	vld.idx.msk [tilespmem:v1+s17+$0x0], $0xffff  }
0x12c: {  	v1 =	vld [tilespmem:$0x1FD00];
	_ =	sdelay $0x2  }
0x12d: {  	v5 =	vor.u32 v45, v8;
	v11 =	vld.idx.msk [tilespmem:v4+s17+$0x0], $0xffff  }
0x12e: {  	v4 =	vld [tilespmem:$0x1FD30]  }
0x12f: {  	v9 =	vor.u32 v1, v8;
	v1 =	vld.idx.msk [tilespmem:v3+s17+$0x0], $0xffff;
	v3 =	vor.u32 v62, v8;
	_ =	sdelay $0x1  }
0x130: {  	v6 =	vor.u32 v58, v8  }
0x131: {  	v7 =	vor.u32 v42, v8;
	v26 =	vld.idx.msk [tilespmem:v5+s17+$0x0], $0xffff  }
0x132: {  	v5 =	vor.u32 v4, v8;
	v4 =	vld [tilespmem:$0x1FCF0]  }
0x133: {  	v13 =	vld.idx.msk [tilespmem:v3+s17+$0x0], $0xffff  }
0x134: {  	v3 =	vld [tilespmem:$0x1FD10]  }
0x135: {  	v10 =	vld.idx.msk [tilespmem:v6+s17+$0x0], $0xffff  }
0x136: {  	v12 =	vld.idx.msk [tilespmem:v7+s17+$0x0], $0xffff  }
0x137: {  	v6 =	vor.u32 v4, v8;
	v4 =	vld.idx.msk [tilespmem:v9+s17+$0x0], $0xffff  }
0x138: {  	v7 =	vor.u32 v46, v8;
	v9 =	vld [tilespmem:$0x1FD20]  }
0x139: {  	v16 =	vor.u32 v3, v8;
	v3 =	vld.idx.msk [tilespmem:v5+s17+$0x0], $0xffff  }
0x13a: {  	v5 =	vld [tilespmem:$0x1FF40];
	_ =	sdelay $0x2  }
0x13b: {  	v35 =	vld.idx.msk [tilespmem:v7+s17+$0x0], $0xffff  }
0x13c: {  	v7 =	vld [tilespmem:$0x1FD60]  }
0x13d: {  	v9 =	vor.u32 v9, v8;
	v17 =	vor.u32 v5, v8;
	v5 =	vld [tilespmem:$0x1FF30];
	_ =	sdelay $0x4  }
0x13e: {  	v19 =	vor.u32 v5, v8;
	v5 =	vld.idx.msk [tilespmem:v9+s17+$0x0], $0xffff;
	v9 =	vor.u32 v7, v8;
	_ =	sdelay $0x4  }
0x13f: {  	v23 =	vld.idx.msk [tilespmem:v9+s17+$0x0], $0xffff  }
0x140: {  	v9 =	vld [tilespmem:$0x1FDA0]  }
0x141: {  	v14 =	vor.u32 v48, v8  }
0x142: {  	v15 =	vor.u32 v53, v8;
	_ =	sdelay $0x2  }
0x143: {  	v21 =	vor.u32 v9, v8;
	v9 =	vld [tilespmem:$0x1FD50]  }
0x144: {  	v22 =	vld.idx.msk [tilespmem:v14+s17+$0x0], $0xffff  }
0x145: {  	v14 =	vld.idx.msk [tilespmem:v15+s17+$0x0], $0xffff  }
0x146: {  	v15 =	vld [tilespmem:$0x1FD40]  }
0x147: {  	v7 =	vld [tilespmem:$0x1FCC0]  }
0x148: {  	v28 =	vor.u32 v9, v8;
	v9 =	vld [tilespmem:$0x1FC90];
	_ =	sdelay $0x3  }
0x149: {  	v20 =	vor.u32 v7, v8;
	v7 =	vld.idx.msk [tilespmem:v16+s17+$0x0], $0xffff  }
0x14a: {  	v16 =	vor.u32 v15, v8;
	v31 =	vor.u32 v9, v8;
	v9 =	vld [tilespmem:$0x1FD70];
	_ =	sdelay $0x4  }
0x14b: {  	v33 =	vor.u32 v9, v8;
	v9 =	vld.idx.msk [tilespmem:v16+s17+$0x0], $0xffff  }
0x14c: {  	v16 =	vld [tilespmem:$0x1FDC0];
	_ =	sdelay $0x1  }
0x14d: {  	v15 =	vshll.u32 v0, $0x9;
	v0 =	vshll.u32 v0, $0x7  }
0x14e: {  	v15 =	vand.u32 $0x3000, v15;
	v0 =	vand.u32 $0x380, v0  }
0x14f: {  	v0 =	vor.u32 v0, v15  }
0x150: {  	v15 =	vor.u32 v24, v0;
	v24 =	vor.u32 v16, v0;
	v16 =	vld [tilespmem:$0x1FD80];
	_ =	sdelay $0x4  }
0x151: {  	v36 =	vor.u32 v16, v8;
	v16 =	vld [tilespmem:$0x1FD90];
	_ =	sdelay $0x3  }
0x152: {  	v50 =	vld [tilespmem:$0x1FE00]  }
0x153: {  	v39 =	vor.u32 v16, v8;
	v16 =	vld [tilespmem:$0x1FDB0]  }
0x154: {  	v60 =	vld [tilespmem:$0x1FE10]  }
0x155: {  	v61 =	vld [tilespmem:$0x1FE20]  }
0x156: {  	v18 =	vor.u32 v47, v8;
	v37 =	vld.idx.msk [tilespmem:v17+s17+$0x0], $0xffff  }
0x157: {  	v17 =	vld [tilespmem:$0x1FCD0]  }
0x158: {  	v41 =	vor.u32 v16, v8;
	v16 =	vld [tilespmem:$0x1FCA0]  }
0x159: {  	v58 =	vld [tilespmem:$0x1FDE0]  }
0x15a: {  	v53 =	vld [tilespmem:$0x1FE30]  }
0x15b: {  	v25 =	vor.u32 v44, v8;
	v38 =	vld.idx.msk [tilespmem:v18+s17+$0x0], $0xffff  }
0x15c: {  	v62 =	vld [tilespmem:$0x1FDF0]  }
0x15d: {  	v18 =	vor.u32 v17, v8;
	v40 =	vor.u32 v16, v8;
	v16 =	vld [tilespmem:$0x1FDD0]  }
0x15e: {  	v6 =	vld.idx.msk [tilespmem:v6+s17+$0x0], $0xffff  }
0x15f: {  	v30 =	vld.idx.msk [tilespmem:v19+s17+$0x0], $0xffff  }
0x160: {  	v19 =	vld.idx.msk [tilespmem:v25+s17+$0x0], $0xffff  }
0x161: {  	v17 =	vld.idx.msk [tilespmem:v20+s17+$0x0], $0xffff  }
0x162: {  	s29 =	simm.s32 $0x1;
	v32 =	vld.idx.msk [tilespmem:v18+s17+$0x0], $0xffff;
	v34 =	vor.u32 v16, v0  }
.LBB2_5:
0x163: {  	v25 =	vld.idx.msk [tilespmem:v36+s17+$0x0], $0xffff  }
0x164: {  	v36 =	vld.idx.msk [tilespmem:v28+s17+$0x0], $0xffff  }
0x165: {  	v28 =	vld [tilespmem:$0x1FFE0];
	_ =	sdelay $0x3  }
0x166: {  	v16 =	vld.idx.msk [tilespmem:v41+s17+$0x0], $0xffff  }
0x167: {  	v43 =	vor.u32 v28, v0;
	v28 =	vld [tilespmem:$0x1FFC0]  }
0x168: {  	v8 =	vor.u32 v63, v8;
	v18 =	vld.idx.msk [tilespmem:v21+s17+$0x0], $0xffff  }
0x169: {  	v21 =	vld [tilespmem:$0x1FFB0]  }
0x16a: {  	v20 =	vld.idx.msk [tilespmem:v39+s17+$0x0], $0xffff  }
0x16b: {  	v29 =	vld.idx.msk [tilespmem:v40+s17+$0x0], $0xffff  }
0x16c: {  	v44 =	vor.u32 v28, v0;
	v28 =	vld [tilespmem:$0x1FF50]  }
0x16d: {  	v40 =	vld.idx.msk [tilespmem:v8+s17+$0x0], $0xffff;
	v8 =	vor.u32 v58, v0  }
0x16e: {  	v42 =	vld.idx.msk [tilespmem:v33+s17+$0x0], $0xffff;
	v27 =	vor.u32 v21, v0;
	v21 =	vor.u32 v62, v0  }
0x16f: {  	v41 =	vld.idx.msk [tilespmem:v31+s17+$0x0], $0xffff;
	[tilespmem:v15+s22+$0x0] =	vst.idx.msk $0xffff, v26;
	v15 =	vor.u32 v50, v0  }
0x170: {  	[tilespmem:v24+s22+$0x0] =	vst.idx.msk $0xffff, v35;
	v24 =	vor.u32 v60, v0  }
0x171: {  	[tilespmem:v34+s22+$0x0] =	vst.idx.msk $0xffff, v37;
	v35 =	vor.u32 v28, v0;
	v28 =	vor.u32 v61, v0  }
0x172: {  	[tilespmem:v8+s22+$0x0] =	vst.idx.msk $0xffff, v38;
	v8 =	vor.u32 v53, v0  }
0x173: {  	[tilespmem:v21+s22+$0x0] =	vst.idx.msk $0xffff, v22  }
0x174: {  	[tilespmem:v15+s22+$0x0] =	vst.idx.msk $0xffff, v11  }
0x175: {  	v31 =	vld [tilespmem:$0x1FFF0];
	[tilespmem:v24+s22+$0x0] =	vst.idx.msk $0xffff, v12  }
0x176: {  	v15 =	vld [tilespmem:$0x1FCB0];
	[tilespmem:v28+s22+$0x0] =	vst.idx.msk $0xffff, v13  }
0x177: {  	[tilespmem:v8+s22+$0x0] =	vst.idx.msk $0xffff, v10;
	v8 =	vld [tilespmem:$0x1FE80];
	_ =	sdelay $0x2  }
0x178: {  	v34 =	vor.u32 v31, v0;
	v31 =	vld [tilespmem:$0x1FF60]  }
0x179: {  	v38 =	vor.u32 v15, v0;
	v15 =	vld [tilespmem:$0x1FF10]  }
0x17a: {  	v10 =	vor.u32 v8, v0;
	v8 =	vld [tilespmem:$0x1FEF0];
	_ =	sdelay $0x2  }
0x17b: {  	v21 =	vld [tilespmem:$0x1FE40]  }
0x17c: {  	v24 =	vor.u32 v15, v0;
	v15 =	vld [tilespmem:$0x1FF00]  }
0x17d: {  	v37 =	vor.u32 v31, v0;
	v31 =	vor.u32 v8, v0;
	v8 =	vld [tilespmem:$0x1FE90];
	_ =	sdelay $0x3  }
0x17e: {  	v11 =	vld [tilespmem:$0x1FE50]  }
0x17f: {  	v21 =	vor.u32 v21, v0;
	v28 =	vor.u32 v15, v0;
	v15 =	vor.u32 v8, v0;
	v8 =	vld [tilespmem:$0x1FEE0];
	_ =	sdelay $0x4  }
0x180: {  	v11 =	vor.u32 v11, v0;
	[tilespmem:v21+s22+$0x0] =	vst.idx.msk $0xffff, v30;
	v30 =	vor.u32 v8, v0;
	v8 =	vld [tilespmem:$0x1FEA0];
	_ =	sdelay $0x1  }
0x181: {  	v12 =	vld [tilespmem:$0x1FE60]  }
0x182: {  	v13 =	vld [tilespmem:$0x1FE70];
	_ =	sdelay $0x1  }
0x183: {  	[tilespmem:v11+s22+$0x0] =	vst.idx.msk $0xffff, v14;
	v11 =	vor.u32 v8, v0;
	v8 =	vld [tilespmem:$0x1FED0];
	_ =	sdelay $0x1  }
0x184: {  	v12 =	vor.u32 v12, v0  }
0x185: {  	v13 =	vor.u32 v13, v0;
	_ =	sdelay $0x1  }
0x186: {  	v14 =	vor.u32 v8, v0;
	v8 =	vld [tilespmem:$0x1FEB0];
	_ =	sdelay $0x1  }
0x187: {  	[tilespmem:v12+s22+$0x0] =	vst.idx.msk $0xffff, v23  }
0x188: {  	[tilespmem:v13+s22+$0x0] =	vst.idx.msk $0xffff, v32  }
0x189: {  	[tilespmem:v10+s22+$0x0] =	vst.idx.msk $0xffff, v17  }
0x18a: {  	[tilespmem:v15+s22+$0x0] =	vst.idx.msk $0xffff, v19;
	v12 =	vor.u32 v8, v0;
	v8 =	vld [tilespmem:$0x1FEC0]  }
0x18b: {  	[tilespmem:v11+s22+$0x0] =	vst.idx.msk $0xffff, v2;
	v2 =	vld [tilespmem:$0x1FFA0];
	_ =	sdelay $0x1  }
0x18c: {  	s30 =	smov.u32 s29;
	v39 =	vlaneseq.u32  }
0x18d: {  	v21 =	vadd.s32 s30, v39  }
0x18e: {  	v23 =	vor.u32 v8, v0;
	v8 =	vand.u32 $0x1F, v21  }
0x18f: {  	v19 =	vor.u32 v2, v8;
	v2 =	vld [tilespmem:$0x1FCF0];
	_ =	sdelay $0x3  }
0x190: {  	[tilespmem:v12+s22+$0x0] =	vst.idx.msk $0xffff, v1  }
0x191: {  	[tilespmem:v23+s22+$0x0] =	vst.idx.msk $0xffff, v6;
	v6 =	vor.u32 v2, v8;
	v2 =	vld [tilespmem:$0x1FD00];
	_ =	sdelay $0x4  }
0x192: {  	[tilespmem:v14+s22+$0x0] =	vst.idx.msk $0xffff, v4;
	v4 =	vor.u32 v2, v8;
	v2 =	vld [tilespmem:$0x1FD20];
	_ =	sdelay $0x3  }
0x193: {  	[tilespmem:v30+s22+$0x0] =	vst.idx.msk $0xffff, v7  }
0x194: {  	[tilespmem:v31+s22+$0x0] =	vst.idx.msk $0xffff, v5;
	v5 =	vor.u32 v2, v8;
	v2 =	vld [tilespmem:$0x1FD30];
	_ =	sdelay $0x4  }
0x195: {  	v7 =	vor.u32 v2, v8;
	v2 =	vld [tilespmem:$0x1FD50];
	_ =	sdelay $0x4  }
0x196: {  	[tilespmem:v28+s22+$0x0] =	vst.idx.msk $0xffff, v3;
	v28 =	vor.u32 v2, v8;
	v2 =	vld [tilespmem:$0x1FC90];
	_ =	sdelay $0x1  }
0x197: {  	v26 =	vld [tilespmem:$0x1FF70]  }
0x198: {  	v22 =	vld [tilespmem:$0x1FF20]  }
0x199: {  	v15 =	vld [tilespmem:$0x1FDA0]  }
0x19a: {  	v31 =	vor.u32 v2, v8;
	v2 =	vld [tilespmem:$0x1FD70];
	_ =	sdelay $0x2  }
0x19b: {  	v26 =	vor.u32 v26, v0  }
0x19c: {  	v22 =	vor.u32 v22, v0;
	v33 =	vshll.u32 v21, $0x7;
	v0 =	vshll.u32 v21, $0x9  }
0x19d: {  	v21 =	vor.u32 v15, v8;
	v15 =	vand.u32 $0x380, v33;
	v33 =	vor.u32 v2, v8;
	v2 =	vld [tilespmem:$0x1FDC0];
	_ =	sdelay $0x2  }
0x19e: {  	v0 =	vand.u32 $0x3000, v0  }
0x19f: {  	v0 =	vor.u32 v15, v0  }
0x1a0: {  	[tilespmem:v24+s22+$0x0] =	vst.idx.msk $0xffff, v9;
	v24 =	vor.u32 v2, v0;
	v2 =	vld [tilespmem:$0x1FD80];
	_ =	sdelay $0x4  }
0x1a1: {  	[tilespmem:v38+s22+$0x0] =	vst.idx.msk $0xffff, v36;
	v36 =	vor.u32 v2, v8;
	v2 =	vld [tilespmem:$0x1FD90];
	_ =	sdelay $0x4  }
0x1a2: {  	v15 =	vor.u32 v39, v0;
	v39 =	vor.u32 v2, v8;
	v2 =	vld [tilespmem:$0x1FF40]  }
0x1a3: {  	v1 =	vld [tilespmem:$0x1FF30];
	_ =	sdelay $0x3  }
0x1a4: {  	v9 =	vor.u32 v2, v8;
	v2 =	vld [tilespmem:$0x1FDB0]  }
0x1a5: {  	v32 =	vor.u32 v46, v8;
	v46 =	vor.u32 v1, v8;
	v1 =	vld [tilespmem:$0x1FFD0];
	_ =	sdelay $0x3  }
0x1a6: {  	[tilespmem:v22+s22+$0x0] =	vst.idx.msk $0xffff, v41;
	v41 =	vor.u32 v2, v8;
	v2 =	vld [tilespmem:$0x1FD10]  }
0x1a7: {  	v17 =	vor.u32 v47, v8;
	v47 =	vor.u32 v1, v8;
	v1 =	vld [tilespmem:$0x1FCD0];
	_ =	sdelay $0x3  }
0x1a8: {  	v13 =	vor.u32 v45, v8;
	[tilespmem:v37+s22+$0x0] =	vst.idx.msk $0xffff, v40;
	v23 =	vor.u32 v2, v8;
	v2 =	vld [tilespmem:$0x1FCA0]  }
0x1a9: {  	v45 =	vor.u32 v48, v8;
	[tilespmem:v34+s22+$0x0] =	vst.idx.msk $0xffff, v42;
	v48 =	vor.u32 v1, v8;
	v1 =	vld [tilespmem:$0x1FCC0]  }
0x1aa: {  	[tilespmem:v35+s22+$0x0] =	vst.idx.msk $0xffff, v29  }
0x1ab: {  	[tilespmem:v26+s22+$0x0] =	vst.idx.msk $0xffff, v25  }
0x1ac: {  	[tilespmem:v43+s22+$0x0] =	vst.idx.msk $0xffff, v20;
	v43 =	vld [tilespmem:$0x1FD40]  }
0x1ad: {  	[tilespmem:v44+s22+$0x0] =	vst.idx.msk $0xffff, v18;
	v40 =	vor.u32 v2, v8;
	v2 =	vld [tilespmem:$0x1FF90]  }
0x1ae: {  	v10 =	vor.u32 v49, v8;
	[tilespmem:v27+s22+$0x0] =	vst.idx.msk $0xffff, v16;
	v49 =	vor.u32 v1, v8;
	v1 =	vld [tilespmem:$0x1FF80]  }
0x1af: {  	v26 =	vld.idx.msk [tilespmem:v13+s17+$0x0], $0xffff  }
0x1b0: {  	v4 =	vld.idx.msk [tilespmem:v4+s17+$0x0], $0xffff  }
0x1b1: {  	v13 =	vld.idx.msk [tilespmem:v19+s17+$0x0], $0xffff  }
0x1b2: {  	v12 =	vor.u32 v2, v8;
	v2 =	vld [tilespmem:$0x1FD60]  }
0x1b3: {  	v22 =	vld.idx.msk [tilespmem:v45+s17+$0x0], $0xffff  }
0x1b4: {  	v6 =	vld.idx.msk [tilespmem:v6+s17+$0x0], $0xffff  }
0x1b5: {  	v35 =	vld.idx.msk [tilespmem:v32+s17+$0x0], $0xffff  }
0x1b6: {  	v14 =	vld.idx.msk [tilespmem:v47+s17+$0x0], $0xffff  }
0x1b7: {  	v29 =	vor.u32 v2, v8;
	v2 =	vld [tilespmem:$0x1FCE0]  }
0x1b8: {  	v18 =	vor.u32 v59, v8;
	v38 =	vld.idx.msk [tilespmem:v17+s17+$0x0], $0xffff  }
0x1b9: {  	v30 =	vld.idx.msk [tilespmem:v46+s17+$0x0], $0xffff  }
0x1ba: {  	v32 =	vld.idx.msk [tilespmem:v48+s17+$0x0], $0xffff  }
0x1bb: {  	v5 =	vld.idx.msk [tilespmem:v5+s17+$0x0], $0xffff;
	v16 =	vor.u32 v43, v8  }
0x1bc: {  	v1 =	vor.u32 v1, v8;
	v11 =	vor.u32 v2, v8;
	v2 =	vld [tilespmem:$0x1FDD0]  }
0x1bd: {  	v19 =	vld.idx.msk [tilespmem:v18+s17+$0x0], $0xffff  }
0x1be: {  	v17 =	vld.idx.msk [tilespmem:v49+s17+$0x0], $0xffff  }
0x1bf: {  	v37 =	vld.idx.msk [tilespmem:v9+s17+$0x0], $0xffff  }
0x1c0: {  	v3 =	vor.u32 v57, v8;
	v9 =	vld.idx.msk [tilespmem:v16+s17+$0x0], $0xffff  }
0x1c1: {  	v34 =	vor.u32 v2, v0;
	v2 =	vld.idx.msk [tilespmem:v1+s17+$0x0], $0xffff  }
0x1c2: {  	v1 =	vld.idx.msk [tilespmem:v11+s17+$0x0], $0xffff  }
0x1c3: {  	p0 =	sne.s32 s29, $0x1F;
	v11 =	vld.idx.msk [tilespmem:v10+s17+$0x0], $0xffff  }
.Ltmp1:
0x1c4: {  	v10 =	vld.idx.msk [tilespmem:v12+s17+$0x0], $0xffff;
	(pc) =	sbr.rel @p0 .LBB2_5-.Ltmp1, $4  }
0x1c5: {  	v12 =	vld.idx.msk [tilespmem:v3+s17+$0x0], $0xffff  }
0x1c6: {  	v3 =	vld.idx.msk [tilespmem:v7+s17+$0x0], $0xffff  }
0x1c7: {  	v7 =	vld.idx.msk [tilespmem:v23+s17+$0x0], $0xffff  }
0x1c8: {  	s29 =	sadd.s32 $0x1, s29;
	v45 =	vmovc v51;
	v47 =	vmovc v54;
	v46 =	vmov v52;
	v48 =	vmov v55;
	v49 =	vmov v56;
	v23 =	vld.idx.msk [tilespmem:v29+s17+$0x0], $0xffff  }
0x1c9: {  	_ =	sdelay $0x3  }
0x1ca: {  	v16 =	vld.idx.msk [tilespmem:v41+s17+$0x0], $0xffff  }
0x1cb: {  	v54 =	vld.idx.msk [tilespmem:v21+s17+$0x0], $0xffff  }
0x1cc: {  	v51 =	vld.idx.msk [tilespmem:v39+s17+$0x0], $0xffff  }
0x1cd: {  	v56 =	vld.idx.msk [tilespmem:v36+s17+$0x0], $0xffff  }
0x1ce: {  	v52 =	vld.idx.msk [tilespmem:v40+s17+$0x0], $0xffff  }
0x1cf: {  	v55 =	vld.idx.msk [tilespmem:v33+s17+$0x0], $0xffff  }
0x1d0: {  	v40 =	vld.idx.msk [tilespmem:v31+s17+$0x0], $0xffff  }
0x1d1: {  	v8 =	vor.u32 v63, v8;
	v28 =	vld.idx.msk [tilespmem:v28+s17+$0x0], $0xffff  }
0x1d2: {  	v42 =	vmov v57;
	v57 =	vld [tilespmem:$0x1FE40]  }
0x1d3: {  	v44 =	vmov v59;
	v59 =	vld [tilespmem:$0x1FE50]  }
0x1d4: {  	v31 =	vor.u32 v58, v0;
	v18 =	vld [tilespmem:$0x1FE70]  }
0x1d5: {  	v41 =	vor.u32 v62, v0;
	v62 =	vld [tilespmem:$0x1FE80]  }
0x1d6: {  	v8 =	vld.idx.msk [tilespmem:v8+s17+$0x0], $0xffff;
	[tilespmem:v15+s22+$0x0] =	vst.idx.msk $0xffff, v26;
	v15 =	vor.u32 v50, v0  }
0x1d7: {  	v26 =	vor.u32 v61, v0;
	v61 =	vld [tilespmem:$0x1FE60];
	[tilespmem:v24+s22+$0x0] =	vst.idx.msk $0xffff, v35;
	v24 =	vor.u32 v60, v0  }
0x1d8: {  	v20 =	vmov v63;
	v63 =	vld [tilespmem:$0x1FE90];
	[tilespmem:v34+s22+$0x0] =	vst.idx.msk $0xffff, v37  }
0x1d9: {  	v33 =	vld [tilespmem:$0x1FEB0];
	[tilespmem:v31+s22+$0x0] =	vst.idx.msk $0xffff, v38;
	v31 =	vor.u32 v53, v0  }
0x1da: {  	v27 =	vld [tilespmem:$0x1FEE0];
	v58 =	vor.u32 v57, v0;
	[tilespmem:v41+s22+$0x0] =	vst.idx.msk $0xffff, v22  }
0x1db: {  	v22 =	vld [tilespmem:$0x1FEA0];
	[tilespmem:v15+s22+$0x0] =	vst.idx.msk $0xffff, v11;
	v11 =	vor.u32 v59, v0  }
0x1dc: {  	v39 =	vld [tilespmem:$0x1FF10];
	[tilespmem:v24+s22+$0x0] =	vst.idx.msk $0xffff, v12;
	v12 =	vor.u32 v61, v0  }
0x1dd: {  	v36 =	vld [tilespmem:$0x1FCD0];
	[tilespmem:v26+s22+$0x0] =	vst.idx.msk $0xffff, v13;
	v13 =	vor.u32 v18, v0  }
0x1de: {  	v50 =	vld [tilespmem:$0x1FF20];
	[tilespmem:v31+s22+$0x0] =	vst.idx.msk $0xffff, v10;
	v10 =	vor.u32 v62, v0  }
0x1df: {  	v34 =	vld [tilespmem:$0x1FEC0];
	v15 =	vor.u32 v63, v0;
	[tilespmem:v58+s22+$0x0] =	vst.idx.msk $0xffff, v30  }
0x1e0: {  	v35 =	vld [tilespmem:$0x1FED0];
	[tilespmem:v11+s22+$0x0] =	vst.idx.msk $0xffff, v14;
	v11 =	vor.u32 v22, v0  }
0x1e1: {  	v57 =	vld [tilespmem:$0x1FFF0];
	[tilespmem:v12+s22+$0x0] =	vst.idx.msk $0xffff, v23  }
0x1e2: {  	v37 =	vld [tilespmem:$0x1FCC0];
	[tilespmem:v13+s22+$0x0] =	vst.idx.msk $0xffff, v32  }
0x1e3: {  	v38 =	vld [tilespmem:$0x1FF00];
	v12 =	vor.u32 v33, v0;
	[tilespmem:v10+s22+$0x0] =	vst.idx.msk $0xffff, v17  }
0x1e4: {  	v41 =	vor.u32 v39, v0;
	v39 =	vld [tilespmem:$0x1FD50];
	v13 =	vor.u32 v34, v0;
	[tilespmem:v15+s22+$0x0] =	vst.idx.msk $0xffff, v19  }
0x1e5: {  	v10 =	vor.u32 v35, v0;
	[tilespmem:v11+s22+$0x0] =	vst.idx.msk $0xffff, v2;
	v11 =	vld [tilespmem:$0x1FEF0]  }
0x1e6: {  	v59 =	vld [tilespmem:$0x1FFC0]  }
0x1e7: {  	v53 =	vor.u32 v50, v0;
	v50 =	vld [tilespmem:$0x1FDB0];
	v14 =	vor.u32 v27, v0  }
0x1e8: {  	v24 =	vld [tilespmem:$0x1FFE0];
	[tilespmem:v12+s22+$0x0] =	vst.idx.msk $0xffff, v1  }
0x1e9: {  	v31 =	vld [tilespmem:$0x1FDA0];
	[tilespmem:v13+s22+$0x0] =	vst.idx.msk $0xffff, v6  }
0x1ea: {  	[tilespmem:v10+s22+$0x0] =	vst.idx.msk $0xffff, v4;
	v4 =	vld [tilespmem:$0x1FCB0];
	v2 =	vor.u32 v11, v0  }
0x1eb: {  	v58 =	vld [tilespmem:$0x1FF70];
	v1 =	vor.u32 v38, v0  }
0x1ec: {  	[tilespmem:v14+s22+$0x0] =	vst.idx.msk $0xffff, v7;
	v14 =	vld [tilespmem:$0x1FF60]  }
0x1ed: {  	v32 =	vld [tilespmem:$0x1FF30]  }
0x1ee: {  	v17 =	vld [tilespmem:$0x1FF40]  }
0x1ef: {  	v15 =	vld [tilespmem:$0x1FD30];
	v4 =	vor.u32 v4, v0;
	[tilespmem:v2+s22+$0x0] =	vst.idx.msk $0xffff, v5  }
0x1f0: {  	v38 =	vld [tilespmem:$0x1FFD0];
	[tilespmem:v1+s22+$0x0] =	vst.idx.msk $0xffff, v3  }
0x1f1: {  	v2 =	vor.u32 v14, v0;
	[tilespmem:v41+s22+$0x0] =	vst.idx.msk $0xffff, v9;
	v9 =	vld [tilespmem:$0x1FF50]  }
0x1f2: {  	v12 =	vld [tilespmem:$0x1FCF0]  }
0x1f3: {  	v13 =	vld [tilespmem:$0x1FD20]  }
0x1f4: {  	v10 =	vld [tilespmem:$0x1FFA0];
	v1 =	vor.u32 v57, v0;
	[tilespmem:v4+s22+$0x0] =	vst.idx.msk $0xffff, v28  }
0x1f5: {  	v57 =	vld [tilespmem:$0x1FD70];
	[tilespmem:v53+s22+$0x0] =	vst.idx.msk $0xffff, v40  }
0x1f6: {  	[tilespmem:v2+s22+$0x0] =	vst.idx.msk $0xffff, v8;
	v8 =	vld [tilespmem:$0x1FFB0];
	v3 =	vor.u32 v9, v0  }
0x1f7: {  	v41 =	vld [tilespmem:$0x1FD90]  }
0x1f8: {  	[tilespmem:$0x1FC80] =	vst v16;
	v4 =	vor.u32 v58, v0;
	v40 =	vld [tilespmem:$0x1FD10]  }
0x1f9: {  	v5 =	vor.u32 v24, v0;
	[tilespmem:v1+s22+$0x0] =	vst.idx.msk $0xffff, v55;
	v1 =	vld [tilespmem:$0x1FC80]  }
0x1fa: {  	v2 =	vor.u32 v59, v0;
	v55 =	vld [tilespmem:$0x1FDC0]  }
0x1fb: {  	s26 =	sadd.s32 $0x1, s26;
	v0 =	vor.u32 v8, v0;
	[tilespmem:v3+s22+$0x0] =	vst.idx.msk $0xffff, v52;
	v3 =	vld [tilespmem:$0x1FCE0]  }
0x1fc: {  	s28 =	sadd.s32 s5, s28;
	p0 =	sne.s32 s26, $0x64;
	v52 =	vld [tilespmem:$0x1FD00]  }
.Ltmp2:
0x1fd: {  	s29 =	sshll.u32 s28, $0x9;
	[tilespmem:v4+s22+$0x0] =	vst.idx.msk $0xffff, v56;
	v56 =	vld [tilespmem:$0x1FDD0];
	(pc) =	sbr.rel @p0 .LBB2_2-.Ltmp2, $4  }
0x1fe: {  	s28 =	sshll.u32 s28, $0xB;
	s29 =	sand.u32 $0x3E00, s29;
	[tilespmem:v5+s22+$0x0] =	vst.idx.msk $0xffff, v51;
	v51 =	vld [tilespmem:$0x1FD60]  }
0x1ff: {  	s28 =	sand.u32 $0xFFF0000, s28;
	s29 =	sadd.s32 s3, s29;
	[tilespmem:v2+s22+$0x0] =	vst.idx.msk $0xffff, v54;
	v2 =	vld [tilespmem:$0x1FF90]  }
0x200: {  	s28 =	sadd.s32 s28, s29;
	v54 =	vld [tilespmem:$0x1FD80];
	[tilespmem:v0+s22+$0x0] =	vst.idx.msk $0xffff, v1  }
0x201: {  	v24 =	vlaneseq.u32;
	v28 =	vmov v20;
	v1 =	vld [tilespmem:$0x1FF80];
	[hbm4b:s28+s19] =	stream.strided.scatter [tilespmem:s22], [sflag:$0x6], $0x4000, s20, s19, $0x38  }
0x202: {  	s25 =	sadd.s32 $0x1, s25  }
0x203: {  	_ =	swait.ge [sflag:s23], $0x4000;
	p0 =	sne.s32 s25, s11  }
.Ltmp3:
0x204: {  	[sflag:s23] =	ssyncset.done $0x0;
	(pc) =	sbr.rel @p0 .LBB2_1-.Ltmp3, $4  }
0x205: {  	[sflag:s23] =	ssyncadd.s32 $0xFFFFC000  }
0x206: {  	_ =	swait.ge [sflag:s24], $0x4000  }
0x207: {  	[sflag:s24] =	ssyncset.done $0x0  }
0x208: {  	[sflag:s24] =	ssyncadd.s32 $0xFFFFC000  }
0x209: {  	_ =	sfence.sel $0x180000  }
0x20a: {  	[bflag:$0x0] =	sbarrier.arrive $0xFFFF  }
0x20b: {  	p0 =	sne.s32 s1, $0x0;
	_ =	strace $0x90000047  }
0x20c: {  	s0 =	sadd.s32 @!p0 $0x100000, s2;
	[bflag:$0x2] =	sbarrier.arrive $0xFFFF  }
0x20d: {  	[sflag:s0] =	ssyncadd.tile.s32 @!p0 $0x1;
	_ =	shalt  }
.Lfunc_end2:
_tile_overlayer_lowered:
.L_overlay_start_2:
0x20e: {  	(tag) =	ssettag $0x2  }
0x20f: {  	s0 =	rddreg [dreg:$0x0];
	s2 =	stileid.u32  }
0x210: {  	s1 =	rddreg [dreg:$0x1];
	p0 =	sne.s32 s2, $0x0  }
0x211: {  	s3 =	rddreg [dreg:$0x2];
	[bflag:$0x3] =	sbarrier.arrive $0xFFFF;
	s2 =	simm.s32 @!p0 $0x1C07  }
0x212: {  	[timem:s3], [sflag:s2] =	dma.local @!p0 [hbm:s0], s1  }
0x213: {  	s0 =	simm.s32 @!p0 $0x7  }
0x214: {  	_ =	swait.ge @!p0 [sflag:s0], s1  }
0x215: {  	s1 =	ssub.s32 @!p0 $0x0, s1;
	[sflag:s0] =	ssyncset.done @!p0 $0x0  }
0x216: {  	[sflag:s0] =	ssyncadd.s32 @!p0 s1  }
0x217: {  	[bflag:$0x3] =	sbarrier.arrive $0xFFFF  }
0x218: {  	_ =	shalt  }

</sc_bundles>
